<compile_context>
chip_gen: v7x
topology: tpu7x:2x2x1
jax: 0.10.2.dev20260603
libtpu: 0.0.44.dev20260713+nightly
codegen_flags: <defaults>
</compile_context>

<pallas_src>
import functools

import jax
import jax.numpy as jnp
from jax import lax
from jax.experimental import pallas as pl
from jax.experimental.pallas import tpu as pltpu
from jax.experimental.pallas import tpu_sc as plsc

_B = 128
_N = 64
_E = 131072
_L = 48
_V = 500
_NODE = 160
_NH = 128
_NET = 4
_PH = 256
_LAT = 64
_T = 4
_VP = 512
_NEG = -1e30

_f32 = jnp.float32
_i32 = jnp.int32


def _latent_body(conds, wm, wmb, wv, wvb, l2h, l2hb, eps, z_o, h0_o, kl_o):
    c = conds[...]
    zm = jnp.dot(c, wm[...], preferred_element_type=_f32) + wmb[...]
    zlv = -jnp.abs(jnp.dot(c, wv[...], preferred_element_type=_f32) + wvb[...])
    kl_o[0, 0] = -0.5 * jnp.sum(1.0 + zlv - zm * zm - jnp.exp(zlv)) / _B
    z = zm + jnp.exp(zlv * 0.5) * eps[...]
    z_o[...] = z
    h0_o[...] = jnp.dot(z, l2h[...], preferred_element_type=_f32) + l2hb[...]


def _gru_body(xs, h0, wih, whh, bih, bhh, ys, gis):
    whh_v = whh[...]
    bih_v = bih[...]
    bhh_v = bhh[...]
    gis[...] = jnp.dot(xs[...].reshape((_L - 1) * _B, _LAT), wih[...],
                       preferred_element_type=_f32).reshape(_L - 1, _B, 3 * _PH)

    def step(t, h):
        gi = gis[t] + bih_v
        gh = jnp.dot(h, whh_v, preferred_element_type=_f32) + bhh_v
        r = jax.nn.sigmoid(gi[:, :_PH] + gh[:, :_PH])
        zz = jax.nn.sigmoid(gi[:, _PH:2 * _PH] + gh[:, _PH:2 * _PH])
        n = jnp.tanh(gi[:, 2 * _PH:] + r * gh[:, 2 * _PH:])
        hn = (1.0 - zz) * n + zz * h
        ys[t] = hn
        return hn

    lax.fori_loop(0, _L - 1, step, h0[...])


def _piece_loss_body(ys, vw, vb, gold, out):
    vw_v = vw[...]
    vb_v = vb[...]
    iota = lax.broadcasted_iota(_i32, (_B, _VP), 1)

    def step(t, carry):
        num, den = carry
        logits = jnp.dot(ys[t], vw_v, preferred_element_type=_f32) + vb_v
        m = jnp.max(logits, axis=-1, keepdims=True)
        lse = jnp.log(jnp.sum(jnp.exp(logits - m), axis=-1)) + m[:, 0]
        g = gold[t + 1]
        tgt = jnp.sum(jnp.where(iota == g[:, None], logits, 0.0), axis=-1)
        msk = (g != 0).astype(_f32)
        return num + jnp.sum((lse - tgt) * msk), den + jnp.sum(msk)

    num, den = lax.fori_loop(0, _L - 1, step, (0.0, 0.0))
    out[0, 0] = num / jnp.maximum(den, 1.0)


def _edge_proj_body(ea, we, be, out):
    out[0] = jnp.dot(ea[...], we[0], preferred_element_type=_f32) + be[0]


def _node_init_body(x2, lw, lb, out):
    out[...] = jnp.dot(x2[...], lw[...], preferred_element_type=_f32) + lb[...]


def _gine_dense_body(h, a0, a1, w1, b1, w2, b2, epsr, out):
    u = (1.0 + epsr[0, 0]) * h[...] + a0[...] + a1[...]
    t1 = jnp.maximum(jnp.dot(u, w1[...], preferred_element_type=_f32) + b1[...], 0.0)
    out[...] = jnp.dot(t1, w2[...], preferred_element_type=_f32) + b2[...]


def _edge_mlp_body(hsrc, hdst, zfull, w1, b1, w2, b2, w3, b3, w4, b4, gold, out):
    i = pl.program_id(0)
    b0 = i * 16
    dst = hdst[pl.ds(b0, 16), :]
    zb = zfull[pl.ds(b0, 16), :]
    dstr = jnp.broadcast_to(dst[:, None, :], (16, _N, _NH)).reshape(16 * _N, _NH)
    zr = jnp.broadcast_to(zb[:, None, :], (16, _N, _LAT)).reshape(16 * _N, _LAT)
    xin = jnp.concatenate([hsrc[...], dstr, zr], axis=-1)
    hh = jnp.maximum(jnp.dot(xin, w1[...], preferred_element_type=_f32) + b1[...], 0.0)
    hh = jnp.maximum(jnp.dot(hh, w2[...], preferred_element_type=_f32) + b2[...], 0.0)
    hh = jnp.maximum(jnp.dot(hh, w3[...], preferred_element_type=_f32) + b3[...], 0.0)
    logits = jnp.dot(hh, w4[...], preferred_element_type=_f32) + b4[...]
    m = jnp.max(logits, axis=-1, keepdims=True)
    lse = jnp.log(jnp.sum(jnp.exp(logits - m), axis=-1)) + m[:, 0]
    g = gold[0, 0, :]
    iota = lax.broadcasted_iota(_i32, (16 * _N, _NH), 1)
    tgt = jnp.sum(jnp.where(iota == g[:, None], logits, 0.0), axis=-1)
    s = jnp.sum(lse - tgt)

    @pl.when(i == 0)
    def _():
        out[0, 0] = 0.0

    out[0, 0] += s


_EMB_TOT = _B * _L
_EMB_PW = _EMB_TOT // 32
_EMB_CH = _EMB_PW // 2


def _emb_gather_sc(table, idx):
    mesh = plsc.VectorSubcoreMesh(core_axis_name="c", subcore_axis_name="s", num_cores=2, num_subcores=16)

    @functools.partial(
        pl.kernel,
        out_type=jax.ShapeDtypeStruct((_EMB_TOT, _LAT), _f32),
        mesh=mesh,
        compiler_params=pltpu.CompilerParams(needs_layout_passes=False,
                                             use_tc_tiling_on_sc=False),
        scratch_types=[
            pltpu.VMEM((_EMB_PW,), _i32),
            pltpu.VMEM((_EMB_PW, _LAT), _f32),
            pltpu.SemaphoreType.DMA,
        ],
    )
    def k(table_hbm, idx_hbm, out_hbm, idx_v, rows_v, sem):
        wid = lax.axis_index("s") * 2 + lax.axis_index("c")
        base = wid * _EMB_PW
        pltpu.sync_copy(idx_hbm.at[pl.ds(base, _EMB_PW)], idx_v)
        d1 = pltpu.async_copy(table_hbm.at[idx_v.at[pl.ds(0, _EMB_CH)]],
                              rows_v.at[pl.ds(0, _EMB_CH)], sem)
        d2 = pltpu.async_copy(table_hbm.at[idx_v.at[pl.ds(_EMB_CH, _EMB_CH)]],
                              rows_v.at[pl.ds(_EMB_CH, _EMB_CH)], sem)
        d1.wait()
        d2.wait()
        pltpu.sync_copy(rows_v, out_hbm.at[pl.ds(base, _EMB_PW)])

    return k(table, idx)


_EC = 128
_EW = _E // 32
_NCH = _EW // _EC
_NHH = _NH // 2
_ROWS_PS = (_B * _N) // 16


def _gine_edge_sc(h, src, dst, e4, layer, zrows):
    mesh = plsc.VectorSubcoreMesh(core_axis_name="c", subcore_axis_name="s", num_cores=2, num_subcores=16)

    @functools.partial(
        pl.kernel,
        out_type=jax.ShapeDtypeStruct((2 * _B * _N, _NH), _f32),
        mesh=mesh,
        compiler_params=pltpu.CompilerParams(needs_layout_passes=False),
        scratch_types=[
            pltpu.VMEM((_NCH, _EC), _i32),
            pltpu.VMEM((_NCH, _EC), _i32),
            pltpu.VMEM((_EC, _NH), _f32),
            pltpu.VMEM((_EC, _NH), _f32),
            pltpu.VMEM_SHARED((_B * _N, _NH), _f32),
            pltpu.SemaphoreType.DMA,
            pltpu.SemaphoreType.DMA,
        ],
    )
    def k(h_hbm, src_hbm, dst_hbm, e4_hbm, z_hbm, out_hbm,
          srcA, dstA, e_v, rows_v, agg, sem_e, sem_r):
        c = lax.axis_index("c")
        s = lax.axis_index("s")
        wid = c * 16 + s
        pltpu.sync_copy(src_hbm.at[pl.ds(wid * _NCH, _NCH)], srcA)
        pltpu.sync_copy(dst_hbm.at[pl.ds(wid * _NCH, _NCH)], dstA)
        pltpu.sync_copy(z_hbm, agg.at[pl.ds(s * _ROWS_PS, _ROWS_PS)])
        plsc.subcore_barrier()

        base = wid * _EW

        def chunk(g, _):
            pltpu.async_copy(e4_hbm.at[layer, pl.ds(base + g * _EC, _EC)],
                             e_v, sem_e)
            dr = pltpu.async_copy(h_hbm.at[srcA.at[g]], rows_v, sem_r)
            pltpu.make_async_copy(e4_hbm.at[layer, pl.ds(0, _EC)],
                                  e_v, sem_e).wait()
            dr.wait()

            def per_edge(e, _2):
                for j in range(_NH // 16):
                    sl = pl.ds(j * 16, 16)
                    rows_v[e, sl] = jnp.maximum(rows_v[e, sl] + e_v[e, sl], 0.0)
                return 0

            lax.fori_loop(0, _EC, per_edge, 0)
            pltpu.sync_copy(rows_v, agg.at[dstA.at[g]], add=True)
            return 0

        lax.fori_loop(0, _NCH, chunk, 0)
        plsc.subcore_barrier()
        pltpu.sync_copy(agg.at[pl.ds(s * _ROWS_PS, _ROWS_PS)],
                        out_hbm.at[pl.ds(c * (_B * _N) + s * _ROWS_PS, _ROWS_PS)])

    return k(h, src, dst, e4, zrows)


def _scalar_spec():
    return pl.BlockSpec(memory_space=pltpu.SMEM)


def kernel(x, x_pieces, x_pos, edge_index, edge_attr, pieces, conds,
           edge_select, golden_edge, params):
    p = params
    eps_noise = jax.random.normal(jax.random.key(42), (_B, _LAT), _f32)

    z, h0, kl = pl.pallas_call(
        _latent_body,
        out_shape=[
            jax.ShapeDtypeStruct((_B, _LAT), _f32),
            jax.ShapeDtypeStruct((_B, _PH), _f32),
            jax.ShapeDtypeStruct((1, 1), _f32),
        ],
        out_specs=[pl.BlockSpec(), pl.BlockSpec(), _scalar_spec()],
    )(conds, p['Wm_w'], p['Wm_b'].reshape(1, -1), p['Wv_w'],
      p['Wv_b'].reshape(1, -1), p['l2h_w'], p['l2h_b'].reshape(1, -1),
      eps_noise)

    emb = _emb_gather_sc(p['piece_emb'], pieces.reshape(-1).astype(_i32))
    xs = emb.reshape(_B, _L, _LAT)[:, :_L - 1].transpose(1, 0, 2)

    g = p['gru']
    ys = pl.pallas_call(
        _gru_body,
        out_shape=jax.ShapeDtypeStruct((_L - 1, _B, _PH), _f32),
        scratch_shapes=[pltpu.VMEM((_L - 1, _B, 3 * _PH), _f32)],
    )(xs, h0, g['Wih'], g['Whh'], g['bih'].reshape(1, -1),
      g['bhh'].reshape(1, -1))

    vw = jnp.pad(p['vocab_w'], ((0, 0), (0, _VP - _V)))
    vb = jnp.pad(p['vocab_b'], (0, _VP - _V), constant_values=_NEG).reshape(1, -1)
    gold = pieces.astype(_i32).T
    piece_loss = pl.pallas_call(
        _piece_loss_body,
        out_shape=jax.ShapeDtypeStruct((1, 1), _f32),
        out_specs=_scalar_spec(),
    )(ys, vw, vb, gold)

    gine = p['gine']
    hnode = pl.pallas_call(
        _node_init_body,
        out_shape=jax.ShapeDtypeStruct((_B * _N, _NH), _f32),
    )(x.reshape(-1, _NODE), gine['lin_w'], gine['lin_b'].reshape(1, -1))

    src = edge_index[0].astype(_i32).reshape(-1, _EC)
    dst = edge_index[1].astype(_i32).reshape(-1, _EC)
    zrows = jnp.zeros((_ROWS_PS, _NH), _f32)

    weS = jnp.stack([lp['We_w'] for lp in gine['layers']])
    beS = jnp.stack([lp['We_b'] for lp in gine['layers']]).reshape(_T, 1, _NH)
    eblk = _E // 16
    e4 = pl.pallas_call(
        _edge_proj_body,
        grid=(_T, 16),
        in_specs=[
            pl.BlockSpec((eblk, _NET), lambda l, i: (i, 0)),
            pl.BlockSpec((1, _NET, _NH), lambda l, i: (l, 0, 0)),
            pl.BlockSpec((1, 1, _NH), lambda l, i: (l, 0, 0)),
        ],
        out_specs=pl.BlockSpec((1, eblk, _NH), lambda l, i: (l, i, 0)),
        out_shape=jax.ShapeDtypeStruct((_T, _E, _NH), _f32),
    )(edge_attr, weS, beS)

    nblk = 8
    rb = (_B * _N) // nblk
    for lidx, lp in enumerate(gine['layers']):
        aggs = _gine_edge_sc(hnode, src, dst, e4, lidx, zrows)
        hnode = pl.pallas_call(
            _gine_dense_body,
            grid=(nblk,),
            in_specs=[
                pl.BlockSpec((rb, _NH), lambda i: (i, 0)),
                pl.BlockSpec((rb, _NH), lambda i: (i, 0)),
                pl.BlockSpec((rb, _NH), lambda i: (i, 0)),
                pl.BlockSpec((_NH, _NH), lambda i: (0, 0)),
                pl.BlockSpec((1, _NH), lambda i: (0, 0)),
                pl.BlockSpec((_NH, _NH), lambda i: (0, 0)),
                pl.BlockSpec((1, _NH), lambda i: (0, 0)),
                _scalar_spec(),
            ],
            out_specs=pl.BlockSpec((rb, _NH), lambda i: (i, 0)),
            out_shape=jax.ShapeDtypeStruct((_B * _N, _NH), _f32),
        )(hnode, aggs[:_B * _N], aggs[_B * _N:], lp['W1_w'],
          lp['W1_b'].reshape(1, -1), lp['W2_w'], lp['W2_b'].reshape(1, -1),
          lp['eps'].reshape(1, 1))

    (w1, b1), (w2, b2), (w3, b3), (w4, b4) = p['edge_mlp']
    w4p = jnp.pad(w4, ((0, 0), (0, _NH - _NET)))
    b4p = jnp.pad(b4, (0, _NH - _NET), constant_values=_NEG).reshape(1, -1)
    hdst = hnode[::_N]
    gold_e = golden_edge.astype(_i32).reshape(nblk, 1, rb)
    esum = pl.pallas_call(
        _edge_mlp_body,
        grid=(nblk,),
        in_specs=[
            pl.BlockSpec((rb, _NH), lambda i: (i, 0)),
            pl.BlockSpec((_B, _NH), lambda i: (0, 0)),
            pl.BlockSpec((_B, _LAT), lambda i: (0, 0)),
            pl.BlockSpec((2 * _NH + _LAT, 160), lambda i: (0, 0)),
            pl.BlockSpec((1, 160), lambda i: (0, 0)),
            pl.BlockSpec((160, 160), lambda i: (0, 0)),
            pl.BlockSpec((1, 160), lambda i: (0, 0)),
            pl.BlockSpec((160, 160), lambda i: (0, 0)),
            pl.BlockSpec((1, 160), lambda i: (0, 0)),
            pl.BlockSpec((160, _NH), lambda i: (0, 0)),
            pl.BlockSpec((1, _NH), lambda i: (0, 0)),
            pl.BlockSpec((1, 1, rb), lambda i: (i, 0, 0)),
        ],
        out_specs=_scalar_spec(),
        out_shape=jax.ShapeDtypeStruct((1, 1), _f32),
    )(hnode, hdst, z, w1, b1.reshape(1, -1), w2, b2.reshape(1, -1),
      w3, b3.reshape(1, -1), w4p, b4p, gold_e)

    total = piece_loss[0, 0] + esum[0, 0] / (_B * _N) + kl[0, 0]
    return z, total

# --- scband reference (transcript-rebuilt; emitter-appended) ---
"""Pipeline reference for scband-vaepiece-decoder-84086869721472 (READ-ONLY COPY).

The authoritative reference and input builder live on the scoring server;
editing this copy changes nothing except your own understanding.
"""

import jax, jax.numpy as jnp
import numpy as np

B = 128; N = 64; E = 131072; L = 48; V = 500
ATOM_D = 64; PIECE_D = 64; POS_D = 32
NODE_DIM = ATOM_D + PIECE_D + POS_D
COND = 64; LAT = 64; PH = 256; NH = 128; NET = 4; T = 4; PAD = 0

def _dense(key, fin, fout):
    w = jax.random.normal(key, (fin, fout), jnp.float32) * (1.0 / np.sqrt(fin))
    b = jnp.zeros((fout,), jnp.float32)
    return w, b

def _init_params(key):
    ks = iter(jax.random.split(key, 64))
    p = {}
    p['piece_emb'] = jax.random.normal(next(ks), (V, PIECE_D), jnp.float32) * 0.02
    p['Wm_w'], p['Wm_b'] = _dense(next(ks), COND, LAT)
    p['Wv_w'], p['Wv_b'] = _dense(next(ks), COND, LAT)
    p['l2h_w'], p['l2h_b'] = _dense(next(ks), LAT, PH)
    p['gru'] = {
        'Wih': jax.random.normal(next(ks), (PIECE_D, 3 * PH), jnp.float32) * (1.0 / np.sqrt(PIECE_D)),
        'Whh': jax.random.normal(next(ks), (PH, 3 * PH), jnp.float32) * (1.0 / np.sqrt(PH)),
        'bih': jnp.zeros((3 * PH,), jnp.float32),
        'bhh': jnp.zeros((3 * PH,), jnp.float32),
    }
    p['vocab_w'], p['vocab_b'] = _dense(next(ks), PH, V)
    gine = {}
    gine['lin_w'], gine['lin_b'] = _dense(next(ks), NODE_DIM, NH)
    layers = []
    for _ in range(T):
        lw = {}
        lw['We_w'], lw['We_b'] = _dense(next(ks), NET, NH)
        lw['W1_w'], lw['W1_b'] = _dense(next(ks), NH, NH)
        lw['W2_w'], lw['W2_b'] = _dense(next(ks), NH, NH)
        lw['eps'] = jnp.zeros((), jnp.float32)
        layers.append(lw)
    gine['layers'] = layers
    p['gine'] = gine
    mlp_in = 2 * NH + LAT
    hid = mlp_in // 2
    dims = [mlp_in, hid, hid, hid, NET]
    p['edge_mlp'] = [_dense(next(ks), dims[i], dims[i + 1]) for i in range(4)]
    return p

def setup_inputs(seed: int = 0):
    key = jax.random.key(seed)
    ks = jax.random.split(key, 10)
    x = jax.random.normal(ks[0], (B, N, NODE_DIM), jnp.float32)
    x_pieces = jax.random.randint(ks[1], (B, N), 0, V)
    x_pos = jax.random.randint(ks[2], (B, N), 0, 64)
    edge_index = jax.random.randint(ks[3], (2, E), 0, B * N)
    edge_attr = jax.random.uniform(ks[4], (E, NET), dtype=jnp.float32)
    pieces = jax.random.randint(ks[5], (B, L), 0, V)
    conds = jax.random.normal(ks[6], (B, COND), jnp.float32)
    edge_select = (jnp.arange(B * N * N) % 64 == 0).reshape(B, N, N)
    K = (B * N * N) // 64
    golden_edge = jax.random.randint(ks[7], (K,), 0, NET)
    params = _init_params(ks[8])
    return {'x': x, 'x_pieces': x_pieces, 'x_pos': x_pos, 'edge_index': edge_index,
            'edge_attr': edge_attr, 'pieces': pieces, 'conds': conds,
            'edge_select': edge_select, 'golden_edge': golden_edge, 'params': params}

def _gru(p, xseq, h0):
    def step(h, xt):
        gi = xt @ p['Wih'] + p['bih']
        gh = h @ p['Whh'] + p['bhh']
        i_r, i_z, i_n = jnp.split(gi, 3, axis=-1)
        h_r, h_z, h_n = jnp.split(gh, 3, axis=-1)
        r = jax.nn.sigmoid(i_r + h_r)
        z = jax.nn.sigmoid(i_z + h_z)
        n = jnp.tanh(i_n + r * h_n)
        hn = (1.0 - z) * n + z * h
        return hn, hn
    xs = jnp.swapaxes(xseq, 0, 1)
    _, ys = jax.lax.scan(step, h0, xs)
    return jnp.swapaxes(ys, 0, 1)

def _embed_node(p, node_x, edge_index, edge_attr):
    h = node_x @ p['lin_w'] + p['lin_b']
    src, dst = edge_index[0], edge_index[1]
    for lp in p['layers']:
        e = edge_attr @ lp['We_w'] + lp['We_b']
        msg = jax.nn.relu(h[src] + e)
        agg = jax.ops.segment_sum(msg, dst, num_segments=h.shape[0])
        u = (1.0 + lp['eps']) * h + agg
        h = jax.nn.relu(u @ lp['W1_w'] + lp['W1_b'])
        h = h @ lp['W2_w'] + lp['W2_b']
    return h

def _mlp(layers, h):
    for i, (w, b) in enumerate(layers):
        h = h @ w + b
        if i < len(layers) - 1:
            h = jax.nn.relu(h)
    return h

def _ce(logits, targets):
    logz = jax.nn.log_softmax(logits, axis=-1)
    return -jnp.take_along_axis(logz, targets[:, None], axis=-1)[:, 0]

def _forward(x, edge_attr, conds, params, pieces, edge_index, sel_idx, golden_edge):
    bidx, iidx, jidx = sel_idx
    z_mean = conds @ params['Wm_w'] + params['Wm_b']
    z_log_var = -jnp.abs(conds @ params['Wv_w'] + params['Wv_b'])
    kl = -0.5 * jnp.sum(1.0 + z_log_var - z_mean * z_mean - jnp.exp(z_log_var)) / B
    eps = jax.random.normal(jax.random.key(42), z_mean.shape, jnp.float32)
    z = z_mean + jnp.exp(z_log_var / 2.0) * eps
    gold_piece = pieces[:, 1:].reshape(-1)
    pieces_emb = params['piece_emb'][pieces]
    h0 = z @ params['l2h_w'] + params['l2h_b']
    rnn_out = _gru(params['gru'], pieces_emb[:, :-1], h0)
    piece_logits = rnn_out @ params['vocab_w'] + params['vocab_b']
    node_emb = _embed_node(params['gine'], x.reshape(-1, NODE_DIM), edge_index, edge_attr).reshape(B, N, NH)
    src_e = node_emb[bidx, iidx]
    dst_e = node_emb[bidx, jidx]
    edge_in = jnp.concatenate([src_e, dst_e, z[bidx]], axis=-1)
    edge_logits = _mlp(params['edge_mlp'], edge_in)
    ce_p = _ce(piece_logits.reshape(-1, V), gold_piece)
    mask = (gold_piece != PAD).astype(jnp.float32)
    piece_loss = jnp.sum(ce_p * mask) / jnp.maximum(jnp.sum(mask), 1.0)
    edge_loss = jnp.mean(_ce(edge_logits, golden_edge))
    total = piece_loss + edge_loss + kl
    return z, total

def reference(x, x_pieces, x_pos, edge_index, edge_attr, pieces, conds, edge_select, golden_edge, params):
    sel_idx = jnp.nonzero(edge_select, size=golden_edge.shape[0])
    return _forward(x, edge_attr, conds, params, pieces, edge_index, sel_idx, golden_edge)

if __name__ == "__main__":
    import jax
    _d = setup_inputs()
    print(jax.jit(kernel)(*tuple(_d.values())))

</pallas_src>

<mosaic_0001>
#map = affine_map<(d0, d1) -> (0, 0)>
#map1 = affine_map<(d0, d1) -> (0, 0, 0)>
module attributes {stable_mosaic.version = 14 : i64} {
  func.func @k(%arg0: i32, %arg1: i32, %arg2: memref<8192x128xf32, #tpu.memory_space<hbm>>, %arg3: memref<1024x128xi32, #tpu.memory_space<hbm>>, %arg4: memref<1024x128xi32, #tpu.memory_space<hbm>>, %arg5: memref<4x131072x128xf32, #tpu.memory_space<hbm>>, %arg6: memref<512x128xf32, #tpu.memory_space<hbm>>, %arg7: memref<16384x128xf32, #tpu.memory_space<hbm>>, %arg8: memref<32x128xi32, #tpu.memory_space<vmem>>, %arg9: memref<32x128xi32, #tpu.memory_space<vmem>>, %arg10: memref<128x128xf32, #tpu.memory_space<vmem>>, %arg11: memref<128x128xf32, #tpu.memory_space<vmem>>, %arg12: memref<8192x128xf32, #tpu.memory_space<vmem_shared>>, %arg13: memref<!tpu.dma_semaphore, #tpu.memory_space<semaphore_mem>>, %arg14: memref<!tpu.dma_semaphore, #tpu.memory_space<semaphore_mem>>) attributes {dimension_semantics = [#tpu.dimension_semantics<core_parallel>, #tpu.dimension_semantics<subcore_parallel>], iteration_bounds = array<i64: 2, 16>, scalar_prefetch = 0 : i64, scratch_operands = 7 : i64, tpu.core_type = #tpu.core_type<sc_vector_subcore>, window_params = [{transform_indices = #map}, {transform_indices = #map}, {transform_indices = #map}, {transform_indices = #map1}, {transform_indices = #map}, {transform_indices = #map}]} {
    %mul3A = arith.constant 16 : i32
    %mul3A_0 = arith.muli %arg0, %mul3A : i32
    %add3A = arith.addi %mul3A_0, %arg1 : i32
    %mul3A_1 = arith.constant 32 : i32
    %mul3A_2 = arith.muli %add3A, %mul3A_1 : i32
    "tpu.region"() ({
      %run_scoped3A = tpu.sem_alloc : memref<!tpu.dma_semaphore, #tpu.memory_space<semaphore_mem>>
      %dma_start3A = arith.constant 0 : i32
      %dma_start3A_23 = tpu.memref_slice %arg3[%mul3A_2, %dma_start3A] : memref<1024x128xi32, #tpu.memory_space<hbm>> -> memref<32x128xi32, #tpu.memory_space<hbm>>
      %dma_start3A_24 = arith.constant 0 : i32
      %dma_start3A_25 = tpu.memref_slice %arg3[%mul3A_2, %dma_start3A_24] : memref<1024x128xi32, #tpu.memory_space<hbm>> -> memref<32x128xi32, #tpu.memory_space<hbm>>
      tpu.enqueue_dma source(%dma_start3A_25 : memref<32x128xi32, #tpu.memory_space<hbm>>) target(%arg8 : memref<32x128xi32, #tpu.memory_space<vmem>>) target_semaphore(%run_scoped3A : memref<!tpu.dma_semaphore, #tpu.memory_space<semaphore_mem>>)
      %dma_wait3A = arith.constant 0 : i32
      %dma_wait3A_26 = tpu.memref_slice %arg3[%mul3A_2, %dma_wait3A] : memref<1024x128xi32, #tpu.memory_space<hbm>> -> memref<32x128xi32, #tpu.memory_space<hbm>>
      %dma_wait3A_27 = arith.constant 0 : i32
      %dma_wait3A_28 = tpu.memref_slice %arg3[%mul3A_2, %dma_wait3A_27] : memref<1024x128xi32, #tpu.memory_space<hbm>> -> memref<32x128xi32, #tpu.memory_space<hbm>>
      tpu.wait_dma2 semaphore(%run_scoped3A : memref<!tpu.dma_semaphore, #tpu.memory_space<semaphore_mem>>) src(%dma_wait3A_28 : memref<32x128xi32, #tpu.memory_space<hbm>>) dst(%arg8 : memref<32x128xi32, #tpu.memory_space<vmem>>)
      tpu.yield
    }) : () -> ()
    %mul3A_3 = arith.constant 32 : i32
    %mul3A_4 = arith.muli %add3A, %mul3A_3 : i32
    "tpu.region"() ({
      %run_scoped3A = tpu.sem_alloc : memref<!tpu.dma_semaphore, #tpu.memory_space<semaphore_mem>>
      %dma_start3A = arith.constant 0 : i32
      %dma_start3A_23 = tpu.memref_slice %arg4[%mul3A_4, %dma_start3A] : memref<1024x128xi32, #tpu.memory_space<hbm>> -> memref<32x128xi32, #tpu.memory_space<hbm>>
      %dma_start3A_24 = arith.constant 0 : i32
      %dma_start3A_25 = tpu.memref_slice %arg4[%mul3A_4, %dma_start3A_24] : memref<1024x128xi32, #tpu.memory_space<hbm>> -> memref<32x128xi32, #tpu.memory_space<hbm>>
      tpu.enqueue_dma source(%dma_start3A_25 : memref<32x128xi32, #tpu.memory_space<hbm>>) target(%arg9 : memref<32x128xi32, #tpu.memory_space<vmem>>) target_semaphore(%run_scoped3A : memref<!tpu.dma_semaphore, #tpu.memory_space<semaphore_mem>>)
      %dma_wait3A = arith.constant 0 : i32
      %dma_wait3A_26 = tpu.memref_slice %arg4[%mul3A_4, %dma_wait3A] : memref<1024x128xi32, #tpu.memory_space<hbm>> -> memref<32x128xi32, #tpu.memory_space<hbm>>
      %dma_wait3A_27 = arith.constant 0 : i32
      %dma_wait3A_28 = tpu.memref_slice %arg4[%mul3A_4, %dma_wait3A_27] : memref<1024x128xi32, #tpu.memory_space<hbm>> -> memref<32x128xi32, #tpu.memory_space<hbm>>
      tpu.wait_dma2 semaphore(%run_scoped3A : memref<!tpu.dma_semaphore, #tpu.memory_space<semaphore_mem>>) src(%dma_wait3A_28 : memref<32x128xi32, #tpu.memory_space<hbm>>) dst(%arg9 : memref<32x128xi32, #tpu.memory_space<vmem>>)
      tpu.yield
    }) : () -> ()
    %mul3A_5 = arith.constant 512 : i32
    %mul3A_6 = arith.muli %arg1, %mul3A_5 : i32
    "tpu.region"() ({
      %run_scoped3A = tpu.sem_alloc : memref<!tpu.dma_semaphore, #tpu.memory_space<semaphore_mem>>
      %dma_start3A = arith.constant 0 : i32
      %dma_start3A_23 = tpu.memref_slice %arg12[%mul3A_6, %dma_start3A] : memref<8192x128xf32, #tpu.memory_space<vmem_shared>> -> memref<512x128xf32, #tpu.memory_space<vmem_shared>>
      tpu.enqueue_dma source(%arg6 : memref<512x128xf32, #tpu.memory_space<hbm>>) target(%dma_start3A_23 : memref<512x128xf32, #tpu.memory_space<vmem_shared>>) target_semaphore(%run_scoped3A : memref<!tpu.dma_semaphore, #tpu.memory_space<semaphore_mem>>)
      %dma_wait3A = arith.constant 0 : i32
      %dma_wait3A_24 = tpu.memref_slice %arg12[%mul3A_6, %dma_wait3A] : memref<8192x128xf32, #tpu.memory_space<vmem_shared>> -> memref<512x128xf32, #tpu.memory_space<vmem_shared>>
      tpu.wait_dma2 semaphore(%run_scoped3A : memref<!tpu.dma_semaphore, #tpu.memory_space<semaphore_mem>>) src(%arg6 : memref<512x128xf32, #tpu.memory_space<hbm>>) dst(%dma_wait3A_24 : memref<512x128xf32, #tpu.memory_space<vmem_shared>>)
      tpu.yield
    }) : () -> ()
    %barrier3A = arith.constant 0 : index
    tpu.barrier barrier_id(%barrier3A)
    %mul3A_7 = arith.constant 4096 : i32
    %mul3A_8 = arith.muli %add3A, %mul3A_7 : i32
    %scan3A = arith.constant 0 : i32
    %scan3A_9 = arith.constant 0 : i32
    %scan3A_10 = arith.constant 32 : i32
    %scan3A_11 = arith.addi %scan3A_9, %scan3A_10 : i32
    %scan3A_12 = arith.constant 1 : i32
    %scan3A_13 = scf.for %scan3A_23 = %scan3A_9 to %scan3A_11 step %scan3A_12 iter_args(%scan3A_24 = %scan3A) -> (i32)  : i32 {
      %mul3A_25 = arith.constant 128 : i32
      %mul3A_26 = arith.muli %scan3A_23, %mul3A_25 : i32
      %add3A_27 = arith.addi %mul3A_8, %mul3A_26 : i32
      %dma_start3A = arith.constant 1 : i32
      %dma_start3A_28 = arith.constant 0 : i32
      %dma_start3A_29 = tpu.memref_slice %arg5[%dma_start3A, %add3A_27, %dma_start3A_28] : memref<4x131072x128xf32, #tpu.memory_space<hbm>> -> memref<1x128x128xf32, #tpu.memory_space<hbm>>
      %dma_start3A_30 = tpu.memref_squeeze %dma_start3A_29 : memref<1x128x128xf32, #tpu.memory_space<hbm>> -> memref<128x128xf32, #tpu.memory_space<hbm>>
      %dma_start3A_31 = arith.constant 0 : i32
      %dma_start3A_32 = tpu.memref_slice %arg5[%dma_start3A, %add3A_27, %dma_start3A_31] : memref<4x131072x128xf32, #tpu.memory_space<hbm>> -> memref<1x128x128xf32, #tpu.memory_space<hbm>>
      %dma_start3A_33 = tpu.memref_squeeze %dma_start3A_32 : memref<1x128x128xf32, #tpu.memory_space<hbm>> -> memref<128x128xf32, #tpu.memory_space<hbm>>
      tpu.enqueue_dma source(%dma_start3A_33 : memref<128x128xf32, #tpu.memory_space<hbm>>) target(%arg10 : memref<128x128xf32, #tpu.memory_space<vmem>>) target_semaphore(%arg13 : memref<!tpu.dma_semaphore, #tpu.memory_space<semaphore_mem>>)
      %dma_start3A_34 = arith.constant 0 : i32
      %dma_start3A_35 = tpu.memref_slice %arg8[%scan3A_23, %dma_start3A_34] : memref<32x128xi32, #tpu.memory_space<vmem>> -> memref<1x128xi32, #tpu.memory_space<vmem>>
      %dma_start3A_36 = tpu.memref_squeeze %dma_start3A_35 : memref<1x128xi32, #tpu.memory_space<vmem>> -> memref<128xi32, #tpu.memory_space<vmem>>
      %dma_start3A_37 = arith.constant 0 : i32
      %dma_start3A_38 = arith.constant 0 : i32
      %dma_start3A_39 = tpu.memref_slice %arg2[%dma_start3A_37, %dma_start3A_38] : memref<8192x128xf32, #tpu.memory_space<hbm>> -> memref<8192x128xf32, #tpu.memory_space<hbm>>
      tpu.enqueue_indirect_dma source(%dma_start3A_39 : memref<8192x128xf32, #tpu.memory_space<hbm>>) target(%arg11 : memref<128x128xf32, #tpu.memory_space<vmem>>) offsets(%dma_start3A_36 : memref<128xi32, #tpu.memory_space<vmem>>) semaphore(%arg14 : memref<!tpu.dma_semaphore, #tpu.memory_space<semaphore_mem>>)
      %dma_wait3A = arith.constant 1 : i32
      %dma_wait3A_40 = arith.constant 0 : i32
      %dma_wait3A_41 = arith.constant 0 : i32
      %dma_wait3A_42 = tpu.memref_slice %arg5[%dma_wait3A, %dma_wait3A_40, %dma_wait3A_41] : memref<4x131072x128xf32, #tpu.memory_space<hbm>> -> memref<1x128x128xf32, #tpu.memory_space<hbm>>
      %dma_wait3A_43 = tpu.memref_squeeze %dma_wait3A_42 : memref<1x128x128xf32, #tpu.memory_space<hbm>> -> memref<128x128xf32, #tpu.memory_space<hbm>>
      %dma_wait3A_44 = arith.constant 0 : i32
      %dma_wait3A_45 = arith.constant 0 : i32
      %dma_wait3A_46 = tpu.memref_slice %arg5[%dma_wait3A, %dma_wait3A_44, %dma_wait3A_45] : memref<4x131072x128xf32, #tpu.memory_space<hbm>> -> memref<1x128x128xf32, #tpu.memory_space<hbm>>
      %dma_wait3A_47 = tpu.memref_squeeze %dma_wait3A_46 : memref<1x128x128xf32, #tpu.memory_space<hbm>> -> memref<128x128xf32, #tpu.memory_space<hbm>>
      tpu.wait_dma2 semaphore(%arg13 : memref<!tpu.dma_semaphore, #tpu.memory_space<semaphore_mem>>) src(%dma_wait3A_47 : memref<128x128xf32, #tpu.memory_space<hbm>>) dst(%arg10 : memref<128x128xf32, #tpu.memory_space<vmem>>)
      %dma_wait3A_48 = arith.constant 0 : i32
      %dma_wait3A_49 = tpu.memref_slice %arg8[%scan3A_23, %dma_wait3A_48] : memref<32x128xi32, #tpu.memory_space<vmem>> -> memref<1x128xi32, #tpu.memory_space<vmem>>
      %dma_wait3A_50 = tpu.memref_squeeze %dma_wait3A_49 : memref<1x128xi32, #tpu.memory_space<vmem>> -> memref<128xi32, #tpu.memory_space<vmem>>
      %dma_wait3A_51 = arith.constant 0 : i32
      %dma_wait3A_52 = arith.constant 0 : i32
      %dma_wait3A_53 = tpu.memref_slice %arg2[%dma_wait3A_51, %dma_wait3A_52] : memref<8192x128xf32, #tpu.memory_space<hbm>> -> memref<8192x128xf32, #tpu.memory_space<hbm>>
      tpu.wait_indirect_dma semaphore(%arg14 : memref<!tpu.dma_semaphore, #tpu.memory_space<semaphore_mem>>) src(%dma_wait3A_53 : memref<8192x128xf32, #tpu.memory_space<hbm>>) dst(%arg11 : memref<128x128xf32, #tpu.memory_space<vmem>>)
      %scan3A_54 = arith.constant 0 : i32
      %scan3A_55 = arith.constant 0 : i32
      %scan3A_56 = arith.constant 128 : i32
      %scan3A_57 = arith.addi %scan3A_55, %scan3A_56 : i32
      %scan3A_58 = arith.constant 1 : i32
      %scan3A_59 = scf.for %scan3A_62 = %scan3A_55 to %scan3A_57 step %scan3A_58 iter_args(%scan3A_63 = %scan3A_54) -> (i32)  : i32 {
        %get3A = arith.index_cast %scan3A_62 : i32 to index
        %get3A_64 = arith.constant 0 : index
        %get3A_65 = tpu.vector_load %arg11[%get3A, %get3A_64] {strides = array<i32>} : memref<128x128xf32, #tpu.memory_space<vmem>>, vector<16xf32>,
        %get3A_66 = arith.index_cast %scan3A_62 : i32 to index
        %get3A_67 = arith.constant 0 : index
        %get3A_68 = tpu.vector_load %arg10[%get3A_66, %get3A_67] {strides = array<i32>} : memref<128x128xf32, #tpu.memory_space<vmem>>, vector<16xf32>,
        %add3A_69 = arith.addf %get3A_65, %get3A_68 : vector<16xf32>
        %max3A = arith.constant 0.000000e+00 : f32
        %max3A_70 = vector.broadcast %max3A : f32 to vector<16xf32>
        %max3A_71 = arith.maximumf %add3A_69, %max3A_70 : vector<16xf32>
        %swap3A = arith.index_cast %scan3A_62 : i32 to index
        %swap3A_72 = arith.constant 0 : index
        %swap3A_73 = tpu.vector_load %arg11[%swap3A, %swap3A_72] {strides = array<i32>} : memref<128x128xf32, #tpu.memory_space<vmem>>, vector<16xf32>,
        tpu.vector_store %arg11[%swap3A, %swap3A_72], %max3A_71 {strides = array<i32>} : memref<128x128xf32, #tpu.memory_space<vmem>>, vector<16xf32>,
        %get3A_74 = arith.index_cast %scan3A_62 : i32 to index
        %get3A_75 = arith.constant 16 : index
        %get3A_76 = tpu.vector_load %arg11[%get3A_74, %get3A_75] {strides = array<i32>} : memref<128x128xf32, #tpu.memory_space<vmem>>, vector<16xf32>,
        %get3A_77 = arith.index_cast %scan3A_62 : i32 to index
        %get3A_78 = arith.constant 16 : index
        %get3A_79 = tpu.vector_load %arg10[%get3A_77, %get3A_78] {strides = array<i32>} : memref<128x128xf32, #tpu.memory_space<vmem>>, vector<16xf32>,
        %add3A_80 = arith.addf %get3A_76, %get3A_79 : vector<16xf32>
        %max3A_81 = arith.constant 0.000000e+00 : f32
        %max3A_82 = vector.broadcast %max3A_81 : f32 to vector<16xf32>
        %max3A_83 = arith.maximumf %add3A_80, %max3A_82 : vector<16xf32>
        %swap3A_84 = arith.index_cast %scan3A_62 : i32 to index
        %swap3A_85 = arith.constant 16 : index
        %swap3A_86 = tpu.vector_load %arg11[%swap3A_84, %swap3A_85] {strides = array<i32>} : memref<128x128xf32, #tpu.memory_space<vmem>>, vector<16xf32>,
        tpu.vector_store %arg11[%swap3A_84, %swap3A_85], %max3A_83 {strides = array<i32>} : memref<128x128xf32, #tpu.memory_space<vmem>>, vector<16xf32>,
        %get3A_87 = arith.index_cast %scan3A_62 : i32 to index
        %get3A_88 = arith.constant 32 : index
        %get3A_89 = tpu.vector_load %arg11[%get3A_87, %get3A_88] {strides = array<i32>} : memref<128x128xf32, #tpu.memory_space<vmem>>, vector<16xf32>,
        %get3A_90 = arith.index_cast %scan3A_62 : i32 to index
        %get3A_91 = arith.constant 32 : index
        %get3A_92 = tpu.vector_load %arg10[%get3A_90, %get3A_91] {strides = array<i32>} : memref<128x128xf32, #tpu.memory_space<vmem>>, vector<16xf32>,
        %add3A_93 = arith.addf %get3A_89, %get3A_92 : vector<16xf32>
        %max3A_94 = arith.constant 0.000000e+00 : f32
        %max3A_95 = vector.broadcast %max3A_94 : f32 to vector<16xf32>
        %max3A_96 = arith.maximumf %add3A_93, %max3A_95 : vector<16xf32>
        %swap3A_97 = arith.index_cast %scan3A_62 : i32 to index
        %swap3A_98 = arith.constant 32 : index
        %swap3A_99 = tpu.vector_load %arg11[%swap3A_97, %swap3A_98] {strides = array<i32>} : memref<128x128xf32, #tpu.memory_space<vmem>>, vector<16xf32>,
        tpu.vector_store %arg11[%swap3A_97, %swap3A_98], %max3A_96 {strides = array<i32>} : memref<128x128xf32, #tpu.memory_space<vmem>>, vector<16xf32>,
        %get3A_100 = arith.index_cast %scan3A_62 : i32 to index
        %get3A_101 = arith.constant 48 : index
        %get3A_102 = tpu.vector_load %arg11[%get3A_100, %get3A_101] {strides = array<i32>} : memref<128x128xf32, #tpu.memory_space<vmem>>, vector<16xf32>,
        %get3A_103 = arith.index_cast %scan3A_62 : i32 to index
        %get3A_104 = arith.constant 48 : index
        %get3A_105 = tpu.vector_load %arg10[%get3A_103, %get3A_104] {strides = array<i32>} : memref<128x128xf32, #tpu.memory_space<vmem>>, vector<16xf32>,
        %add3A_106 = arith.addf %get3A_102, %get3A_105 : vector<16xf32>
        %max3A_107 = arith.constant 0.000000e+00 : f32
        %max3A_108 = vector.broadcast %max3A_107 : f32 to vector<16xf32>
        %max3A_109 = arith.maximumf %add3A_106, %max3A_108 : vector<16xf32>
        %swap3A_110 = arith.index_cast %scan3A_62 : i32 to index
        %swap3A_111 = arith.constant 48 : index
        %swap3A_112 = tpu.vector_load %arg11[%swap3A_110, %swap3A_111] {strides = array<i32>} : memref<128x128xf32, #tpu.memory_space<vmem>>, vector<16xf32>,
        tpu.vector_store %arg11[%swap3A_110, %swap3A_111], %max3A_109 {strides = array<i32>} : memref<128x128xf32, #tpu.memory_space<vmem>>, vector<16xf32>,
        %get3A_113 = arith.index_cast %scan3A_62 : i32 to index
        %get3A_114 = arith.constant 64 : index
        %get3A_115 = tpu.vector_load %arg11[%get3A_113, %get3A_114] {strides = array<i32>} : memref<128x128xf32, #tpu.memory_space<vmem>>, vector<16xf32>,
        %get3A_116 = arith.index_cast %scan3A_62 : i32 to index
        %get3A_117 = arith.constant 64 : index
        %get3A_118 = tpu.vector_load %arg10[%get3A_116, %get3A_117] {strides = array<i32>} : memref<128x128xf32, #tpu.memory_space<vmem>>, vector<16xf32>,
        %add3A_119 = arith.addf %get3A_115, %get3A_118 : vector<16xf32>
        %max3A_120 = arith.constant 0.000000e+00 : f32
        %max3A_121 = vector.broadcast %max3A_120 : f32 to vector<16xf32>
        %max3A_122 = arith.maximumf %add3A_119, %max3A_121 : vector<16xf32>
        %swap3A_123 = arith.index_cast %scan3A_62 : i32 to index
        %swap3A_124 = arith.constant 64 : index
        %swap3A_125 = tpu.vector_load %arg11[%swap3A_123, %swap3A_124] {strides = array<i32>} : memref<128x128xf32, #tpu.memory_space<vmem>>, vector<16xf32>,
        tpu.vector_store %arg11[%swap3A_123, %swap3A_124], %max3A_122 {strides = array<i32>} : memref<128x128xf32, #tpu.memory_space<vmem>>, vector<16xf32>,
        %get3A_126 = arith.index_cast %scan3A_62 : i32 to index
        %get3A_127 = arith.constant 80 : index
        %get3A_128 = tpu.vector_load %arg11[%get3A_126, %get3A_127] {strides = array<i32>} : memref<128x128xf32, #tpu.memory_space<vmem>>, vector<16xf32>,
        %get3A_129 = arith.index_cast %scan3A_62 : i32 to index
        %get3A_130 = arith.constant 80 : index
        %get3A_131 = tpu.vector_load %arg10[%get3A_129, %get3A_130] {strides = array<i32>} : memref<128x128xf32, #tpu.memory_space<vmem>>, vector<16xf32>,
        %add3A_132 = arith.addf %get3A_128, %get3A_131 : vector<16xf32>
        %max3A_133 = arith.constant 0.000000e+00 : f32
        %max3A_134 = vector.broadcast %max3A_133 : f32 to vector<16xf32>
        %max3A_135 = arith.maximumf %add3A_132, %max3A_134 : vector<16xf32>
        %swap3A_136 = arith.index_cast %scan3A_62 : i32 to index
        %swap3A_137 = arith.constant 80 : index
        %swap3A_138 = tpu.vector_load %arg11[%swap3A_136, %swap3A_137] {strides = array<i32>} : memref<128x128xf32, #tpu.memory_space<vmem>>, vector<16xf32>,
        tpu.vector_store %arg11[%swap3A_136, %swap3A_137], %max3A_135 {strides = array<i32>} : memref<128x128xf32, #tpu.memory_space<vmem>>, vector<16xf32>,
        %get3A_139 = arith.index_cast %scan3A_62 : i32 to index
        %get3A_140 = arith.constant 96 : index
        %get3A_141 = tpu.vector_load %arg11[%get3A_139, %get3A_140] {strides = array<i32>} : memref<128x128xf32, #tpu.memory_space<vmem>>, vector<16xf32>,
        %get3A_142 = arith.index_cast %scan3A_62 : i32 to index
        %get3A_143 = arith.constant 96 : index
        %get3A_144 = tpu.vector_load %arg10[%get3A_142, %get3A_143] {strides = array<i32>} : memref<128x128xf32, #tpu.memory_space<vmem>>, vector<16xf32>,
        %add3A_145 = arith.addf %get3A_141, %get3A_144 : vector<16xf32>
        %max3A_146 = arith.constant 0.000000e+00 : f32
        %max3A_147 = vector.broadcast %max3A_146 : f32 to vector<16xf32>
        %max3A_148 = arith.maximumf %add3A_145, %max3A_147 : vector<16xf32>
        %swap3A_149 = arith.index_cast %scan3A_62 : i32 to index
        %swap3A_150 = arith.constant 96 : index
        %swap3A_151 = tpu.vector_load %arg11[%swap3A_149, %swap3A_150] {strides = array<i32>} : memref<128x128xf32, #tpu.memory_space<vmem>>, vector<16xf32>,
        tpu.vector_store %arg11[%swap3A_149, %swap3A_150], %max3A_148 {strides = array<i32>} : memref<128x128xf32, #tpu.memory_space<vmem>>, vector<16xf32>,
        %get3A_152 = arith.index_cast %scan3A_62 : i32 to index
        %get3A_153 = arith.constant 112 : index
        %get3A_154 = tpu.vector_load %arg11[%get3A_152, %get3A_153] {strides = array<i32>} : memref<128x128xf32, #tpu.memory_space<vmem>>, vector<16xf32>,
        %get3A_155 = arith.index_cast %scan3A_62 : i32 to index
        %get3A_156 = arith.constant 112 : index
        %get3A_157 = tpu.vector_load %arg10[%get3A_155, %get3A_156] {strides = array<i32>} : memref<128x128xf32, #tpu.memory_space<vmem>>, vector<16xf32>,
        %add3A_158 = arith.addf %get3A_154, %get3A_157 : vector<16xf32>
        %max3A_159 = arith.constant 0.000000e+00 : f32
        %max3A_160 = vector.broadcast %max3A_159 : f32 to vector<16xf32>
        %max3A_161 = arith.maximumf %add3A_158, %max3A_160 : vector<16xf32>
        %swap3A_162 = arith.index_cast %scan3A_62 : i32 to index
        %swap3A_163 = arith.constant 112 : index
        %swap3A_164 = tpu.vector_load %arg11[%swap3A_162, %swap3A_163] {strides = array<i32>} : memref<128x128xf32, #tpu.memory_space<vmem>>, vector<16xf32>,
        tpu.vector_store %arg11[%swap3A_162, %swap3A_163], %max3A_161 {strides = array<i32>} : memref<128x128xf32, #tpu.memory_space<vmem>>, vector<16xf32>,
        %scan3A_165 = arith.constant 0 : i32
        scf.yield %scan3A_165 : i32
      }
      %scan3A_60 = arith.constant 128 : i32
      "tpu.region"() ({
        %run_scoped3A = tpu.sem_alloc : memref<!tpu.dma_semaphore, #tpu.memory_space<semaphore_mem>>
        %dma_start3A_62 = arith.constant 0 : i32
        %dma_start3A_63 = tpu.memref_slice %arg9[%scan3A_23, %dma_start3A_62] : memref<32x128xi32, #tpu.memory_space<vmem>> -> memref<1x128xi32, #tpu.memory_space<vmem>>
        %dma_start3A_64 = tpu.memref_squeeze %dma_start3A_63 : memref<1x128xi32, #tpu.memory_space<vmem>> -> memref<128xi32, #tpu.memory_space<vmem>>
        %dma_start3A_65 = arith.constant 0 : i32
        %dma_start3A_66 = arith.constant 0 : i32
        %dma_start3A_67 = tpu.memref_slice %arg12[%dma_start3A_65, %dma_start3A_66] : memref<8192x128xf32, #tpu.memory_space<vmem_shared>> -> memref<8192x128xf32, #tpu.memory_space<vmem_shared>>
        tpu.enqueue_indirect_dma source(%arg11 : memref<128x128xf32, #tpu.memory_space<vmem>>) target(%dma_start3A_67 : memref<8192x128xf32, #tpu.memory_space<vmem_shared>>) offsets(%dma_start3A_64 : memref<128xi32, #tpu.memory_space<vmem>>) semaphore(%run_scoped3A : memref<!tpu.dma_semaphore, #tpu.memory_space<semaphore_mem>>) {add = true}
        %dma_wait3A_68 = arith.constant 0 : i32
        %dma_wait3A_69 = tpu.memref_slice %arg9[%scan3A_23, %dma_wait3A_68] : memref<32x128xi32, #tpu.memory_space<vmem>> -> memref<1x128xi32, #tpu.memory_space<vmem>>
        %dma_wait3A_70 = tpu.memref_squeeze %dma_wait3A_69 : memref<1x128xi32, #tpu.memory_space<vmem>> -> memref<128xi32, #tpu.memory_space<vmem>>
        %dma_wait3A_71 = arith.constant 0 : i32
        %dma_wait3A_72 = arith.constant 0 : i32
        %dma_wait3A_73 = tpu.memref_slice %arg12[%dma_wait3A_71, %dma_wait3A_72] : memref<8192x128xf32, #tpu.memory_space<vmem_shared>> -> memref<8192x128xf32, #tpu.memory_space<vmem_shared>>
        tpu.wait_indirect_dma semaphore(%run_scoped3A : memref<!tpu.dma_semaphore, #tpu.memory_space<semaphore_mem>>) src(%arg11 : memref<128x128xf32, #tpu.memory_space<vmem>>) dst(%dma_wait3A_73 : memref<8192x128xf32, #tpu.memory_space<vmem_shared>>)
        tpu.yield
      }) : () -> ()
      %scan3A_61 = arith.constant 0 : i32
      scf.yield %scan3A_61 : i32
    }
    %scan3A_14 = arith.constant 32 : i32
    %barrier3A_15 = arith.constant 0 : index
    tpu.barrier barrier_id(%barrier3A_15)
    %mul3A_16 = arith.constant 512 : i32
    %mul3A_17 = arith.muli %arg1, %mul3A_16 : i32
    %mul3A_18 = arith.constant 8192 : i32
    %mul3A_19 = arith.muli %arg0, %mul3A_18 : i32
    %mul3A_20 = arith.constant 512 : i32
    %mul3A_21 = arith.muli %arg1, %mul3A_20 : i32
    %add3A_22 = arith.addi %mul3A_19, %mul3A_21 : i32
    "tpu.region"() ({
      %run_scoped3A = tpu.sem_alloc : memref<!tpu.dma_semaphore, #tpu.memory_space<semaphore_mem>>
      %dma_start3A = arith.constant 0 : i32
      %dma_start3A_23 = tpu.memref_slice %arg7[%add3A_22, %dma_start3A] : memref<16384x128xf32, #tpu.memory_space<hbm>> -> memref<512x128xf32, #tpu.memory_space<hbm>>
      %dma_start3A_24 = arith.constant 0 : i32
      %dma_start3A_25 = tpu.memref_slice %arg12[%mul3A_17, %dma_start3A_24] : memref<8192x128xf32, #tpu.memory_space<vmem_shared>> -> memref<512x128xf32, #tpu.memory_space<vmem_shared>>
      tpu.enqueue_dma source(%dma_start3A_25 : memref<512x128xf32, #tpu.memory_space<vmem_shared>>) target(%dma_start3A_23 : memref<512x128xf32, #tpu.memory_space<hbm>>) target_semaphore(%run_scoped3A : memref<!tpu.dma_semaphore, #tpu.memory_space<semaphore_mem>>)
      %dma_wait3A = arith.constant 0 : i32
      %dma_wait3A_26 = tpu.memref_slice %arg7[%add3A_22, %dma_wait3A] : memref<16384x128xf32, #tpu.memory_space<hbm>> -> memref<512x128xf32, #tpu.memory_space<hbm>>
      %dma_wait3A_27 = arith.constant 0 : i32
      %dma_wait3A_28 = tpu.memref_slice %arg12[%mul3A_17, %dma_wait3A_27] : memref<8192x128xf32, #tpu.memory_space<vmem_shared>> -> memref<512x128xf32, #tpu.memory_space<vmem_shared>>
      tpu.wait_dma2 semaphore(%run_scoped3A : memref<!tpu.dma_semaphore, #tpu.memory_space<semaphore_mem>>) src(%dma_wait3A_28 : memref<512x128xf32, #tpu.memory_space<vmem_shared>>) dst(%dma_wait3A_26 : memref<512x128xf32, #tpu.memory_space<hbm>>)
      tpu.yield
    }) : () -> ()
    return
  }
}

#map = affine_map<(d0, d1) -> (0, 0)>
#map1 = affine_map<(d0, d1) -> (0)>
module attributes {stable_mosaic.version = 14 : i64} {
  func.func @k(%arg0: i32, %arg1: i32, %arg2: memref<500x64xf32, #tpu.memory_space<hbm>>, %arg3: memref<6144xi32, #tpu.memory_space<hbm>>, %arg4: memref<6144x64xf32, #tpu.memory_space<hbm>>, %arg5: memref<192xi32, #tpu.memory_space<vmem>>, %arg6: memref<192x64xf32, #tpu.memory_space<vmem>>, %arg7: memref<!tpu.dma_semaphore, #tpu.memory_space<semaphore_mem>>) attributes {dimension_semantics = [#tpu.dimension_semantics<core_parallel>, #tpu.dimension_semantics<subcore_parallel>], iteration_bounds = array<i64: 2, 16>, scalar_prefetch = 0 : i64, scratch_operands = 3 : i64, tpu.core_type = #tpu.core_type<sc_vector_subcore>, window_params = [{transform_indices = #map}, {transform_indices = #map1}, {transform_indices = #map}]} {
    %mul3A = arith.constant 2 : i32
    %mul3A_0 = arith.muli %arg1, %mul3A : i32
    %add3A = arith.addi %mul3A_0, %arg0 : i32
    %mul3A_1 = arith.constant 192 : i32
    %mul3A_2 = arith.muli %add3A, %mul3A_1 : i32
    "tpu.region"() ({
      %run_scoped3A = tpu.sem_alloc : memref<!tpu.dma_semaphore, #tpu.memory_space<semaphore_mem>>
      %dma_start3A_33 = tpu.memref_slice %arg3[%mul3A_2] : memref<6144xi32, #tpu.memory_space<hbm>> -> memref<192xi32, #tpu.memory_space<hbm>>
      %dma_start3A_34 = tpu.memref_slice %arg3[%mul3A_2] : memref<6144xi32, #tpu.memory_space<hbm>> -> memref<192xi32, #tpu.memory_space<hbm>>
      tpu.enqueue_dma source(%dma_start3A_34 : memref<192xi32, #tpu.memory_space<hbm>>) target(%arg5 : memref<192xi32, #tpu.memory_space<vmem>>) target_semaphore(%run_scoped3A : memref<!tpu.dma_semaphore, #tpu.memory_space<semaphore_mem>>)
      %dma_wait3A_35 = tpu.memref_slice %arg3[%mul3A_2] : memref<6144xi32, #tpu.memory_space<hbm>> -> memref<192xi32, #tpu.memory_space<hbm>>
      %dma_wait3A_36 = tpu.memref_slice %arg3[%mul3A_2] : memref<6144xi32, #tpu.memory_space<hbm>> -> memref<192xi32, #tpu.memory_space<hbm>>
      tpu.wait_dma2 semaphore(%run_scoped3A : memref<!tpu.dma_semaphore, #tpu.memory_space<semaphore_mem>>) src(%dma_wait3A_36 : memref<192xi32, #tpu.memory_space<hbm>>) dst(%arg5 : memref<192xi32, #tpu.memory_space<vmem>>)
      tpu.yield
    }) : () -> ()
    %dma_start3A = arith.constant 0 : i32
    %dma_start3A_3 = arith.constant 0 : i32
    %dma_start3A_4 = tpu.memref_slice %arg6[%dma_start3A, %dma_start3A_3] : memref<192x64xf32, #tpu.memory_space<vmem>> -> memref<96x64xf32, #tpu.memory_space<vmem>>
    %dma_start3A_5 = arith.constant 0 : i32
    %dma_start3A_6 = tpu.memref_slice %arg5[%dma_start3A_5] : memref<192xi32, #tpu.memory_space<vmem>> -> memref<96xi32, #tpu.memory_space<vmem>>
    %dma_start3A_7 = arith.constant 0 : i32
    %dma_start3A_8 = arith.constant 0 : i32
    %dma_start3A_9 = tpu.memref_slice %arg2[%dma_start3A_7, %dma_start3A_8] : memref<500x64xf32, #tpu.memory_space<hbm>> -> memref<500x64xf32, #tpu.memory_space<hbm>>
    tpu.enqueue_indirect_dma source(%dma_start3A_9 : memref<500x64xf32, #tpu.memory_space<hbm>>) target(%dma_start3A_4 : memref<96x64xf32, #tpu.memory_space<vmem>>) offsets(%dma_start3A_6 : memref<96xi32, #tpu.memory_space<vmem>>) semaphore(%arg7 : memref<!tpu.dma_semaphore, #tpu.memory_space<semaphore_mem>>)
    %dma_start3A_10 = arith.constant 96 : i32
    %dma_start3A_11 = arith.constant 0 : i32
    %dma_start3A_12 = tpu.memref_slice %arg6[%dma_start3A_10, %dma_start3A_11] : memref<192x64xf32, #tpu.memory_space<vmem>> -> memref<96x64xf32, #tpu.memory_space<vmem>>
    %dma_start3A_13 = arith.constant 96 : i32
    %dma_start3A_14 = tpu.memref_slice %arg5[%dma_start3A_13] : memref<192xi32, #tpu.memory_space<vmem>> -> memref<96xi32, #tpu.memory_space<vmem>>
    %dma_start3A_15 = arith.constant 0 : i32
    %dma_start3A_16 = arith.constant 0 : i32
    %dma_start3A_17 = tpu.memref_slice %arg2[%dma_start3A_15, %dma_start3A_16] : memref<500x64xf32, #tpu.memory_space<hbm>> -> memref<500x64xf32, #tpu.memory_space<hbm>>
    tpu.enqueue_indirect_dma source(%dma_start3A_17 : memref<500x64xf32, #tpu.memory_space<hbm>>) target(%dma_start3A_12 : memref<96x64xf32, #tpu.memory_space<vmem>>) offsets(%dma_start3A_14 : memref<96xi32, #tpu.memory_space<vmem>>) semaphore(%arg7 : memref<!tpu.dma_semaphore, #tpu.memory_space<semaphore_mem>>)
    %dma_wait3A = arith.constant 0 : i32
    %dma_wait3A_18 = arith.constant 0 : i32
    %dma_wait3A_19 = tpu.memref_slice %arg6[%dma_wait3A, %dma_wait3A_18] : memref<192x64xf32, #tpu.memory_space<vmem>> -> memref<96x64xf32, #tpu.memory_space<vmem>>
    %dma_wait3A_20 = arith.constant 0 : i32
    %dma_wait3A_21 = tpu.memref_slice %arg5[%dma_wait3A_20] : memref<192xi32, #tpu.memory_space<vmem>> -> memref<96xi32, #tpu.memory_space<vmem>>
    %dma_wait3A_22 = arith.constant 0 : i32
    %dma_wait3A_23 = arith.constant 0 : i32
    %dma_wait3A_24 = tpu.memref_slice %arg2[%dma_wait3A_22, %dma_wait3A_23] : memref<500x64xf32, #tpu.memory_space<hbm>> -> memref<500x64xf32, #tpu.memory_space<hbm>>
    tpu.wait_indirect_dma semaphore(%arg7 : memref<!tpu.dma_semaphore, #tpu.memory_space<semaphore_mem>>) src(%dma_wait3A_24 : memref<500x64xf32, #tpu.memory_space<hbm>>) dst(%dma_wait3A_19 : memref<96x64xf32, #tpu.memory_space<vmem>>)
    %dma_wait3A_25 = arith.constant 96 : i32
    %dma_wait3A_26 = arith.constant 0 : i32
    %dma_wait3A_27 = tpu.memref_slice %arg6[%dma_wait3A_25, %dma_wait3A_26] : memref<192x64xf32, #tpu.memory_space<vmem>> -> memref<96x64xf32, #tpu.memory_space<vmem>>
    %dma_wait3A_28 = arith.constant 96 : i32
    %dma_wait3A_29 = tpu.memref_slice %arg5[%dma_wait3A_28] : memref<192xi32, #tpu.memory_space<vmem>> -> memref<96xi32, #tpu.memory_space<vmem>>
    %dma_wait3A_30 = arith.constant 0 : i32
    %dma_wait3A_31 = arith.constant 0 : i32
    %dma_wait3A_32 = tpu.memref_slice %arg2[%dma_wait3A_30, %dma_wait3A_31] : memref<500x64xf32, #tpu.memory_space<hbm>> -> memref<500x64xf32, #tpu.memory_space<hbm>>
    tpu.wait_indirect_dma semaphore(%arg7 : memref<!tpu.dma_semaphore, #tpu.memory_space<semaphore_mem>>) src(%dma_wait3A_32 : memref<500x64xf32, #tpu.memory_space<hbm>>) dst(%dma_wait3A_27 : memref<96x64xf32, #tpu.memory_space<vmem>>)
    "tpu.region"() ({
      %run_scoped3A = tpu.sem_alloc : memref<!tpu.dma_semaphore, #tpu.memory_space<semaphore_mem>>
      %dma_start3A_33 = arith.constant 0 : i32
      %dma_start3A_34 = tpu.memref_slice %arg4[%mul3A_2, %dma_start3A_33] : memref<6144x64xf32, #tpu.memory_space<hbm>> -> memref<192x64xf32, #tpu.memory_space<hbm>>
      %dma_start3A_35 = arith.constant 0 : i32
      %dma_start3A_36 = tpu.memref_slice %arg4[%mul3A_2, %dma_start3A_35] : memref<6144x64xf32, #tpu.memory_space<hbm>> -> memref<192x64xf32, #tpu.memory_space<hbm>>
      tpu.enqueue_dma source(%arg6 : memref<192x64xf32, #tpu.memory_space<vmem>>) target(%dma_start3A_36 : memref<192x64xf32, #tpu.memory_space<hbm>>) target_semaphore(%run_scoped3A : memref<!tpu.dma_semaphore, #tpu.memory_space<semaphore_mem>>)
      %dma_wait3A_37 = arith.constant 0 : i32
      %dma_wait3A_38 = tpu.memref_slice %arg4[%mul3A_2, %dma_wait3A_37] : memref<6144x64xf32, #tpu.memory_space<hbm>> -> memref<192x64xf32, #tpu.memory_space<hbm>>
      %dma_wait3A_39 = arith.constant 0 : i32
      %dma_wait3A_40 = tpu.memref_slice %arg4[%mul3A_2, %dma_wait3A_39] : memref<6144x64xf32, #tpu.memory_space<hbm>> -> memref<192x64xf32, #tpu.memory_space<hbm>>
      tpu.wait_dma2 semaphore(%run_scoped3A : memref<!tpu.dma_semaphore, #tpu.memory_space<semaphore_mem>>) src(%arg6 : memref<192x64xf32, #tpu.memory_space<vmem>>) dst(%dma_wait3A_40 : memref<192x64xf32, #tpu.memory_space<hbm>>)
      tpu.yield
    }) : () -> ()
    return
  }
}

#map = affine_map<(d0, d1) -> (0, 0)>
#map1 = affine_map<(d0, d1) -> (0, 0, 0)>
module attributes {stable_mosaic.version = 14 : i64} {
  func.func @k(%arg0: i32, %arg1: i32, %arg2: memref<8192x128xf32, #tpu.memory_space<hbm>>, %arg3: memref<1024x128xi32, #tpu.memory_space<hbm>>, %arg4: memref<1024x128xi32, #tpu.memory_space<hbm>>, %arg5: memref<4x131072x128xf32, #tpu.memory_space<hbm>>, %arg6: memref<512x128xf32, #tpu.memory_space<hbm>>, %arg7: memref<16384x128xf32, #tpu.memory_space<hbm>>, %arg8: memref<32x128xi32, #tpu.memory_space<vmem>>, %arg9: memref<32x128xi32, #tpu.memory_space<vmem>>, %arg10: memref<128x128xf32, #tpu.memory_space<vmem>>, %arg11: memref<128x128xf32, #tpu.memory_space<vmem>>, %arg12: memref<8192x128xf32, #tpu.memory_space<vmem_shared>>, %arg13: memref<!tpu.dma_semaphore, #tpu.memory_space<semaphore_mem>>, %arg14: memref<!tpu.dma_semaphore, #tpu.memory_space<semaphore_mem>>) attributes {dimension_semantics = [#tpu.dimension_semantics<core_parallel>, #tpu.dimension_semantics<subcore_parallel>], iteration_bounds = array<i64: 2, 16>, scalar_prefetch = 0 : i64, scratch_operands = 7 : i64, tpu.core_type = #tpu.core_type<sc_vector_subcore>, window_params = [{transform_indices = #map}, {transform_indices = #map}, {transform_indices = #map}, {transform_indices = #map1}, {transform_indices = #map}, {transform_indices = #map}]} {
    %mul3A = arith.constant 16 : i32
    %mul3A_0 = arith.muli %arg0, %mul3A : i32
    %add3A = arith.addi %mul3A_0, %arg1 : i32
    %mul3A_1 = arith.constant 32 : i32
    %mul3A_2 = arith.muli %add3A, %mul3A_1 : i32
    "tpu.region"() ({
      %run_scoped3A = tpu.sem_alloc : memref<!tpu.dma_semaphore, #tpu.memory_space<semaphore_mem>>
      %dma_start3A = arith.constant 0 : i32
      %dma_start3A_23 = tpu.memref_slice %arg3[%mul3A_2, %dma_start3A] : memref<1024x128xi32, #tpu.memory_space<hbm>> -> memref<32x128xi32, #tpu.memory_space<hbm>>
      %dma_start3A_24 = arith.constant 0 : i32
      %dma_start3A_25 = tpu.memref_slice %arg3[%mul3A_2, %dma_start3A_24] : memref<1024x128xi32, #tpu.memory_space<hbm>> -> memref<32x128xi32, #tpu.memory_space<hbm>>
      tpu.enqueue_dma source(%dma_start3A_25 : memref<32x128xi32, #tpu.memory_space<hbm>>) target(%arg8 : memref<32x128xi32, #tpu.memory_space<vmem>>) target_semaphore(%run_scoped3A : memref<!tpu.dma_semaphore, #tpu.memory_space<semaphore_mem>>)
      %dma_wait3A = arith.constant 0 : i32
      %dma_wait3A_26 = tpu.memref_slice %arg3[%mul3A_2, %dma_wait3A] : memref<1024x128xi32, #tpu.memory_space<hbm>> -> memref<32x128xi32, #tpu.memory_space<hbm>>
      %dma_wait3A_27 = arith.constant 0 : i32
      %dma_wait3A_28 = tpu.memref_slice %arg3[%mul3A_2, %dma_wait3A_27] : memref<1024x128xi32, #tpu.memory_space<hbm>> -> memref<32x128xi32, #tpu.memory_space<hbm>>
      tpu.wait_dma2 semaphore(%run_scoped3A : memref<!tpu.dma_semaphore, #tpu.memory_space<semaphore_mem>>) src(%dma_wait3A_28 : memref<32x128xi32, #tpu.memory_space<hbm>>) dst(%arg8 : memref<32x128xi32, #tpu.memory_space<vmem>>)
      tpu.yield
    }) : () -> ()
    %mul3A_3 = arith.constant 32 : i32
    %mul3A_4 = arith.muli %add3A, %mul3A_3 : i32
    "tpu.region"() ({
      %run_scoped3A = tpu.sem_alloc : memref<!tpu.dma_semaphore, #tpu.memory_space<semaphore_mem>>
      %dma_start3A = arith.constant 0 : i32
      %dma_start3A_23 = tpu.memref_slice %arg4[%mul3A_4, %dma_start3A] : memref<1024x128xi32, #tpu.memory_space<hbm>> -> memref<32x128xi32, #tpu.memory_space<hbm>>
      %dma_start3A_24 = arith.constant 0 : i32
      %dma_start3A_25 = tpu.memref_slice %arg4[%mul3A_4, %dma_start3A_24] : memref<1024x128xi32, #tpu.memory_space<hbm>> -> memref<32x128xi32, #tpu.memory_space<hbm>>
      tpu.enqueue_dma source(%dma_start3A_25 : memref<32x128xi32, #tpu.memory_space<hbm>>) target(%arg9 : memref<32x128xi32, #tpu.memory_space<vmem>>) target_semaphore(%run_scoped3A : memref<!tpu.dma_semaphore, #tpu.memory_space<semaphore_mem>>)
      %dma_wait3A = arith.constant 0 : i32
      %dma_wait3A_26 = tpu.memref_slice %arg4[%mul3A_4, %dma_wait3A] : memref<1024x128xi32, #tpu.memory_space<hbm>> -> memref<32x128xi32, #tpu.memory_space<hbm>>
      %dma_wait3A_27 = arith.constant 0 : i32
      %dma_wait3A_28 = tpu.memref_slice %arg4[%mul3A_4, %dma_wait3A_27] : memref<1024x128xi32, #tpu.memory_space<hbm>> -> memref<32x128xi32, #tpu.memory_space<hbm>>
      tpu.wait_dma2 semaphore(%run_scoped3A : memref<!tpu.dma_semaphore, #tpu.memory_space<semaphore_mem>>) src(%dma_wait3A_28 : memref<32x128xi32, #tpu.memory_space<hbm>>) dst(%arg9 : memref<32x128xi32, #tpu.memory_space<vmem>>)
      tpu.yield
    }) : () -> ()
    %mul3A_5 = arith.constant 512 : i32
    %mul3A_6 = arith.muli %arg1, %mul3A_5 : i32
    "tpu.region"() ({
      %run_scoped3A = tpu.sem_alloc : memref<!tpu.dma_semaphore, #tpu.memory_space<semaphore_mem>>
      %dma_start3A = arith.constant 0 : i32
      %dma_start3A_23 = tpu.memref_slice %arg12[%mul3A_6, %dma_start3A] : memref<8192x128xf32, #tpu.memory_space<vmem_shared>> -> memref<512x128xf32, #tpu.memory_space<vmem_shared>>
      tpu.enqueue_dma source(%arg6 : memref<512x128xf32, #tpu.memory_space<hbm>>) target(%dma_start3A_23 : memref<512x128xf32, #tpu.memory_space<vmem_shared>>) target_semaphore(%run_scoped3A : memref<!tpu.dma_semaphore, #tpu.memory_space<semaphore_mem>>)
      %dma_wait3A = arith.constant 0 : i32
      %dma_wait3A_24 = tpu.memref_slice %arg12[%mul3A_6, %dma_wait3A] : memref<8192x128xf32, #tpu.memory_space<vmem_shared>> -> memref<512x128xf32, #tpu.memory_space<vmem_shared>>
      tpu.wait_dma2 semaphore(%run_scoped3A : memref<!tpu.dma_semaphore, #tpu.memory_space<semaphore_mem>>) src(%arg6 : memref<512x128xf32, #tpu.memory_space<hbm>>) dst(%dma_wait3A_24 : memref<512x128xf32, #tpu.memory_space<vmem_shared>>)
      tpu.yield
    }) : () -> ()
    %barrier3A = arith.constant 0 : index
    tpu.barrier barrier_id(%barrier3A)
    %mul3A_7 = arith.constant 4096 : i32
    %mul3A_8 = arith.muli %add3A, %mul3A_7 : i32
    %scan3A = arith.constant 0 : i32
    %scan3A_9 = arith.constant 0 : i32
    %scan3A_10 = arith.constant 32 : i32
    %scan3A_11 = arith.addi %scan3A_9, %scan3A_10 : i32
    %scan3A_12 = arith.constant 1 : i32
    %scan3A_13 = scf.for %scan3A_23 = %scan3A_9 to %scan3A_11 step %scan3A_12 iter_args(%scan3A_24 = %scan3A) -> (i32)  : i32 {
      %mul3A_25 = arith.constant 128 : i32
      %mul3A_26 = arith.muli %scan3A_23, %mul3A_25 : i32
      %add3A_27 = arith.addi %mul3A_8, %mul3A_26 : i32
      %dma_start3A = arith.constant 0 : i32
      %dma_start3A_28 = arith.constant 0 : i32
      %dma_start3A_29 = tpu.memref_slice %arg5[%dma_start3A, %add3A_27, %dma_start3A_28] : memref<4x131072x128xf32, #tpu.memory_space<hbm>> -> memref<1x128x128xf32, #tpu.memory_space<hbm>>
      %dma_start3A_30 = tpu.memref_squeeze %dma_start3A_29 : memref<1x128x128xf32, #tpu.memory_space<hbm>> -> memref<128x128xf32, #tpu.memory_space<hbm>>
      %dma_start3A_31 = arith.constant 0 : i32
      %dma_start3A_32 = tpu.memref_slice %arg5[%dma_start3A, %add3A_27, %dma_start3A_31] : memref<4x131072x128xf32, #tpu.memory_space<hbm>> -> memref<1x128x128xf32, #tpu.memory_space<hbm>>
      %dma_start3A_33 = tpu.memref_squeeze %dma_start3A_32 : memref<1x128x128xf32, #tpu.memory_space<hbm>> -> memref<128x128xf32, #tpu.memory_space<hbm>>
      tpu.enqueue_dma source(%dma_start3A_33 : memref<128x128xf32, #tpu.memory_space<hbm>>) target(%arg10 : memref<128x128xf32, #tpu.memory_space<vmem>>) target_semaphore(%arg13 : memref<!tpu.dma_semaphore, #tpu.memory_space<semaphore_mem>>)
      %dma_start3A_34 = arith.constant 0 : i32
      %dma_start3A_35 = tpu.memref_slice %arg8[%scan3A_23, %dma_start3A_34] : memref<32x128xi32, #tpu.memory_space<vmem>> -> memref<1x128xi32, #tpu.memory_space<vmem>>
      %dma_start3A_36 = tpu.memref_squeeze %dma_start3A_35 : memref<1x128xi32, #tpu.memory_space<vmem>> -> memref<128xi32, #tpu.memory_space<vmem>>
      %dma_start3A_37 = arith.constant 0 : i32
      %dma_start3A_38 = arith.constant 0 : i32
      %dma_start3A_39 = tpu.memref_slice %arg2[%dma_start3A_37, %dma_start3A_38] : memref<8192x128xf32, #tpu.memory_space<hbm>> -> memref<8192x128xf32, #tpu.memory_space<hbm>>
      tpu.enqueue_indirect_dma source(%dma_start3A_39 : memref<8192x128xf32, #tpu.memory_space<hbm>>) target(%arg11 : memref<128x128xf32, #tpu.memory_space<vmem>>) offsets(%dma_start3A_36 : memref<128xi32, #tpu.memory_space<vmem>>) semaphore(%arg14 : memref<!tpu.dma_semaphore, #tpu.memory_space<semaphore_mem>>)
      %dma_wait3A = arith.constant 0 : i32
      %dma_wait3A_40 = arith.constant 0 : i32
      %dma_wait3A_41 = arith.constant 0 : i32
      %dma_wait3A_42 = tpu.memref_slice %arg5[%dma_wait3A, %dma_wait3A_40, %dma_wait3A_41] : memref<4x131072x128xf32, #tpu.memory_space<hbm>> -> memref<1x128x128xf32, #tpu.memory_space<hbm>>
      %dma_wait3A_43 = tpu.memref_squeeze %dma_wait3A_42 : memref<1x128x128xf32, #tpu.memory_space<hbm>> -> memref<128x128xf32, #tpu.memory_space<hbm>>
      %dma_wait3A_44 = arith.constant 0 : i32
      %dma_wait3A_45 = arith.constant 0 : i32
      %dma_wait3A_46 = tpu.memref_slice %arg5[%dma_wait3A, %dma_wait3A_44, %dma_wait3A_45] : memref<4x131072x128xf32, #tpu.memory_space<hbm>> -> memref<1x128x128xf32, #tpu.memory_space<hbm>>
      %dma_wait3A_47 = tpu.memref_squeeze %dma_wait3A_46 : memref<1x128x128xf32, #tpu.memory_space<hbm>> -> memref<128x128xf32, #tpu.memory_space<hbm>>
      tpu.wait_dma2 semaphore(%arg13 : memref<!tpu.dma_semaphore, #tpu.memory_space<semaphore_mem>>) src(%dma_wait3A_47 : memref<128x128xf32, #tpu.memory_space<hbm>>) dst(%arg10 : memref<128x128xf32, #tpu.memory_space<vmem>>)
      %dma_wait3A_48 = arith.constant 0 : i32
      %dma_wait3A_49 = tpu.memref_slice %arg8[%scan3A_23, %dma_wait3A_48] : memref<32x128xi32, #tpu.memory_space<vmem>> -> memref<1x128xi32, #tpu.memory_space<vmem>>
      %dma_wait3A_50 = tpu.memref_squeeze %dma_wait3A_49 : memref<1x128xi32, #tpu.memory_space<vmem>> -> memref<128xi32, #tpu.memory_space<vmem>>
      %dma_wait3A_51 = arith.constant 0 : i32
      %dma_wait3A_52 = arith.constant 0 : i32
      %dma_wait3A_53 = tpu.memref_slice %arg2[%dma_wait3A_51, %dma_wait3A_52] : memref<8192x128xf32, #tpu.memory_space<hbm>> -> memref<8192x128xf32, #tpu.memory_space<hbm>>
      tpu.wait_indirect_dma semaphore(%arg14 : memref<!tpu.dma_semaphore, #tpu.memory_space<semaphore_mem>>) src(%dma_wait3A_53 : memref<8192x128xf32, #tpu.memory_space<hbm>>) dst(%arg11 : memref<128x128xf32, #tpu.memory_space<vmem>>)
      %scan3A_54 = arith.constant 0 : i32
      %scan3A_55 = arith.constant 0 : i32
      %scan3A_56 = arith.constant 128 : i32
      %scan3A_57 = arith.addi %scan3A_55, %scan3A_56 : i32
      %scan3A_58 = arith.constant 1 : i32
      %scan3A_59 = scf.for %scan3A_62 = %scan3A_55 to %scan3A_57 step %scan3A_58 iter_args(%scan3A_63 = %scan3A_54) -> (i32)  : i32 {
        %get3A = arith.index_cast %scan3A_62 : i32 to index
        %get3A_64 = arith.constant 0 : index
        %get3A_65 = tpu.vector_load %arg11[%get3A, %get3A_64] {strides = array<i32>} : memref<128x128xf32, #tpu.memory_space<vmem>>, vector<16xf32>,
        %get3A_66 = arith.index_cast %scan3A_62 : i32 to index
        %get3A_67 = arith.constant 0 : index
        %get3A_68 = tpu.vector_load %arg10[%get3A_66, %get3A_67] {strides = array<i32>} : memref<128x128xf32, #tpu.memory_space<vmem>>, vector<16xf32>,
        %add3A_69 = arith.addf %get3A_65, %get3A_68 : vector<16xf32>
        %max3A = arith.constant 0.000000e+00 : f32
        %max3A_70 = vector.broadcast %max3A : f32 to vector<16xf32>
        %max3A_71 = arith.maximumf %add3A_69, %max3A_70 : vector<16xf32>
        %swap3A = arith.index_cast %scan3A_62 : i32 to index
        %swap3A_72 = arith.constant 0 : index
        %swap3A_73 = tpu.vector_load %arg11[%swap3A, %swap3A_72] {strides = array<i32>} : memref<128x128xf32, #tpu.memory_space<vmem>>, vector<16xf32>,
        tpu.vector_store %arg11[%swap3A, %swap3A_72], %max3A_71 {strides = array<i32>} : memref<128x128xf32, #tpu.memory_space<vmem>>, vector<16xf32>,
        %get3A_74 = arith.index_cast %scan3A_62 : i32 to index
        %get3A_75 = arith.constant 16 : index
        %get3A_76 = tpu.vector_load %arg11[%get3A_74, %get3A_75] {strides = array<i32>} : memref<128x128xf32, #tpu.memory_space<vmem>>, vector<16xf32>,
        %get3A_77 = arith.index_cast %scan3A_62 : i32 to index
        %get3A_78 = arith.constant 16 : index
        %get3A_79 = tpu.vector_load %arg10[%get3A_77, %get3A_78] {strides = array<i32>} : memref<128x128xf32, #tpu.memory_space<vmem>>, vector<16xf32>,
        %add3A_80 = arith.addf %get3A_76, %get3A_79 : vector<16xf32>
        %max3A_81 = arith.constant 0.000000e+00 : f32
        %max3A_82 = vector.broadcast %max3A_81 : f32 to vector<16xf32>
        %max3A_83 = arith.maximumf %add3A_80, %max3A_82 : vector<16xf32>
        %swap3A_84 = arith.index_cast %scan3A_62 : i32 to index
        %swap3A_85 = arith.constant 16 : index
        %swap3A_86 = tpu.vector_load %arg11[%swap3A_84, %swap3A_85] {strides = array<i32>} : memref<128x128xf32, #tpu.memory_space<vmem>>, vector<16xf32>,
        tpu.vector_store %arg11[%swap3A_84, %swap3A_85], %max3A_83 {strides = array<i32>} : memref<128x128xf32, #tpu.memory_space<vmem>>, vector<16xf32>,
        %get3A_87 = arith.index_cast %scan3A_62 : i32 to index
        %get3A_88 = arith.constant 32 : index
        %get3A_89 = tpu.vector_load %arg11[%get3A_87, %get3A_88] {strides = array<i32>} : memref<128x128xf32, #tpu.memory_space<vmem>>, vector<16xf32>,
        %get3A_90 = arith.index_cast %scan3A_62 : i32 to index
        %get3A_91 = arith.constant 32 : index
        %get3A_92 = tpu.vector_load %arg10[%get3A_90, %get3A_91] {strides = array<i32>} : memref<128x128xf32, #tpu.memory_space<vmem>>, vector<16xf32>,
        %add3A_93 = arith.addf %get3A_89, %get3A_92 : vector<16xf32>
        %max3A_94 = arith.constant 0.000000e+00 : f32
        %max3A_95 = vector.broadcast %max3A_94 : f32 to vector<16xf32>
        %max3A_96 = arith.maximumf %add3A_93, %max3A_95 : vector<16xf32>
        %swap3A_97 = arith.index_cast %scan3A_62 : i32 to index
        %swap3A_98 = arith.constant 32 : index
        %swap3A_99 = tpu.vector_load %arg11[%swap3A_97, %swap3A_98] {strides = array<i32>} : memref<128x128xf32, #tpu.memory_space<vmem>>, vector<16xf32>,
        tpu.vector_store %arg11[%swap3A_97, %swap3A_98], %max3A_96 {strides = array<i32>} : memref<128x128xf32, #tpu.memory_space<vmem>>, vector<16xf32>,
        %get3A_100 = arith.index_cast %scan3A_62 : i32 to index
        %get3A_101 = arith.constant 48 : index
        %get3A_102 = tpu.vector_load %arg11[%get3A_100, %get3A_101] {strides = array<i32>} : memref<128x128xf32, #tpu.memory_space<vmem>>, vector<16xf32>,
        %get3A_103 = arith.index_cast %scan3A_62 : i32 to index
        %get3A_104 = arith.constant 48 : index
        %get3A_105 = tpu.vector_load %arg10[%get3A_103, %get3A_104] {strides = array<i32>} : memref<128x128xf32, #tpu.memory_space<vmem>>, vector<16xf32>,
        %add3A_106 = arith.addf %get3A_102, %get3A_105 : vector<16xf32>
        %max3A_107 = arith.constant 0.000000e+00 : f32
        %max3A_108 = vector.broadcast %max3A_107 : f32 to vector<16xf32>
        %max3A_109 = arith.maximumf %add3A_106, %max3A_108 : vector<16xf32>
        %swap3A_110 = arith.index_cast %scan3A_62 : i32 to index
        %swap3A_111 = arith.constant 48 : index
        %swap3A_112 = tpu.vector_load %arg11[%swap3A_110, %swap3A_111] {strides = array<i32>} : memref<128x128xf32, #tpu.memory_space<vmem>>, vector<16xf32>,
        tpu.vector_store %arg11[%swap3A_110, %swap3A_111], %max3A_109 {strides = array<i32>} : memref<128x128xf32, #tpu.memory_space<vmem>>, vector<16xf32>,
        %get3A_113 = arith.index_cast %scan3A_62 : i32 to index
        %get3A_114 = arith.constant 64 : index
        %get3A_115 = tpu.vector_load %arg11[%get3A_113, %get3A_114] {strides = array<i32>} : memref<128x128xf32, #tpu.memory_space<vmem>>, vector<16xf32>,
        %get3A_116 = arith.index_cast %scan3A_62 : i32 to index
        %get3A_117 = arith.constant 64 : index
        %get3A_118 = tpu.vector_load %arg10[%get3A_116, %get3A_117] {strides = array<i32>} : memref<128x128xf32, #tpu.memory_space<vmem>>, vector<16xf32>,
        %add3A_119 = arith.addf %get3A_115, %get3A_118 : vector<16xf32>
        %max3A_120 = arith.constant 0.000000e+00 : f32
        %max3A_121 = vector.broadcast %max3A_120 : f32 to vector<16xf32>
        %max3A_122 = arith.maximumf %add3A_119, %max3A_121 : vector<16xf32>
        %swap3A_123 = arith.index_cast %scan3A_62 : i32 to index
        %swap3A_124 = arith.constant 64 : index
        %swap3A_125 = tpu.vector_load %arg11[%swap3A_123, %swap3A_124] {strides = array<i32>} : memref<128x128xf32, #tpu.memory_space<vmem>>, vector<16xf32>,
        tpu.vector_store %arg11[%swap3A_123, %swap3A_124], %max3A_122 {strides = array<i32>} : memref<128x128xf32, #tpu.memory_space<vmem>>, vector<16xf32>,
        %get3A_126 = arith.index_cast %scan3A_62 : i32 to index
        %get3A_127 = arith.constant 80 : index
        %get3A_128 = tpu.vector_load %arg11[%get3A_126, %get3A_127] {strides = array<i32>} : memref<128x128xf32, #tpu.memory_space<vmem>>, vector<16xf32>,
        %get3A_129 = arith.index_cast %scan3A_62 : i32 to index
        %get3A_130 = arith.constant 80 : index
        %get3A_131 = tpu.vector_load %arg10[%get3A_129, %get3A_130] {strides = array<i32>} : memref<128x128xf32, #tpu.memory_space<vmem>>, vector<16xf32>,
        %add3A_132 = arith.addf %get3A_128, %get3A_131 : vector<16xf32>
        %max3A_133 = arith.constant 0.000000e+00 : f32
        %max3A_134 = vector.broadcast %max3A_133 : f32 to vector<16xf32>
        %max3A_135 = arith.maximumf %add3A_132, %max3A_134 : vector<16xf32>
        %swap3A_136 = arith.index_cast %scan3A_62 : i32 to index
        %swap3A_137 = arith.constant 80 : index
        %swap3A_138 = tpu.vector_load %arg11[%swap3A_136, %swap3A_137] {strides = array<i32>} : memref<128x128xf32, #tpu.memory_space<vmem>>, vector<16xf32>,
        tpu.vector_store %arg11[%swap3A_136, %swap3A_137], %max3A_135 {strides = array<i32>} : memref<128x128xf32, #tpu.memory_space<vmem>>, vector<16xf32>,
        %get3A_139 = arith.index_cast %scan3A_62 : i32 to index
        %get3A_140 = arith.constant 96 : index
        %get3A_141 = tpu.vector_load %arg11[%get3A_139, %get3A_140] {strides = array<i32>} : memref<128x128xf32, #tpu.memory_space<vmem>>, vector<16xf32>,
        %get3A_142 = arith.index_cast %scan3A_62 : i32 to index
        %get3A_143 = arith.constant 96 : index
        %get3A_144 = tpu.vector_load %arg10[%get3A_142, %get3A_143] {strides = array<i32>} : memref<128x128xf32, #tpu.memory_space<vmem>>, vector<16xf32>,
        %add3A_145 = arith.addf %get3A_141, %get3A_144 : vector<16xf32>
        %max3A_146 = arith.constant 0.000000e+00 : f32
        %max3A_147 = vector.broadcast %max3A_146 : f32 to vector<16xf32>
        %max3A_148 = arith.maximumf %add3A_145, %max3A_147 : vector<16xf32>
        %swap3A_149 = arith.index_cast %scan3A_62 : i32 to index
        %swap3A_150 = arith.constant 96 : index
        %swap3A_151 = tpu.vector_load %arg11[%swap3A_149, %swap3A_150] {strides = array<i32>} : memref<128x128xf32, #tpu.memory_space<vmem>>, vector<16xf32>,
        tpu.vector_store %arg11[%swap3A_149, %swap3A_150], %max3A_148 {strides = array<i32>} : memref<128x128xf32, #tpu.memory_space<vmem>>, vector<16xf32>,
        %get3A_152 = arith.index_cast %scan3A_62 : i32 to index
        %get3A_153 = arith.constant 112 : index
        %get3A_154 = tpu.vector_load %arg11[%get3A_152, %get3A_153] {strides = array<i32>} : memref<128x128xf32, #tpu.memory_space<vmem>>, vector<16xf32>,
        %get3A_155 = arith.index_cast %scan3A_62 : i32 to index
        %get3A_156 = arith.constant 112 : index
        %get3A_157 = tpu.vector_load %arg10[%get3A_155, %get3A_156] {strides = array<i32>} : memref<128x128xf32, #tpu.memory_space<vmem>>, vector<16xf32>,
        %add3A_158 = arith.addf %get3A_154, %get3A_157 : vector<16xf32>
        %max3A_159 = arith.constant 0.000000e+00 : f32
        %max3A_160 = vector.broadcast %max3A_159 : f32 to vector<16xf32>
        %max3A_161 = arith.maximumf %add3A_158, %max3A_160 : vector<16xf32>
        %swap3A_162 = arith.index_cast %scan3A_62 : i32 to index
        %swap3A_163 = arith.constant 112 : index
        %swap3A_164 = tpu.vector_load %arg11[%swap3A_162, %swap3A_163] {strides = array<i32>} : memref<128x128xf32, #tpu.memory_space<vmem>>, vector<16xf32>,
        tpu.vector_store %arg11[%swap3A_162, %swap3A_163], %max3A_161 {strides = array<i32>} : memref<128x128xf32, #tpu.memory_space<vmem>>, vector<16xf32>,
        %scan3A_165 = arith.constant 0 : i32
        scf.yield %scan3A_165 : i32
      }
      %scan3A_60 = arith.constant 128 : i32
      "tpu.region"() ({
        %run_scoped3A = tpu.sem_alloc : memref<!tpu.dma_semaphore, #tpu.memory_space<semaphore_mem>>
        %dma_start3A_62 = arith.constant 0 : i32
        %dma_start3A_63 = tpu.memref_slice %arg9[%scan3A_23, %dma_start3A_62] : memref<32x128xi32, #tpu.memory_space<vmem>> -> memref<1x128xi32, #tpu.memory_space<vmem>>
        %dma_start3A_64 = tpu.memref_squeeze %dma_start3A_63 : memref<1x128xi32, #tpu.memory_space<vmem>> -> memref<128xi32, #tpu.memory_space<vmem>>
        %dma_start3A_65 = arith.constant 0 : i32
        %dma_start3A_66 = arith.constant 0 : i32
        %dma_start3A_67 = tpu.memref_slice %arg12[%dma_start3A_65, %dma_start3A_66] : memref<8192x128xf32, #tpu.memory_space<vmem_shared>> -> memref<8192x128xf32, #tpu.memory_space<vmem_shared>>
        tpu.enqueue_indirect_dma source(%arg11 : memref<128x128xf32, #tpu.memory_space<vmem>>) target(%dma_start3A_67 : memref<8192x128xf32, #tpu.memory_space<vmem_shared>>) offsets(%dma_start3A_64 : memref<128xi32, #tpu.memory_space<vmem>>) semaphore(%run_scoped3A : memref<!tpu.dma_semaphore, #tpu.memory_space<semaphore_mem>>) {add = true}
        %dma_wait3A_68 = arith.constant 0 : i32
        %dma_wait3A_69 = tpu.memref_slice %arg9[%scan3A_23, %dma_wait3A_68] : memref<32x128xi32, #tpu.memory_space<vmem>> -> memref<1x128xi32, #tpu.memory_space<vmem>>
        %dma_wait3A_70 = tpu.memref_squeeze %dma_wait3A_69 : memref<1x128xi32, #tpu.memory_space<vmem>> -> memref<128xi32, #tpu.memory_space<vmem>>
        %dma_wait3A_71 = arith.constant 0 : i32
        %dma_wait3A_72 = arith.constant 0 : i32
        %dma_wait3A_73 = tpu.memref_slice %arg12[%dma_wait3A_71, %dma_wait3A_72] : memref<8192x128xf32, #tpu.memory_space<vmem_shared>> -> memref<8192x128xf32, #tpu.memory_space<vmem_shared>>
        tpu.wait_indirect_dma semaphore(%run_scoped3A : memref<!tpu.dma_semaphore, #tpu.memory_space<semaphore_mem>>) src(%arg11 : memref<128x128xf32, #tpu.memory_space<vmem>>) dst(%dma_wait3A_73 : memref<8192x128xf32, #tpu.memory_space<vmem_shared>>)
        tpu.yield
      }) : () -> ()
      %scan3A_61 = arith.constant 0 : i32
      scf.yield %scan3A_61 : i32
    }
    %scan3A_14 = arith.constant 32 : i32
    %barrier3A_15 = arith.constant 0 : index
    tpu.barrier barrier_id(%barrier3A_15)
    %mul3A_16 = arith.constant 512 : i32
    %mul3A_17 = arith.muli %arg1, %mul3A_16 : i32
    %mul3A_18 = arith.constant 8192 : i32
    %mul3A_19 = arith.muli %arg0, %mul3A_18 : i32
    %mul3A_20 = arith.constant 512 : i32
    %mul3A_21 = arith.muli %arg1, %mul3A_20 : i32
    %add3A_22 = arith.addi %mul3A_19, %mul3A_21 : i32
    "tpu.region"() ({
      %run_scoped3A = tpu.sem_alloc : memref<!tpu.dma_semaphore, #tpu.memory_space<semaphore_mem>>
      %dma_start3A = arith.constant 0 : i32
      %dma_start3A_23 = tpu.memref_slice %arg7[%add3A_22, %dma_start3A] : memref<16384x128xf32, #tpu.memory_space<hbm>> -> memref<512x128xf32, #tpu.memory_space<hbm>>
      %dma_start3A_24 = arith.constant 0 : i32
      %dma_start3A_25 = tpu.memref_slice %arg12[%mul3A_17, %dma_start3A_24] : memref<8192x128xf32, #tpu.memory_space<vmem_shared>> -> memref<512x128xf32, #tpu.memory_space<vmem_shared>>
      tpu.enqueue_dma source(%dma_start3A_25 : memref<512x128xf32, #tpu.memory_space<vmem_shared>>) target(%dma_start3A_23 : memref<512x128xf32, #tpu.memory_space<hbm>>) target_semaphore(%run_scoped3A : memref<!tpu.dma_semaphore, #tpu.memory_space<semaphore_mem>>)
      %dma_wait3A = arith.constant 0 : i32
      %dma_wait3A_26 = tpu.memref_slice %arg7[%add3A_22, %dma_wait3A] : memref<16384x128xf32, #tpu.memory_space<hbm>> -> memref<512x128xf32, #tpu.memory_space<hbm>>
      %dma_wait3A_27 = arith.constant 0 : i32
      %dma_wait3A_28 = tpu.memref_slice %arg12[%mul3A_17, %dma_wait3A_27] : memref<8192x128xf32, #tpu.memory_space<vmem_shared>> -> memref<512x128xf32, #tpu.memory_space<vmem_shared>>
      tpu.wait_dma2 semaphore(%run_scoped3A : memref<!tpu.dma_semaphore, #tpu.memory_space<semaphore_mem>>) src(%dma_wait3A_28 : memref<512x128xf32, #tpu.memory_space<vmem_shared>>) dst(%dma_wait3A_26 : memref<512x128xf32, #tpu.memory_space<hbm>>)
      tpu.yield
    }) : () -> ()
    return
  }
}

#map = affine_map<(d0, d1) -> (0, 0)>
#map1 = affine_map<(d0, d1) -> (0, 0, 0)>
module attributes {stable_mosaic.version = 14 : i64} {
  func.func @k(%arg0: i32, %arg1: i32, %arg2: memref<8192x128xf32, #tpu.memory_space<hbm>>, %arg3: memref<1024x128xi32, #tpu.memory_space<hbm>>, %arg4: memref<1024x128xi32, #tpu.memory_space<hbm>>, %arg5: memref<4x131072x128xf32, #tpu.memory_space<hbm>>, %arg6: memref<512x128xf32, #tpu.memory_space<hbm>>, %arg7: memref<16384x128xf32, #tpu.memory_space<hbm>>, %arg8: memref<32x128xi32, #tpu.memory_space<vmem>>, %arg9: memref<32x128xi32, #tpu.memory_space<vmem>>, %arg10: memref<128x128xf32, #tpu.memory_space<vmem>>, %arg11: memref<128x128xf32, #tpu.memory_space<vmem>>, %arg12: memref<8192x128xf32, #tpu.memory_space<vmem_shared>>, %arg13: memref<!tpu.dma_semaphore, #tpu.memory_space<semaphore_mem>>, %arg14: memref<!tpu.dma_semaphore, #tpu.memory_space<semaphore_mem>>) attributes {dimension_semantics = [#tpu.dimension_semantics<core_parallel>, #tpu.dimension_semantics<subcore_parallel>], iteration_bounds = array<i64: 2, 16>, scalar_prefetch = 0 : i64, scratch_operands = 7 : i64, tpu.core_type = #tpu.core_type<sc_vector_subcore>, window_params = [{transform_indices = #map}, {transform_indices = #map}, {transform_indices = #map}, {transform_indices = #map1}, {transform_indices = #map}, {transform_indices = #map}]} {
    %mul3A = arith.constant 16 : i32
    %mul3A_0 = arith.muli %arg0, %mul3A : i32
    %add3A = arith.addi %mul3A_0, %arg1 : i32
    %mul3A_1 = arith.constant 32 : i32
    %mul3A_2 = arith.muli %add3A, %mul3A_1 : i32
    "tpu.region"() ({
      %run_scoped3A = tpu.sem_alloc : memref<!tpu.dma_semaphore, #tpu.memory_space<semaphore_mem>>
      %dma_start3A = arith.constant 0 : i32
      %dma_start3A_23 = tpu.memref_slice %arg3[%mul3A_2, %dma_start3A] : memref<1024x128xi32, #tpu.memory_space<hbm>> -> memref<32x128xi32, #tpu.memory_space<hbm>>
      %dma_start3A_24 = arith.constant 0 : i32
      %dma_start3A_25 = tpu.memref_slice %arg3[%mul3A_2, %dma_start3A_24] : memref<1024x128xi32, #tpu.memory_space<hbm>> -> memref<32x128xi32, #tpu.memory_space<hbm>>
      tpu.enqueue_dma source(%dma_start3A_25 : memref<32x128xi32, #tpu.memory_space<hbm>>) target(%arg8 : memref<32x128xi32, #tpu.memory_space<vmem>>) target_semaphore(%run_scoped3A : memref<!tpu.dma_semaphore, #tpu.memory_space<semaphore_mem>>)
      %dma_wait3A = arith.constant 0 : i32
      %dma_wait3A_26 = tpu.memref_slice %arg3[%mul3A_2, %dma_wait3A] : memref<1024x128xi32, #tpu.memory_space<hbm>> -> memref<32x128xi32, #tpu.memory_space<hbm>>
      %dma_wait3A_27 = arith.constant 0 : i32
      %dma_wait3A_28 = tpu.memref_slice %arg3[%mul3A_2, %dma_wait3A_27] : memref<1024x128xi32, #tpu.memory_space<hbm>> -> memref<32x128xi32, #tpu.memory_space<hbm>>
      tpu.wait_dma2 semaphore(%run_scoped3A : memref<!tpu.dma_semaphore, #tpu.memory_space<semaphore_mem>>) src(%dma_wait3A_28 : memref<32x128xi32, #tpu.memory_space<hbm>>) dst(%arg8 : memref<32x128xi32, #tpu.memory_space<vmem>>)
      tpu.yield
    }) : () -> ()
    %mul3A_3 = arith.constant 32 : i32
    %mul3A_4 = arith.muli %add3A, %mul3A_3 : i32
    "tpu.region"() ({
      %run_scoped3A = tpu.sem_alloc : memref<!tpu.dma_semaphore, #tpu.memory_space<semaphore_mem>>
      %dma_start3A = arith.constant 0 : i32
      %dma_start3A_23 = tpu.memref_slice %arg4[%mul3A_4, %dma_start3A] : memref<1024x128xi32, #tpu.memory_space<hbm>> -> memref<32x128xi32, #tpu.memory_space<hbm>>
      %dma_start3A_24 = arith.constant 0 : i32
      %dma_start3A_25 = tpu.memref_slice %arg4[%mul3A_4, %dma_start3A_24] : memref<1024x128xi32, #tpu.memory_space<hbm>> -> memref<32x128xi32, #tpu.memory_space<hbm>>
      tpu.enqueue_dma source(%dma_start3A_25 : memref<32x128xi32, #tpu.memory_space<hbm>>) target(%arg9 : memref<32x128xi32, #tpu.memory_space<vmem>>) target_semaphore(%run_scoped3A : memref<!tpu.dma_semaphore, #tpu.memory_space<semaphore_mem>>)
      %dma_wait3A = arith.constant 0 : i32
      %dma_wait3A_26 = tpu.memref_slice %arg4[%mul3A_4, %dma_wait3A] : memref<1024x128xi32, #tpu.memory_space<hbm>> -> memref<32x128xi32, #tpu.memory_space<hbm>>
      %dma_wait3A_27 = arith.constant 0 : i32
      %dma_wait3A_28 = tpu.memref_slice %arg4[%mul3A_4, %dma_wait3A_27] : memref<1024x128xi32, #tpu.memory_space<hbm>> -> memref<32x128xi32, #tpu.memory_space<hbm>>
      tpu.wait_dma2 semaphore(%run_scoped3A : memref<!tpu.dma_semaphore, #tpu.memory_space<semaphore_mem>>) src(%dma_wait3A_28 : memref<32x128xi32, #tpu.memory_space<hbm>>) dst(%arg9 : memref<32x128xi32, #tpu.memory_space<vmem>>)
      tpu.yield
    }) : () -> ()
    %mul3A_5 = arith.constant 512 : i32
    %mul3A_6 = arith.muli %arg1, %mul3A_5 : i32
    "tpu.region"() ({
      %run_scoped3A = tpu.sem_alloc : memref<!tpu.dma_semaphore, #tpu.memory_space<semaphore_mem>>
      %dma_start3A = arith.constant 0 : i32
      %dma_start3A_23 = tpu.memref_slice %arg12[%mul3A_6, %dma_start3A] : memref<8192x128xf32, #tpu.memory_space<vmem_shared>> -> memref<512x128xf32, #tpu.memory_space<vmem_shared>>
      tpu.enqueue_dma source(%arg6 : memref<512x128xf32, #tpu.memory_space<hbm>>) target(%dma_start3A_23 : memref<512x128xf32, #tpu.memory_space<vmem_shared>>) target_semaphore(%run_scoped3A : memref<!tpu.dma_semaphore, #tpu.memory_space<semaphore_mem>>)
      %dma_wait3A = arith.constant 0 : i32
      %dma_wait3A_24 = tpu.memref_slice %arg12[%mul3A_6, %dma_wait3A] : memref<8192x128xf32, #tpu.memory_space<vmem_shared>> -> memref<512x128xf32, #tpu.memory_space<vmem_shared>>
      tpu.wait_dma2 semaphore(%run_scoped3A : memref<!tpu.dma_semaphore, #tpu.memory_space<semaphore_mem>>) src(%arg6 : memref<512x128xf32, #tpu.memory_space<hbm>>) dst(%dma_wait3A_24 : memref<512x128xf32, #tpu.memory_space<vmem_shared>>)
      tpu.yield
    }) : () -> ()
    %barrier3A = arith.constant 0 : index
    tpu.barrier barrier_id(%barrier3A)
    %mul3A_7 = arith.constant 4096 : i32
    %mul3A_8 = arith.muli %add3A, %mul3A_7 : i32
    %scan3A = arith.constant 0 : i32
    %scan3A_9 = arith.constant 0 : i32
    %scan3A_10 = arith.constant 32 : i32
    %scan3A_11 = arith.addi %scan3A_9, %scan3A_10 : i32
    %scan3A_12 = arith.constant 1 : i32
    %scan3A_13 = scf.for %scan3A_23 = %scan3A_9 to %scan3A_11 step %scan3A_12 iter_args(%scan3A_24 = %scan3A) -> (i32)  : i32 {
      %mul3A_25 = arith.constant 128 : i32
      %mul3A_26 = arith.muli %scan3A_23, %mul3A_25 : i32
      %add3A_27 = arith.addi %mul3A_8, %mul3A_26 : i32
      %dma_start3A = arith.constant 2 : i32
      %dma_start3A_28 = arith.constant 0 : i32
      %dma_start3A_29 = tpu.memref_slice %arg5[%dma_start3A, %add3A_27, %dma_start3A_28] : memref<4x131072x128xf32, #tpu.memory_space<hbm>> -> memref<1x128x128xf32, #tpu.memory_space<hbm>>
      %dma_start3A_30 = tpu.memref_squeeze %dma_start3A_29 : memref<1x128x128xf32, #tpu.memory_space<hbm>> -> memref<128x128xf32, #tpu.memory_space<hbm>>
      %dma_start3A_31 = arith.constant 0 : i32
      %dma_start3A_32 = tpu.memref_slice %arg5[%dma_start3A, %add3A_27, %dma_start3A_31] : memref<4x131072x128xf32, #tpu.memory_space<hbm>> -> memref<1x128x128xf32, #tpu.memory_space<hbm>>
      %dma_start3A_33 = tpu.memref_squeeze %dma_start3A_32 : memref<1x128x128xf32, #tpu.memory_space<hbm>> -> memref<128x128xf32, #tpu.memory_space<hbm>>
      tpu.enqueue_dma source(%dma_start3A_33 : memref<128x128xf32, #tpu.memory_space<hbm>>) target(%arg10 : memref<128x128xf32, #tpu.memory_space<vmem>>) target_semaphore(%arg13 : memref<!tpu.dma_semaphore, #tpu.memory_space<semaphore_mem>>)
      %dma_start3A_34 = arith.constant 0 : i32
      %dma_start3A_35 = tpu.memref_slice %arg8[%scan3A_23, %dma_start3A_34] : memref<32x128xi32, #tpu.memory_space<vmem>> -> memref<1x128xi32, #tpu.memory_space<vmem>>
      %dma_start3A_36 = tpu.memref_squeeze %dma_start3A_35 : memref<1x128xi32, #tpu.memory_space<vmem>> -> memref<128xi32, #tpu.memory_space<vmem>>
      %dma_start3A_37 = arith.constant 0 : i32
      %dma_start3A_38 = arith.constant 0 : i32
      %dma_start3A_39 = tpu.memref_slice %arg2[%dma_start3A_37, %dma_start3A_38] : memref<8192x128xf32, #tpu.memory_space<hbm>> -> memref<8192x128xf32, #tpu.memory_space<hbm>>
      tpu.enqueue_indirect_dma source(%dma_start3A_39 : memref<8192x128xf32, #tpu.memory_space<hbm>>) target(%arg11 : memref<128x128xf32, #tpu.memory_space<vmem>>) offsets(%dma_start3A_36 : memref<128xi32, #tpu.memory_space<vmem>>) semaphore(%arg14 : memref<!tpu.dma_semaphore, #tpu.memory_space<semaphore_mem>>)
      %dma_wait3A = arith.constant 2 : i32
      %dma_wait3A_40 = arith.constant 0 : i32
      %dma_wait3A_41 = arith.constant 0 : i32
      %dma_wait3A_42 = tpu.memref_slice %arg5[%dma_wait3A, %dma_wait3A_40, %dma_wait3A_41] : memref<4x131072x128xf32, #tpu.memory_space<hbm>> -> memref<1x128x128xf32, #tpu.memory_space<hbm>>
      %dma_wait3A_43 = tpu.memref_squeeze %dma_wait3A_42 : memref<1x128x128xf32, #tpu.memory_space<hbm>> -> memref<128x128xf32, #tpu.memory_space<hbm>>
      %dma_wait3A_44 = arith.constant 0 : i32
      %dma_wait3A_45 = arith.constant 0 : i32
      %dma_wait3A_46 = tpu.memref_slice %arg5[%dma_wait3A, %dma_wait3A_44, %dma_wait3A_45] : memref<4x131072x128xf32, #tpu.memory_space<hbm>> -> memref<1x128x128xf32, #tpu.memory_space<hbm>>
      %dma_wait3A_47 = tpu.memref_squeeze %dma_wait3A_46 : memref<1x128x128xf32, #tpu.memory_space<hbm>> -> memref<128x128xf32, #tpu.memory_space<hbm>>
      tpu.wait_dma2 semaphore(%arg13 : memref<!tpu.dma_semaphore, #tpu.memory_space<semaphore_mem>>) src(%dma_wait3A_47 : memref<128x128xf32, #tpu.memory_space<hbm>>) dst(%arg10 : memref<128x128xf32, #tpu.memory_space<vmem>>)
      %dma_wait3A_48 = arith.constant 0 : i32
      %dma_wait3A_49 = tpu.memref_slice %arg8[%scan3A_23, %dma_wait3A_48] : memref<32x128xi32, #tpu.memory_space<vmem>> -> memref<1x128xi32, #tpu.memory_space<vmem>>
      %dma_wait3A_50 = tpu.memref_squeeze %dma_wait3A_49 : memref<1x128xi32, #tpu.memory_space<vmem>> -> memref<128xi32, #tpu.memory_space<vmem>>
      %dma_wait3A_51 = arith.constant 0 : i32
      %dma_wait3A_52 = arith.constant 0 : i32
      %dma_wait3A_53 = tpu.memref_slice %arg2[%dma_wait3A_51, %dma_wait3A_52] : memref<8192x128xf32, #tpu.memory_space<hbm>> -> memref<8192x128xf32, #tpu.memory_space<hbm>>
      tpu.wait_indirect_dma semaphore(%arg14 : memref<!tpu.dma_semaphore, #tpu.memory_space<semaphore_mem>>) src(%dma_wait3A_53 : memref<8192x128xf32, #tpu.memory_space<hbm>>) dst(%arg11 : memref<128x128xf32, #tpu.memory_space<vmem>>)
      %scan3A_54 = arith.constant 0 : i32
      %scan3A_55 = arith.constant 0 : i32
      %scan3A_56 = arith.constant 128 : i32
      %scan3A_57 = arith.addi %scan3A_55, %scan3A_56 : i32
      %scan3A_58 = arith.constant 1 : i32
      %scan3A_59 = scf.for %scan3A_62 = %scan3A_55 to %scan3A_57 step %scan3A_58 iter_args(%scan3A_63 = %scan3A_54) -> (i32)  : i32 {
        %get3A = arith.index_cast %scan3A_62 : i32 to index
        %get3A_64 = arith.constant 0 : index
        %get3A_65 = tpu.vector_load %arg11[%get3A, %get3A_64] {strides = array<i32>} : memref<128x128xf32, #tpu.memory_space<vmem>>, vector<16xf32>,
        %get3A_66 = arith.index_cast %scan3A_62 : i32 to index
        %get3A_67 = arith.constant 0 : index
        %get3A_68 = tpu.vector_load %arg10[%get3A_66, %get3A_67] {strides = array<i32>} : memref<128x128xf32, #tpu.memory_space<vmem>>, vector<16xf32>,
        %add3A_69 = arith.addf %get3A_65, %get3A_68 : vector<16xf32>
        %max3A = arith.constant 0.000000e+00 : f32
        %max3A_70 = vector.broadcast %max3A : f32 to vector<16xf32>
        %max3A_71 = arith.maximumf %add3A_69, %max3A_70 : vector<16xf32>
        %swap3A = arith.index_cast %scan3A_62 : i32 to index
        %swap3A_72 = arith.constant 0 : index
        %swap3A_73 = tpu.vector_load %arg11[%swap3A, %swap3A_72] {strides = array<i32>} : memref<128x128xf32, #tpu.memory_space<vmem>>, vector<16xf32>,
        tpu.vector_store %arg11[%swap3A, %swap3A_72], %max3A_71 {strides = array<i32>} : memref<128x128xf32, #tpu.memory_space<vmem>>, vector<16xf32>,
        %get3A_74 = arith.index_cast %scan3A_62 : i32 to index
        %get3A_75 = arith.constant 16 : index
        %get3A_76 = tpu.vector_load %arg11[%get3A_74, %get3A_75] {strides = array<i32>} : memref<128x128xf32, #tpu.memory_space<vmem>>, vector<16xf32>,
        %get3A_77 = arith.index_cast %scan3A_62 : i32 to index
        %get3A_78 = arith.constant 16 : index
        %get3A_79 = tpu.vector_load %arg10[%get3A_77, %get3A_78] {strides = array<i32>} : memref<128x128xf32, #tpu.memory_space<vmem>>, vector<16xf32>,
        %add3A_80 = arith.addf %get3A_76, %get3A_79 : vector<16xf32>
        %max3A_81 = arith.constant 0.000000e+00 : f32
        %max3A_82 = vector.broadcast %max3A_81 : f32 to vector<16xf32>
        %max3A_83 = arith.maximumf %add3A_80, %max3A_82 : vector<16xf32>
        %swap3A_84 = arith.index_cast %scan3A_62 : i32 to index
        %swap3A_85 = arith.constant 16 : index
        %swap3A_86 = tpu.vector_load %arg11[%swap3A_84, %swap3A_85] {strides = array<i32>} : memref<128x128xf32, #tpu.memory_space<vmem>>, vector<16xf32>,
        tpu.vector_store %arg11[%swap3A_84, %swap3A_85], %max3A_83 {strides = array<i32>} : memref<128x128xf32, #tpu.memory_space<vmem>>, vector<16xf32>,
        %get3A_87 = arith.index_cast %scan3A_62 : i32 to index
        %get3A_88 = arith.constant 32 : index
        %get3A_89 = tpu.vector_load %arg11[%get3A_87, %get3A_88] {strides = array<i32>} : memref<128x128xf32, #tpu.memory_space<vmem>>, vector<16xf32>,
        %get3A_90 = arith.index_cast %scan3A_62 : i32 to index
        %get3A_91 = arith.constant 32 : index
        %get3A_92 = tpu.vector_load %arg10[%get3A_90, %get3A_91] {strides = array<i32>} : memref<128x128xf32, #tpu.memory_space<vmem>>, vector<16xf32>,
        %add3A_93 = arith.addf %get3A_89, %get3A_92 : vector<16xf32>
        %max3A_94 = arith.constant 0.000000e+00 : f32
        %max3A_95 = vector.broadcast %max3A_94 : f32 to vector<16xf32>
        %max3A_96 = arith.maximumf %add3A_93, %max3A_95 : vector<16xf32>
        %swap3A_97 = arith.index_cast %scan3A_62 : i32 to index
        %swap3A_98 = arith.constant 32 : index
        %swap3A_99 = tpu.vector_load %arg11[%swap3A_97, %swap3A_98] {strides = array<i32>} : memref<128x128xf32, #tpu.memory_space<vmem>>, vector<16xf32>,
        tpu.vector_store %arg11[%swap3A_97, %swap3A_98], %max3A_96 {strides = array<i32>} : memref<128x128xf32, #tpu.memory_space<vmem>>, vector<16xf32>,
        %get3A_100 = arith.index_cast %scan3A_62 : i32 to index
        %get3A_101 = arith.constant 48 : index
        %get3A_102 = tpu.vector_load %arg11[%get3A_100, %get3A_101] {strides = array<i32>} : memref<128x128xf32, #tpu.memory_space<vmem>>, vector<16xf32>,
        %get3A_103 = arith.index_cast %scan3A_62 : i32 to index
        %get3A_104 = arith.constant 48 : index
        %get3A_105 = tpu.vector_load %arg10[%get3A_103, %get3A_104] {strides = array<i32>} : memref<128x128xf32, #tpu.memory_space<vmem>>, vector<16xf32>,
        %add3A_106 = arith.addf %get3A_102, %get3A_105 : vector<16xf32>
        %max3A_107 = arith.constant 0.000000e+00 : f32
        %max3A_108 = vector.broadcast %max3A_107 : f32 to vector<16xf32>
        %max3A_109 = arith.maximumf %add3A_106, %max3A_108 : vector<16xf32>
        %swap3A_110 = arith.index_cast %scan3A_62 : i32 to index
        %swap3A_111 = arith.constant 48 : index
        %swap3A_112 = tpu.vector_load %arg11[%swap3A_110, %swap3A_111] {strides = array<i32>} : memref<128x128xf32, #tpu.memory_space<vmem>>, vector<16xf32>,
        tpu.vector_store %arg11[%swap3A_110, %swap3A_111], %max3A_109 {strides = array<i32>} : memref<128x128xf32, #tpu.memory_space<vmem>>, vector<16xf32>,
        %get3A_113 = arith.index_cast %scan3A_62 : i32 to index
        %get3A_114 = arith.constant 64 : index
        %get3A_115 = tpu.vector_load %arg11[%get3A_113, %get3A_114] {strides = array<i32>} : memref<128x128xf32, #tpu.memory_space<vmem>>, vector<16xf32>,
        %get3A_116 = arith.index_cast %scan3A_62 : i32 to index
        %get3A_117 = arith.constant 64 : index
        %get3A_118 = tpu.vector_load %arg10[%get3A_116, %get3A_117] {strides = array<i32>} : memref<128x128xf32, #tpu.memory_space<vmem>>, vector<16xf32>,
        %add3A_119 = arith.addf %get3A_115, %get3A_118 : vector<16xf32>
        %max3A_120 = arith.constant 0.000000e+00 : f32
        %max3A_121 = vector.broadcast %max3A_120 : f32 to vector<16xf32>
        %max3A_122 = arith.maximumf %add3A_119, %max3A_121 : vector<16xf32>
        %swap3A_123 = arith.index_cast %scan3A_62 : i32 to index
        %swap3A_124 = arith.constant 64 : index
        %swap3A_125 = tpu.vector_load %arg11[%swap3A_123, %swap3A_124] {strides = array<i32>} : memref<128x128xf32, #tpu.memory_space<vmem>>, vector<16xf32>,
        tpu.vector_store %arg11[%swap3A_123, %swap3A_124], %max3A_122 {strides = array<i32>} : memref<128x128xf32, #tpu.memory_space<vmem>>, vector<16xf32>,
        %get3A_126 = arith.index_cast %scan3A_62 : i32 to index
        %get3A_127 = arith.constant 80 : index
        %get3A_128 = tpu.vector_load %arg11[%get3A_126, %get3A_127] {strides = array<i32>} : memref<128x128xf32, #tpu.memory_space<vmem>>, vector<16xf32>,
        %get3A_129 = arith.index_cast %scan3A_62 : i32 to index
        %get3A_130 = arith.constant 80 : index
        %get3A_131 = tpu.vector_load %arg10[%get3A_129, %get3A_130] {strides = array<i32>} : memref<128x128xf32, #tpu.memory_space<vmem>>, vector<16xf32>,
        %add3A_132 = arith.addf %get3A_128, %get3A_131 : vector<16xf32>
        %max3A_133 = arith.constant 0.000000e+00 : f32
        %max3A_134 = vector.broadcast %max3A_133 : f32 to vector<16xf32>
        %max3A_135 = arith.maximumf %add3A_132, %max3A_134 : vector<16xf32>
        %swap3A_136 = arith.index_cast %scan3A_62 : i32 to index
        %swap3A_137 = arith.constant 80 : index
        %swap3A_138 = tpu.vector_load %arg11[%swap3A_136, %swap3A_137] {strides = array<i32>} : memref<128x128xf32, #tpu.memory_space<vmem>>, vector<16xf32>,
        tpu.vector_store %arg11[%swap3A_136, %swap3A_137], %max3A_135 {strides = array<i32>} : memref<128x128xf32, #tpu.memory_space<vmem>>, vector<16xf32>,
        %get3A_139 = arith.index_cast %scan3A_62 : i32 to index
        %get3A_140 = arith.constant 96 : index
        %get3A_141 = tpu.vector_load %arg11[%get3A_139, %get3A_140] {strides = array<i32>} : memref<128x128xf32, #tpu.memory_space<vmem>>, vector<16xf32>,
        %get3A_142 = arith.index_cast %scan3A_62 : i32 to index
        %get3A_143 = arith.constant 96 : index
        %get3A_144 = tpu.vector_load %arg10[%get3A_142, %get3A_143] {strides = array<i32>} : memref<128x128xf32, #tpu.memory_space<vmem>>, vector<16xf32>,
        %add3A_145 = arith.addf %get3A_141, %get3A_144 : vector<16xf32>
        %max3A_146 = arith.constant 0.000000e+00 : f32
        %max3A_147 = vector.broadcast %max3A_146 : f32 to vector<16xf32>
        %max3A_148 = arith.maximumf %add3A_145, %max3A_147 : vector<16xf32>
        %swap3A_149 = arith.index_cast %scan3A_62 : i32 to index
        %swap3A_150 = arith.constant 96 : index
        %swap3A_151 = tpu.vector_load %arg11[%swap3A_149, %swap3A_150] {strides = array<i32>} : memref<128x128xf32, #tpu.memory_space<vmem>>, vector<16xf32>,
        tpu.vector_store %arg11[%swap3A_149, %swap3A_150], %max3A_148 {strides = array<i32>} : memref<128x128xf32, #tpu.memory_space<vmem>>, vector<16xf32>,
        %get3A_152 = arith.index_cast %scan3A_62 : i32 to index
        %get3A_153 = arith.constant 112 : index
        %get3A_154 = tpu.vector_load %arg11[%get3A_152, %get3A_153] {strides = array<i32>} : memref<128x128xf32, #tpu.memory_space<vmem>>, vector<16xf32>,
        %get3A_155 = arith.index_cast %scan3A_62 : i32 to index
        %get3A_156 = arith.constant 112 : index
        %get3A_157 = tpu.vector_load %arg10[%get3A_155, %get3A_156] {strides = array<i32>} : memref<128x128xf32, #tpu.memory_space<vmem>>, vector<16xf32>,
        %add3A_158 = arith.addf %get3A_154, %get3A_157 : vector<16xf32>
        %max3A_159 = arith.constant 0.000000e+00 : f32
        %max3A_160 = vector.broadcast %max3A_159 : f32 to vector<16xf32>
        %max3A_161 = arith.maximumf %add3A_158, %max3A_160 : vector<16xf32>
        %swap3A_162 = arith.index_cast %scan3A_62 : i32 to index
        %swap3A_163 = arith.constant 112 : index
        %swap3A_164 = tpu.vector_load %arg11[%swap3A_162, %swap3A_163] {strides = array<i32>} : memref<128x128xf32, #tpu.memory_space<vmem>>, vector<16xf32>,
        tpu.vector_store %arg11[%swap3A_162, %swap3A_163], %max3A_161 {strides = array<i32>} : memref<128x128xf32, #tpu.memory_space<vmem>>, vector<16xf32>,
        %scan3A_165 = arith.constant 0 : i32
        scf.yield %scan3A_165 : i32
      }
      %scan3A_60 = arith.constant 128 : i32
      "tpu.region"() ({
        %run_scoped3A = tpu.sem_alloc : memref<!tpu.dma_semaphore, #tpu.memory_space<semaphore_mem>>
        %dma_start3A_62 = arith.constant 0 : i32
        %dma_start3A_63 = tpu.memref_slice %arg9[%scan3A_23, %dma_start3A_62] : memref<32x128xi32, #tpu.memory_space<vmem>> -> memref<1x128xi32, #tpu.memory_space<vmem>>
        %dma_start3A_64 = tpu.memref_squeeze %dma_start3A_63 : memref<1x128xi32, #tpu.memory_space<vmem>> -> memref<128xi32, #tpu.memory_space<vmem>>
        %dma_start3A_65 = arith.constant 0 : i32
        %dma_start3A_66 = arith.constant 0 : i32
        %dma_start3A_67 = tpu.memref_slice %arg12[%dma_start3A_65, %dma_start3A_66] : memref<8192x128xf32, #tpu.memory_space<vmem_shared>> -> memref<8192x128xf32, #tpu.memory_space<vmem_shared>>
        tpu.enqueue_indirect_dma source(%arg11 : memref<128x128xf32, #tpu.memory_space<vmem>>) target(%dma_start3A_67 : memref<8192x128xf32, #tpu.memory_space<vmem_shared>>) offsets(%dma_start3A_64 : memref<128xi32, #tpu.memory_space<vmem>>) semaphore(%run_scoped3A : memref<!tpu.dma_semaphore, #tpu.memory_space<semaphore_mem>>) {add = true}
        %dma_wait3A_68 = arith.constant 0 : i32
        %dma_wait3A_69 = tpu.memref_slice %arg9[%scan3A_23, %dma_wait3A_68] : memref<32x128xi32, #tpu.memory_space<vmem>> -> memref<1x128xi32, #tpu.memory_space<vmem>>
        %dma_wait3A_70 = tpu.memref_squeeze %dma_wait3A_69 : memref<1x128xi32, #tpu.memory_space<vmem>> -> memref<128xi32, #tpu.memory_space<vmem>>
        %dma_wait3A_71 = arith.constant 0 : i32
        %dma_wait3A_72 = arith.constant 0 : i32
        %dma_wait3A_73 = tpu.memref_slice %arg12[%dma_wait3A_71, %dma_wait3A_72] : memref<8192x128xf32, #tpu.memory_space<vmem_shared>> -> memref<8192x128xf32, #tpu.memory_space<vmem_shared>>
        tpu.wait_indirect_dma semaphore(%run_scoped3A : memref<!tpu.dma_semaphore, #tpu.memory_space<semaphore_mem>>) src(%arg11 : memref<128x128xf32, #tpu.memory_space<vmem>>) dst(%dma_wait3A_73 : memref<8192x128xf32, #tpu.memory_space<vmem_shared>>)
        tpu.yield
      }) : () -> ()
      %scan3A_61 = arith.constant 0 : i32
      scf.yield %scan3A_61 : i32
    }
    %scan3A_14 = arith.constant 32 : i32
    %barrier3A_15 = arith.constant 0 : index
    tpu.barrier barrier_id(%barrier3A_15)
    %mul3A_16 = arith.constant 512 : i32
    %mul3A_17 = arith.muli %arg1, %mul3A_16 : i32
    %mul3A_18 = arith.constant 8192 : i32
    %mul3A_19 = arith.muli %arg0, %mul3A_18 : i32
    %mul3A_20 = arith.constant 512 : i32
    %mul3A_21 = arith.muli %arg1, %mul3A_20 : i32
    %add3A_22 = arith.addi %mul3A_19, %mul3A_21 : i32
    "tpu.region"() ({
      %run_scoped3A = tpu.sem_alloc : memref<!tpu.dma_semaphore, #tpu.memory_space<semaphore_mem>>
      %dma_start3A = arith.constant 0 : i32
      %dma_start3A_23 = tpu.memref_slice %arg7[%add3A_22, %dma_start3A] : memref<16384x128xf32, #tpu.memory_space<hbm>> -> memref<512x128xf32, #tpu.memory_space<hbm>>
      %dma_start3A_24 = arith.constant 0 : i32
      %dma_start3A_25 = tpu.memref_slice %arg12[%mul3A_17, %dma_start3A_24] : memref<8192x128xf32, #tpu.memory_space<vmem_shared>> -> memref<512x128xf32, #tpu.memory_space<vmem_shared>>
      tpu.enqueue_dma source(%dma_start3A_25 : memref<512x128xf32, #tpu.memory_space<vmem_shared>>) target(%dma_start3A_23 : memref<512x128xf32, #tpu.memory_space<hbm>>) target_semaphore(%run_scoped3A : memref<!tpu.dma_semaphore, #tpu.memory_space<semaphore_mem>>)
      %dma_wait3A = arith.constant 0 : i32
      %dma_wait3A_26 = tpu.memref_slice %arg7[%add3A_22, %dma_wait3A] : memref<16384x128xf32, #tpu.memory_space<hbm>> -> memref<512x128xf32, #tpu.memory_space<hbm>>
      %dma_wait3A_27 = arith.constant 0 : i32
      %dma_wait3A_28 = tpu.memref_slice %arg12[%mul3A_17, %dma_wait3A_27] : memref<8192x128xf32, #tpu.memory_space<vmem_shared>> -> memref<512x128xf32, #tpu.memory_space<vmem_shared>>
      tpu.wait_dma2 semaphore(%run_scoped3A : memref<!tpu.dma_semaphore, #tpu.memory_space<semaphore_mem>>) src(%dma_wait3A_28 : memref<512x128xf32, #tpu.memory_space<vmem_shared>>) dst(%dma_wait3A_26 : memref<512x128xf32, #tpu.memory_space<hbm>>)
      tpu.yield
    }) : () -> ()
    return
  }
}

#map = affine_map<(d0, d1) -> (0, 0)>
#map1 = affine_map<(d0, d1) -> (0, 0, 0)>
module attributes {stable_mosaic.version = 14 : i64} {
  func.func @k(%arg0: i32, %arg1: i32, %arg2: memref<8192x128xf32, #tpu.memory_space<hbm>>, %arg3: memref<1024x128xi32, #tpu.memory_space<hbm>>, %arg4: memref<1024x128xi32, #tpu.memory_space<hbm>>, %arg5: memref<4x131072x128xf32, #tpu.memory_space<hbm>>, %arg6: memref<512x128xf32, #tpu.memory_space<hbm>>, %arg7: memref<16384x128xf32, #tpu.memory_space<hbm>>, %arg8: memref<32x128xi32, #tpu.memory_space<vmem>>, %arg9: memref<32x128xi32, #tpu.memory_space<vmem>>, %arg10: memref<128x128xf32, #tpu.memory_space<vmem>>, %arg11: memref<128x128xf32, #tpu.memory_space<vmem>>, %arg12: memref<8192x128xf32, #tpu.memory_space<vmem_shared>>, %arg13: memref<!tpu.dma_semaphore, #tpu.memory_space<semaphore_mem>>, %arg14: memref<!tpu.dma_semaphore, #tpu.memory_space<semaphore_mem>>) attributes {dimension_semantics = [#tpu.dimension_semantics<core_parallel>, #tpu.dimension_semantics<subcore_parallel>], iteration_bounds = array<i64: 2, 16>, scalar_prefetch = 0 : i64, scratch_operands = 7 : i64, tpu.core_type = #tpu.core_type<sc_vector_subcore>, window_params = [{transform_indices = #map}, {transform_indices = #map}, {transform_indices = #map}, {transform_indices = #map1}, {transform_indices = #map}, {transform_indices = #map}]} {
    %mul3A = arith.constant 16 : i32
    %mul3A_0 = arith.muli %arg0, %mul3A : i32
    %add3A = arith.addi %mul3A_0, %arg1 : i32
    %mul3A_1 = arith.constant 32 : i32
    %mul3A_2 = arith.muli %add3A, %mul3A_1 : i32
    "tpu.region"() ({
      %run_scoped3A = tpu.sem_alloc : memref<!tpu.dma_semaphore, #tpu.memory_space<semaphore_mem>>
      %dma_start3A = arith.constant 0 : i32
      %dma_start3A_23 = tpu.memref_slice %arg3[%mul3A_2, %dma_start3A] : memref<1024x128xi32, #tpu.memory_space<hbm>> -> memref<32x128xi32, #tpu.memory_space<hbm>>
      %dma_start3A_24 = arith.constant 0 : i32
      %dma_start3A_25 = tpu.memref_slice %arg3[%mul3A_2, %dma_start3A_24] : memref<1024x128xi32, #tpu.memory_space<hbm>> -> memref<32x128xi32, #tpu.memory_space<hbm>>
      tpu.enqueue_dma source(%dma_start3A_25 : memref<32x128xi32, #tpu.memory_space<hbm>>) target(%arg8 : memref<32x128xi32, #tpu.memory_space<vmem>>) target_semaphore(%run_scoped3A : memref<!tpu.dma_semaphore, #tpu.memory_space<semaphore_mem>>)
      %dma_wait3A = arith.constant 0 : i32
      %dma_wait3A_26 = tpu.memref_slice %arg3[%mul3A_2, %dma_wait3A] : memref<1024x128xi32, #tpu.memory_space<hbm>> -> memref<32x128xi32, #tpu.memory_space<hbm>>
      %dma_wait3A_27 = arith.constant 0 : i32
      %dma_wait3A_28 = tpu.memref_slice %arg3[%mul3A_2, %dma_wait3A_27] : memref<1024x128xi32, #tpu.memory_space<hbm>> -> memref<32x128xi32, #tpu.memory_space<hbm>>
      tpu.wait_dma2 semaphore(%run_scoped3A : memref<!tpu.dma_semaphore, #tpu.memory_space<semaphore_mem>>) src(%dma_wait3A_28 : memref<32x128xi32, #tpu.memory_space<hbm>>) dst(%arg8 : memref<32x128xi32, #tpu.memory_space<vmem>>)
      tpu.yield
    }) : () -> ()
    %mul3A_3 = arith.constant 32 : i32
    %mul3A_4 = arith.muli %add3A, %mul3A_3 : i32
    "tpu.region"() ({
      %run_scoped3A = tpu.sem_alloc : memref<!tpu.dma_semaphore, #tpu.memory_space<semaphore_mem>>
      %dma_start3A = arith.constant 0 : i32
      %dma_start3A_23 = tpu.memref_slice %arg4[%mul3A_4, %dma_start3A] : memref<1024x128xi32, #tpu.memory_space<hbm>> -> memref<32x128xi32, #tpu.memory_space<hbm>>
      %dma_start3A_24 = arith.constant 0 : i32
      %dma_start3A_25 = tpu.memref_slice %arg4[%mul3A_4, %dma_start3A_24] : memref<1024x128xi32, #tpu.memory_space<hbm>> -> memref<32x128xi32, #tpu.memory_space<hbm>>
      tpu.enqueue_dma source(%dma_start3A_25 : memref<32x128xi32, #tpu.memory_space<hbm>>) target(%arg9 : memref<32x128xi32, #tpu.memory_space<vmem>>) target_semaphore(%run_scoped3A : memref<!tpu.dma_semaphore, #tpu.memory_space<semaphore_mem>>)
      %dma_wait3A = arith.constant 0 : i32
      %dma_wait3A_26 = tpu.memref_slice %arg4[%mul3A_4, %dma_wait3A] : memref<1024x128xi32, #tpu.memory_space<hbm>> -> memref<32x128xi32, #tpu.memory_space<hbm>>
      %dma_wait3A_27 = arith.constant 0 : i32
      %dma_wait3A_28 = tpu.memref_slice %arg4[%mul3A_4, %dma_wait3A_27] : memref<1024x128xi32, #tpu.memory_space<hbm>> -> memref<32x128xi32, #tpu.memory_space<hbm>>
      tpu.wait_dma2 semaphore(%run_scoped3A : memref<!tpu.dma_semaphore, #tpu.memory_space<semaphore_mem>>) src(%dma_wait3A_28 : memref<32x128xi32, #tpu.memory_space<hbm>>) dst(%arg9 : memref<32x128xi32, #tpu.memory_space<vmem>>)
      tpu.yield
    }) : () -> ()
    %mul3A_5 = arith.constant 512 : i32
    %mul3A_6 = arith.muli %arg1, %mul3A_5 : i32
    "tpu.region"() ({
      %run_scoped3A = tpu.sem_alloc : memref<!tpu.dma_semaphore, #tpu.memory_space<semaphore_mem>>
      %dma_start3A = arith.constant 0 : i32
      %dma_start3A_23 = tpu.memref_slice %arg12[%mul3A_6, %dma_start3A] : memref<8192x128xf32, #tpu.memory_space<vmem_shared>> -> memref<512x128xf32, #tpu.memory_space<vmem_shared>>
      tpu.enqueue_dma source(%arg6 : memref<512x128xf32, #tpu.memory_space<hbm>>) target(%dma_start3A_23 : memref<512x128xf32, #tpu.memory_space<vmem_shared>>) target_semaphore(%run_scoped3A : memref<!tpu.dma_semaphore, #tpu.memory_space<semaphore_mem>>)
      %dma_wait3A = arith.constant 0 : i32
      %dma_wait3A_24 = tpu.memref_slice %arg12[%mul3A_6, %dma_wait3A] : memref<8192x128xf32, #tpu.memory_space<vmem_shared>> -> memref<512x128xf32, #tpu.memory_space<vmem_shared>>
      tpu.wait_dma2 semaphore(%run_scoped3A : memref<!tpu.dma_semaphore, #tpu.memory_space<semaphore_mem>>) src(%arg6 : memref<512x128xf32, #tpu.memory_space<hbm>>) dst(%dma_wait3A_24 : memref<512x128xf32, #tpu.memory_space<vmem_shared>>)
      tpu.yield
    }) : () -> ()
    %barrier3A = arith.constant 0 : index
    tpu.barrier barrier_id(%barrier3A)
    %mul3A_7 = arith.constant 4096 : i32
    %mul3A_8 = arith.muli %add3A, %mul3A_7 : i32
    %scan3A = arith.constant 0 : i32
    %scan3A_9 = arith.constant 0 : i32
    %scan3A_10 = arith.constant 32 : i32
    %scan3A_11 = arith.addi %scan3A_9, %scan3A_10 : i32
    %scan3A_12 = arith.constant 1 : i32
    %scan3A_13 = scf.for %scan3A_23 = %scan3A_9 to %scan3A_11 step %scan3A_12 iter_args(%scan3A_24 = %scan3A) -> (i32)  : i32 {
      %mul3A_25 = arith.constant 128 : i32
      %mul3A_26 = arith.muli %scan3A_23, %mul3A_25 : i32
      %add3A_27 = arith.addi %mul3A_8, %mul3A_26 : i32
      %dma_start3A = arith.constant 3 : i32
      %dma_start3A_28 = arith.constant 0 : i32
      %dma_start3A_29 = tpu.memref_slice %arg5[%dma_start3A, %add3A_27, %dma_start3A_28] : memref<4x131072x128xf32, #tpu.memory_space<hbm>> -> memref<1x128x128xf32, #tpu.memory_space<hbm>>
      %dma_start3A_30 = tpu.memref_squeeze %dma_start3A_29 : memref<1x128x128xf32, #tpu.memory_space<hbm>> -> memref<128x128xf32, #tpu.memory_space<hbm>>
      %dma_start3A_31 = arith.constant 0 : i32
      %dma_start3A_32 = tpu.memref_slice %arg5[%dma_start3A, %add3A_27, %dma_start3A_31] : memref<4x131072x128xf32, #tpu.memory_space<hbm>> -> memref<1x128x128xf32, #tpu.memory_space<hbm>>
      %dma_start3A_33 = tpu.memref_squeeze %dma_start3A_32 : memref<1x128x128xf32, #tpu.memory_space<hbm>> -> memref<128x128xf32, #tpu.memory_space<hbm>>
      tpu.enqueue_dma source(%dma_start3A_33 : memref<128x128xf32, #tpu.memory_space<hbm>>) target(%arg10 : memref<128x128xf32, #tpu.memory_space<vmem>>) target_semaphore(%arg13 : memref<!tpu.dma_semaphore, #tpu.memory_space<semaphore_mem>>)
      %dma_start3A_34 = arith.constant 0 : i32
      %dma_start3A_35 = tpu.memref_slice %arg8[%scan3A_23, %dma_start3A_34] : memref<32x128xi32, #tpu.memory_space<vmem>> -> memref<1x128xi32, #tpu.memory_space<vmem>>
      %dma_start3A_36 = tpu.memref_squeeze %dma_start3A_35 : memref<1x128xi32, #tpu.memory_space<vmem>> -> memref<128xi32, #tpu.memory_space<vmem>>
      %dma_start3A_37 = arith.constant 0 : i32
      %dma_start3A_38 = arith.constant 0 : i32
      %dma_start3A_39 = tpu.memref_slice %arg2[%dma_start3A_37, %dma_start3A_38] : memref<8192x128xf32, #tpu.memory_space<hbm>> -> memref<8192x128xf32, #tpu.memory_space<hbm>>
      tpu.enqueue_indirect_dma source(%dma_start3A_39 : memref<8192x128xf32, #tpu.memory_space<hbm>>) target(%arg11 : memref<128x128xf32, #tpu.memory_space<vmem>>) offsets(%dma_start3A_36 : memref<128xi32, #tpu.memory_space<vmem>>) semaphore(%arg14 : memref<!tpu.dma_semaphore, #tpu.memory_space<semaphore_mem>>)
      %dma_wait3A = arith.constant 3 : i32
      %dma_wait3A_40 = arith.constant 0 : i32
      %dma_wait3A_41 = arith.constant 0 : i32
      %dma_wait3A_42 = tpu.memref_slice %arg5[%dma_wait3A, %dma_wait3A_40, %dma_wait3A_41] : memref<4x131072x128xf32, #tpu.memory_space<hbm>> -> memref<1x128x128xf32, #tpu.memory_space<hbm>>
      %dma_wait3A_43 = tpu.memref_squeeze %dma_wait3A_42 : memref<1x128x128xf32, #tpu.memory_space<hbm>> -> memref<128x128xf32, #tpu.memory_space<hbm>>
      %dma_wait3A_44 = arith.constant 0 : i32
      %dma_wait3A_45 = arith.constant 0 : i32
      %dma_wait3A_46 = tpu.memref_slice %arg5[%dma_wait3A, %dma_wait3A_44, %dma_wait3A_45] : memref<4x131072x128xf32, #tpu.memory_space<hbm>> -> memref<1x128x128xf32, #tpu.memory_space<hbm>>
      %dma_wait3A_47 = tpu.memref_squeeze %dma_wait3A_46 : memref<1x128x128xf32, #tpu.memory_space<hbm>> -> memref<128x128xf32, #tpu.memory_space<hbm>>
      tpu.wait_dma2 semaphore(%arg13 : memref<!tpu.dma_semaphore, #tpu.memory_space<semaphore_mem>>) src(%dma_wait3A_47 : memref<128x128xf32, #tpu.memory_space<hbm>>) dst(%arg10 : memref<128x128xf32, #tpu.memory_space<vmem>>)
      %dma_wait3A_48 = arith.constant 0 : i32
      %dma_wait3A_49 = tpu.memref_slice %arg8[%scan3A_23, %dma_wait3A_48] : memref<32x128xi32, #tpu.memory_space<vmem>> -> memref<1x128xi32, #tpu.memory_space<vmem>>
      %dma_wait3A_50 = tpu.memref_squeeze %dma_wait3A_49 : memref<1x128xi32, #tpu.memory_space<vmem>> -> memref<128xi32, #tpu.memory_space<vmem>>
      %dma_wait3A_51 = arith.constant 0 : i32
      %dma_wait3A_52 = arith.constant 0 : i32
      %dma_wait3A_53 = tpu.memref_slice %arg2[%dma_wait3A_51, %dma_wait3A_52] : memref<8192x128xf32, #tpu.memory_space<hbm>> -> memref<8192x128xf32, #tpu.memory_space<hbm>>
      tpu.wait_indirect_dma semaphore(%arg14 : memref<!tpu.dma_semaphore, #tpu.memory_space<semaphore_mem>>) src(%dma_wait3A_53 : memref<8192x128xf32, #tpu.memory_space<hbm>>) dst(%arg11 : memref<128x128xf32, #tpu.memory_space<vmem>>)
      %scan3A_54 = arith.constant 0 : i32
      %scan3A_55 = arith.constant 0 : i32
      %scan3A_56 = arith.constant 128 : i32
      %scan3A_57 = arith.addi %scan3A_55, %scan3A_56 : i32
      %scan3A_58 = arith.constant 1 : i32
      %scan3A_59 = scf.for %scan3A_62 = %scan3A_55 to %scan3A_57 step %scan3A_58 iter_args(%scan3A_63 = %scan3A_54) -> (i32)  : i32 {
        %get3A = arith.index_cast %scan3A_62 : i32 to index
        %get3A_64 = arith.constant 0 : index
        %get3A_65 = tpu.vector_load %arg11[%get3A, %get3A_64] {strides = array<i32>} : memref<128x128xf32, #tpu.memory_space<vmem>>, vector<16xf32>,
        %get3A_66 = arith.index_cast %scan3A_62 : i32 to index
        %get3A_67 = arith.constant 0 : index
        %get3A_68 = tpu.vector_load %arg10[%get3A_66, %get3A_67] {strides = array<i32>} : memref<128x128xf32, #tpu.memory_space<vmem>>, vector<16xf32>,
        %add3A_69 = arith.addf %get3A_65, %get3A_68 : vector<16xf32>
        %max3A = arith.constant 0.000000e+00 : f32
        %max3A_70 = vector.broadcast %max3A : f32 to vector<16xf32>
        %max3A_71 = arith.maximumf %add3A_69, %max3A_70 : vector<16xf32>
        %swap3A = arith.index_cast %scan3A_62 : i32 to index
        %swap3A_72 = arith.constant 0 : index
        %swap3A_73 = tpu.vector_load %arg11[%swap3A, %swap3A_72] {strides = array<i32>} : memref<128x128xf32, #tpu.memory_space<vmem>>, vector<16xf32>,
        tpu.vector_store %arg11[%swap3A, %swap3A_72], %max3A_71 {strides = array<i32>} : memref<128x128xf32, #tpu.memory_space<vmem>>, vector<16xf32>,
        %get3A_74 = arith.index_cast %scan3A_62 : i32 to index
        %get3A_75 = arith.constant 16 : index
        %get3A_76 = tpu.vector_load %arg11[%get3A_74, %get3A_75] {strides = array<i32>} : memref<128x128xf32, #tpu.memory_space<vmem>>, vector<16xf32>,
        %get3A_77 = arith.index_cast %scan3A_62 : i32 to index
        %get3A_78 = arith.constant 16 : index
        %get3A_79 = tpu.vector_load %arg10[%get3A_77, %get3A_78] {strides = array<i32>} : memref<128x128xf32, #tpu.memory_space<vmem>>, vector<16xf32>,
        %add3A_80 = arith.addf %get3A_76, %get3A_79 : vector<16xf32>
        %max3A_81 = arith.constant 0.000000e+00 : f32
        %max3A_82 = vector.broadcast %max3A_81 : f32 to vector<16xf32>
        %max3A_83 = arith.maximumf %add3A_80, %max3A_82 : vector<16xf32>
        %swap3A_84 = arith.index_cast %scan3A_62 : i32 to index
        %swap3A_85 = arith.constant 16 : index
        %swap3A_86 = tpu.vector_load %arg11[%swap3A_84, %swap3A_85] {strides = array<i32>} : memref<128x128xf32, #tpu.memory_space<vmem>>, vector<16xf32>,
        tpu.vector_store %arg11[%swap3A_84, %swap3A_85], %max3A_83 {strides = array<i32>} : memref<128x128xf32, #tpu.memory_space<vmem>>, vector<16xf32>,
        %get3A_87 = arith.index_cast %scan3A_62 : i32 to index
        %get3A_88 = arith.constant 32 : index
        %get3A_89 = tpu.vector_load %arg11[%get3A_87, %get3A_88] {strides = array<i32>} : memref<128x128xf32, #tpu.memory_space<vmem>>, vector<16xf32>,
        %get3A_90 = arith.index_cast %scan3A_62 : i32 to index
        %get3A_91 = arith.constant 32 : index
        %get3A_92 = tpu.vector_load %arg10[%get3A_90, %get3A_91] {strides = array<i32>} : memref<128x128xf32, #tpu.memory_space<vmem>>, vector<16xf32>,
        %add3A_93 = arith.addf %get3A_89, %get3A_92 : vector<16xf32>
        %max3A_94 = arith.constant 0.000000e+00 : f32
        %max3A_95 = vector.broadcast %max3A_94 : f32 to vector<16xf32>
        %max3A_96 = arith.maximumf %add3A_93, %max3A_95 : vector<16xf32>
        %swap3A_97 = arith.index_cast %scan3A_62 : i32 to index
        %swap3A_98 = arith.constant 32 : index
        %swap3A_99 = tpu.vector_load %arg11[%swap3A_97, %swap3A_98] {strides = array<i32>} : memref<128x128xf32, #tpu.memory_space<vmem>>, vector<16xf32>,
        tpu.vector_store %arg11[%swap3A_97, %swap3A_98], %max3A_96 {strides = array<i32>} : memref<128x128xf32, #tpu.memory_space<vmem>>, vector<16xf32>,
        %get3A_100 = arith.index_cast %scan3A_62 : i32 to index
        %get3A_101 = arith.constant 48 : index
        %get3A_102 = tpu.vector_load %arg11[%get3A_100, %get3A_101] {strides = array<i32>} : memref<128x128xf32, #tpu.memory_space<vmem>>, vector<16xf32>,
        %get3A_103 = arith.index_cast %scan3A_62 : i32 to index
        %get3A_104 = arith.constant 48 : index
        %get3A_105 = tpu.vector_load %arg10[%get3A_103, %get3A_104] {strides = array<i32>} : memref<128x128xf32, #tpu.memory_space<vmem>>, vector<16xf32>,
        %add3A_106 = arith.addf %get3A_102, %get3A_105 : vector<16xf32>
        %max3A_107 = arith.constant 0.000000e+00 : f32
        %max3A_108 = vector.broadcast %max3A_107 : f32 to vector<16xf32>
        %max3A_109 = arith.maximumf %add3A_106, %max3A_108 : vector<16xf32>
        %swap3A_110 = arith.index_cast %scan3A_62 : i32 to index
        %swap3A_111 = arith.constant 48 : index
        %swap3A_112 = tpu.vector_load %arg11[%swap3A_110, %swap3A_111] {strides = array<i32>} : memref<128x128xf32, #tpu.memory_space<vmem>>, vector<16xf32>,
        tpu.vector_store %arg11[%swap3A_110, %swap3A_111], %max3A_109 {strides = array<i32>} : memref<128x128xf32, #tpu.memory_space<vmem>>, vector<16xf32>,
        %get3A_113 = arith.index_cast %scan3A_62 : i32 to index
        %get3A_114 = arith.constant 64 : index
        %get3A_115 = tpu.vector_load %arg11[%get3A_113, %get3A_114] {strides = array<i32>} : memref<128x128xf32, #tpu.memory_space<vmem>>, vector<16xf32>,
        %get3A_116 = arith.index_cast %scan3A_62 : i32 to index
        %get3A_117 = arith.constant 64 : index
        %get3A_118 = tpu.vector_load %arg10[%get3A_116, %get3A_117] {strides = array<i32>} : memref<128x128xf32, #tpu.memory_space<vmem>>, vector<16xf32>,
        %add3A_119 = arith.addf %get3A_115, %get3A_118 : vector<16xf32>
        %max3A_120 = arith.constant 0.000000e+00 : f32
        %max3A_121 = vector.broadcast %max3A_120 : f32 to vector<16xf32>
        %max3A_122 = arith.maximumf %add3A_119, %max3A_121 : vector<16xf32>
        %swap3A_123 = arith.index_cast %scan3A_62 : i32 to index
        %swap3A_124 = arith.constant 64 : index
        %swap3A_125 = tpu.vector_load %arg11[%swap3A_123, %swap3A_124] {strides = array<i32>} : memref<128x128xf32, #tpu.memory_space<vmem>>, vector<16xf32>,
        tpu.vector_store %arg11[%swap3A_123, %swap3A_124], %max3A_122 {strides = array<i32>} : memref<128x128xf32, #tpu.memory_space<vmem>>, vector<16xf32>,
        %get3A_126 = arith.index_cast %scan3A_62 : i32 to index
        %get3A_127 = arith.constant 80 : index
        %get3A_128 = tpu.vector_load %arg11[%get3A_126, %get3A_127] {strides = array<i32>} : memref<128x128xf32, #tpu.memory_space<vmem>>, vector<16xf32>,
        %get3A_129 = arith.index_cast %scan3A_62 : i32 to index
        %get3A_130 = arith.constant 80 : index
        %get3A_131 = tpu.vector_load %arg10[%get3A_129, %get3A_130] {strides = array<i32>} : memref<128x128xf32, #tpu.memory_space<vmem>>, vector<16xf32>,
        %add3A_132 = arith.addf %get3A_128, %get3A_131 : vector<16xf32>
        %max3A_133 = arith.constant 0.000000e+00 : f32
        %max3A_134 = vector.broadcast %max3A_133 : f32 to vector<16xf32>
        %max3A_135 = arith.maximumf %add3A_132, %max3A_134 : vector<16xf32>
        %swap3A_136 = arith.index_cast %scan3A_62 : i32 to index
        %swap3A_137 = arith.constant 80 : index
        %swap3A_138 = tpu.vector_load %arg11[%swap3A_136, %swap3A_137] {strides = array<i32>} : memref<128x128xf32, #tpu.memory_space<vmem>>, vector<16xf32>,
        tpu.vector_store %arg11[%swap3A_136, %swap3A_137], %max3A_135 {strides = array<i32>} : memref<128x128xf32, #tpu.memory_space<vmem>>, vector<16xf32>,
        %get3A_139 = arith.index_cast %scan3A_62 : i32 to index
        %get3A_140 = arith.constant 96 : index
        %get3A_141 = tpu.vector_load %arg11[%get3A_139, %get3A_140] {strides = array<i32>} : memref<128x128xf32, #tpu.memory_space<vmem>>, vector<16xf32>,
        %get3A_142 = arith.index_cast %scan3A_62 : i32 to index
        %get3A_143 = arith.constant 96 : index
        %get3A_144 = tpu.vector_load %arg10[%get3A_142, %get3A_143] {strides = array<i32>} : memref<128x128xf32, #tpu.memory_space<vmem>>, vector<16xf32>,
        %add3A_145 = arith.addf %get3A_141, %get3A_144 : vector<16xf32>
        %max3A_146 = arith.constant 0.000000e+00 : f32
        %max3A_147 = vector.broadcast %max3A_146 : f32 to vector<16xf32>
        %max3A_148 = arith.maximumf %add3A_145, %max3A_147 : vector<16xf32>
        %swap3A_149 = arith.index_cast %scan3A_62 : i32 to index
        %swap3A_150 = arith.constant 96 : index
        %swap3A_151 = tpu.vector_load %arg11[%swap3A_149, %swap3A_150] {strides = array<i32>} : memref<128x128xf32, #tpu.memory_space<vmem>>, vector<16xf32>,
        tpu.vector_store %arg11[%swap3A_149, %swap3A_150], %max3A_148 {strides = array<i32>} : memref<128x128xf32, #tpu.memory_space<vmem>>, vector<16xf32>,
        %get3A_152 = arith.index_cast %scan3A_62 : i32 to index
        %get3A_153 = arith.constant 112 : index
        %get3A_154 = tpu.vector_load %arg11[%get3A_152, %get3A_153] {strides = array<i32>} : memref<128x128xf32, #tpu.memory_space<vmem>>, vector<16xf32>,
        %get3A_155 = arith.index_cast %scan3A_62 : i32 to index
        %get3A_156 = arith.constant 112 : index
        %get3A_157 = tpu.vector_load %arg10[%get3A_155, %get3A_156] {strides = array<i32>} : memref<128x128xf32, #tpu.memory_space<vmem>>, vector<16xf32>,
        %add3A_158 = arith.addf %get3A_154, %get3A_157 : vector<16xf32>
        %max3A_159 = arith.constant 0.000000e+00 : f32
        %max3A_160 = vector.broadcast %max3A_159 : f32 to vector<16xf32>
        %max3A_161 = arith.maximumf %add3A_158, %max3A_160 : vector<16xf32>
        %swap3A_162 = arith.index_cast %scan3A_62 : i32 to index
        %swap3A_163 = arith.constant 112 : index
        %swap3A_164 = tpu.vector_load %arg11[%swap3A_162, %swap3A_163] {strides = array<i32>} : memref<128x128xf32, #tpu.memory_space<vmem>>, vector<16xf32>,
        tpu.vector_store %arg11[%swap3A_162, %swap3A_163], %max3A_161 {strides = array<i32>} : memref<128x128xf32, #tpu.memory_space<vmem>>, vector<16xf32>,
        %scan3A_165 = arith.constant 0 : i32
        scf.yield %scan3A_165 : i32
      }
      %scan3A_60 = arith.constant 128 : i32
      "tpu.region"() ({
        %run_scoped3A = tpu.sem_alloc : memref<!tpu.dma_semaphore, #tpu.memory_space<semaphore_mem>>
        %dma_start3A_62 = arith.constant 0 : i32
        %dma_start3A_63 = tpu.memref_slice %arg9[%scan3A_23, %dma_start3A_62] : memref<32x128xi32, #tpu.memory_space<vmem>> -> memref<1x128xi32, #tpu.memory_space<vmem>>
        %dma_start3A_64 = tpu.memref_squeeze %dma_start3A_63 : memref<1x128xi32, #tpu.memory_space<vmem>> -> memref<128xi32, #tpu.memory_space<vmem>>
        %dma_start3A_65 = arith.constant 0 : i32
        %dma_start3A_66 = arith.constant 0 : i32
        %dma_start3A_67 = tpu.memref_slice %arg12[%dma_start3A_65, %dma_start3A_66] : memref<8192x128xf32, #tpu.memory_space<vmem_shared>> -> memref<8192x128xf32, #tpu.memory_space<vmem_shared>>
        tpu.enqueue_indirect_dma source(%arg11 : memref<128x128xf32, #tpu.memory_space<vmem>>) target(%dma_start3A_67 : memref<8192x128xf32, #tpu.memory_space<vmem_shared>>) offsets(%dma_start3A_64 : memref<128xi32, #tpu.memory_space<vmem>>) semaphore(%run_scoped3A : memref<!tpu.dma_semaphore, #tpu.memory_space<semaphore_mem>>) {add = true}
        %dma_wait3A_68 = arith.constant 0 : i32
        %dma_wait3A_69 = tpu.memref_slice %arg9[%scan3A_23, %dma_wait3A_68] : memref<32x128xi32, #tpu.memory_space<vmem>> -> memref<1x128xi32, #tpu.memory_space<vmem>>
        %dma_wait3A_70 = tpu.memref_squeeze %dma_wait3A_69 : memref<1x128xi32, #tpu.memory_space<vmem>> -> memref<128xi32, #tpu.memory_space<vmem>>
        %dma_wait3A_71 = arith.constant 0 : i32
        %dma_wait3A_72 = arith.constant 0 : i32
        %dma_wait3A_73 = tpu.memref_slice %arg12[%dma_wait3A_71, %dma_wait3A_72] : memref<8192x128xf32, #tpu.memory_space<vmem_shared>> -> memref<8192x128xf32, #tpu.memory_space<vmem_shared>>
        tpu.wait_indirect_dma semaphore(%run_scoped3A : memref<!tpu.dma_semaphore, #tpu.memory_space<semaphore_mem>>) src(%arg11 : memref<128x128xf32, #tpu.memory_space<vmem>>) dst(%dma_wait3A_73 : memref<8192x128xf32, #tpu.memory_space<vmem_shared>>)
        tpu.yield
      }) : () -> ()
      %scan3A_61 = arith.constant 0 : i32
      scf.yield %scan3A_61 : i32
    }
    %scan3A_14 = arith.constant 32 : i32
    %barrier3A_15 = arith.constant 0 : index
    tpu.barrier barrier_id(%barrier3A_15)
    %mul3A_16 = arith.constant 512 : i32
    %mul3A_17 = arith.muli %arg1, %mul3A_16 : i32
    %mul3A_18 = arith.constant 8192 : i32
    %mul3A_19 = arith.muli %arg0, %mul3A_18 : i32
    %mul3A_20 = arith.constant 512 : i32
    %mul3A_21 = arith.muli %arg1, %mul3A_20 : i32
    %add3A_22 = arith.addi %mul3A_19, %mul3A_21 : i32
    "tpu.region"() ({
      %run_scoped3A = tpu.sem_alloc : memref<!tpu.dma_semaphore, #tpu.memory_space<semaphore_mem>>
      %dma_start3A = arith.constant 0 : i32
      %dma_start3A_23 = tpu.memref_slice %arg7[%add3A_22, %dma_start3A] : memref<16384x128xf32, #tpu.memory_space<hbm>> -> memref<512x128xf32, #tpu.memory_space<hbm>>
      %dma_start3A_24 = arith.constant 0 : i32
      %dma_start3A_25 = tpu.memref_slice %arg12[%mul3A_17, %dma_start3A_24] : memref<8192x128xf32, #tpu.memory_space<vmem_shared>> -> memref<512x128xf32, #tpu.memory_space<vmem_shared>>
      tpu.enqueue_dma source(%dma_start3A_25 : memref<512x128xf32, #tpu.memory_space<vmem_shared>>) target(%dma_start3A_23 : memref<512x128xf32, #tpu.memory_space<hbm>>) target_semaphore(%run_scoped3A : memref<!tpu.dma_semaphore, #tpu.memory_space<semaphore_mem>>)
      %dma_wait3A = arith.constant 0 : i32
      %dma_wait3A_26 = tpu.memref_slice %arg7[%add3A_22, %dma_wait3A] : memref<16384x128xf32, #tpu.memory_space<hbm>> -> memref<512x128xf32, #tpu.memory_space<hbm>>
      %dma_wait3A_27 = arith.constant 0 : i32
      %dma_wait3A_28 = tpu.memref_slice %arg12[%mul3A_17, %dma_wait3A_27] : memref<8192x128xf32, #tpu.memory_space<vmem_shared>> -> memref<512x128xf32, #tpu.memory_space<vmem_shared>>
      tpu.wait_dma2 semaphore(%run_scoped3A : memref<!tpu.dma_semaphore, #tpu.memory_space<semaphore_mem>>) src(%dma_wait3A_28 : memref<512x128xf32, #tpu.memory_space<vmem_shared>>) dst(%dma_wait3A_26 : memref<512x128xf32, #tpu.memory_space<hbm>>)
      tpu.yield
    }) : () -> ()
    return
  }
}

module attributes {stable_mosaic.version = 14 : i64} {
  func.func @_edge_proj_body(%arg0: i32, %arg1: i32, %arg2: memref<8192x4xf32, #tpu.memory_space<vmem>>, %arg3: memref<1x4x128xf32, #tpu.memory_space<vmem>>, %arg4: memref<1x1x128xf32, #tpu.memory_space<vmem>>, %arg5: memref<1x8192x128xf32, #tpu.memory_space<vmem>>) attributes {dimension_semantics = [#tpu.dimension_semantics<arbitrary>, #tpu.dimension_semantics<arbitrary>], iteration_bounds = array<i64: 4, 16>, scalar_prefetch = 0 : i64, scratch_operands = 0 : i64, tpu.core_type = #tpu.core_type<tc>, window_params = [{transform_indices = @transform_0, window_bounds = array<i64: 8192, 4>}, {transform_indices = @transform_1, window_bounds = array<i64: 1, 4, 128>}, {transform_indices = @transform_2, window_bounds = array<i64: 1, 1, 128>}, {transform_indices = @transform_3, window_bounds = array<i64: 1, 8192, 128>}]} {
    %get3A = arith.constant 0 : index
    %get3A_0 = arith.constant 0 : index
    %get3A_1 = vector.load %arg2[%get3A, %get3A_0] : memref<8192x4xf32, #tpu.memory_space<vmem>>, vector<8192x4xf32>
    %get3A_2 = arith.constant 0 : index
    %get3A_3 = arith.constant 0 : index
    %get3A_4 = arith.constant 0 : index
    %get3A_5 = vector.load %arg3[%get3A_2, %get3A_3, %get3A_4] : memref<1x4x128xf32, #tpu.memory_space<vmem>>, vector<1x4x128xf32>
    %get3A_6 = vector.shape_cast %get3A_5 : vector<1x4x128xf32> to vector<4x128xf32>
    %dot_general3A = arith.constant dense<0.000000e+00> : vector<8192x128xf32>
    %dot_general3A_7 = tpu.matmul %get3A_1, %get3A_6, %dot_general3A {dimension_numbers = #tpu.dot_dimension_numbers<[1], [0], [0], [1], [0, 0, 1, 1], [], []>, transpose_lhs_hint = false} : vector<8192x4xf32>, vector<4x128xf32>, vector<8192x128xf32> -> vector<8192x128xf32>
    %get3A_8 = arith.constant 0 : index
    %get3A_9 = arith.constant 0 : index
    %get3A_10 = arith.constant 0 : index
    %get3A_11 = vector.load %arg4[%get3A_8, %get3A_9, %get3A_10] : memref<1x1x128xf32, #tpu.memory_space<vmem>>, vector<1x1x128xf32>
    %get3A_12 = vector.shape_cast %get3A_11 : vector<1x1x128xf32> to vector<1x128xf32>
    %add3A = vector.broadcast %get3A_12 : vector<1x128xf32> to vector<8192x128xf32>
    %add3A_13 = arith.addf %dot_general3A_7, %add3A : vector<8192x128xf32>
    %swap3A = arith.constant 0 : index
    %swap3A_14 = arith.constant 0 : index
    %swap3A_15 = arith.constant 0 : index
    %swap3A_16 = vector.load %arg5[%swap3A, %swap3A_14, %swap3A_15] : memref<1x8192x128xf32, #tpu.memory_space<vmem>>, vector<1x8192x128xf32>
    %swap3A_17 = vector.shape_cast %swap3A_16 : vector<1x8192x128xf32> to vector<8192x128xf32>
    %swap3A_18 = vector.shape_cast %add3A_13 : vector<8192x128xf32> to vector<1x8192x128xf32>
    tpu.vector_store %arg5[%swap3A, %swap3A_14, %swap3A_15], %swap3A_18 {strides = array<i32>} : memref<1x8192x128xf32, #tpu.memory_space<vmem>>, vector<1x8192x128xf32>,
    return
  }
  func.func @transform_0(%arg0: i32, %arg1: i32) -> (i32, i32) {
    %c0_i32 = arith.constant 0 : i32
    %c0_i32_0 = arith.constant 0 : i32
    return %arg1, %c0_i32 : i32, i32
  }
  func.func @transform_1(%arg0: i32, %arg1: i32) -> (i32, i32, i32) {
    %c0_i32 = arith.constant 0 : i32
    %c0_i32_0 = arith.constant 0 : i32
    %c0_i32_1 = arith.constant 0 : i32
    return %arg0, %c0_i32, %c0_i32_0 : i32, i32, i32
  }
  func.func @transform_2(%arg0: i32, %arg1: i32) -> (i32, i32, i32) {
    %c0_i32 = arith.constant 0 : i32
    %c0_i32_0 = arith.constant 0 : i32
    %c0_i32_1 = arith.constant 0 : i32
    return %arg0, %c0_i32, %c0_i32_0 : i32, i32, i32
  }
  func.func @transform_3(%arg0: i32, %arg1: i32) -> (i32, i32, i32) {
    %c0_i32 = arith.constant 0 : i32
    %c0_i32_0 = arith.constant 0 : i32
    return %arg0, %arg1, %c0_i32 : i32, i32, i32
  }
}

module attributes {stable_mosaic.version = 14 : i64} {
  func.func @_node_init_body(%arg0: memref<8192x160xf32, #tpu.memory_space<vmem>>, %arg1: memref<160x128xf32, #tpu.memory_space<vmem>>, %arg2: memref<1x128xf32, #tpu.memory_space<vmem>>, %arg3: memref<8192x128xf32, #tpu.memory_space<vmem>>) attributes {dimension_semantics = [], scalar_prefetch = 0 : i64, scratch_operands = 0 : i64, tpu.core_type = #tpu.core_type<tc>} {
    %get3A = arith.constant 0 : index
    %get3A_0 = arith.constant 0 : index
    %get3A_1 = vector.load %arg0[%get3A, %get3A_0] : memref<8192x160xf32, #tpu.memory_space<vmem>>, vector<8192x160xf32>
    %get3A_2 = arith.constant 0 : index
    %get3A_3 = arith.constant 0 : index
    %get3A_4 = vector.load %arg1[%get3A_2, %get3A_3] : memref<160x128xf32, #tpu.memory_space<vmem>>, vector<160x128xf32>
    %dot_general3A = arith.constant dense<0.000000e+00> : vector<8192x128xf32>
    %dot_general3A_5 = tpu.matmul %get3A_1, %get3A_4, %dot_general3A {dimension_numbers = #tpu.dot_dimension_numbers<[1], [0], [0], [1], [0, 0, 1, 1], [], []>, transpose_lhs_hint = false} : vector<8192x160xf32>, vector<160x128xf32>, vector<8192x128xf32> -> vector<8192x128xf32>
    %get3A_6 = arith.constant 0 : index
    %get3A_7 = arith.constant 0 : index
    %get3A_8 = vector.load %arg2[%get3A_6, %get3A_7] : memref<1x128xf32, #tpu.memory_space<vmem>>, vector<1x128xf32>
    %add3A = vector.broadcast %get3A_8 : vector<1x128xf32> to vector<8192x128xf32>
    %add3A_9 = arith.addf %dot_general3A_5, %add3A : vector<8192x128xf32>
    %swap3A = arith.constant 0 : index
    %swap3A_10 = arith.constant 0 : index
    %swap3A_11 = vector.load %arg3[%swap3A, %swap3A_10] : memref<8192x128xf32, #tpu.memory_space<vmem>>, vector<8192x128xf32>
    tpu.vector_store %arg3[%swap3A, %swap3A_10], %add3A_9 {strides = array<i32>} : memref<8192x128xf32, #tpu.memory_space<vmem>>, vector<8192x128xf32>,
    return
  }
}

module attributes {stable_mosaic.version = 14 : i64} {
  func.func @_gine_dense_body(%arg0: i32, %arg1: memref<1024x128xf32, #tpu.memory_space<vmem>>, %arg2: memref<1024x128xf32, #tpu.memory_space<vmem>>, %arg3: memref<1024x128xf32, #tpu.memory_space<vmem>>, %arg4: memref<128x128xf32, #tpu.memory_space<vmem>>, %arg5: memref<1x128xf32, #tpu.memory_space<vmem>>, %arg6: memref<128x128xf32, #tpu.memory_space<vmem>>, %arg7: memref<1x128xf32, #tpu.memory_space<vmem>>, %arg8: memref<1x1xf32, #tpu.memory_space<smem>>, %arg9: memref<1024x128xf32, #tpu.memory_space<vmem>>) attributes {dimension_semantics = [#tpu.dimension_semantics<arbitrary>], iteration_bounds = array<i64: 8>, scalar_prefetch = 0 : i64, scratch_operands = 0 : i64, tpu.core_type = #tpu.core_type<tc>, window_params = [{transform_indices = @transform_0, window_bounds = array<i64: 1024, 128>}, {transform_indices = @transform_1, window_bounds = array<i64: 1024, 128>}, {transform_indices = @transform_2, window_bounds = array<i64: 1024, 128>}, {pipeline_mode = #tpu.pipeline_mode<synchronous>, transform_indices = @transform_3, window_bounds = array<i64: 128, 128>}, {pipeline_mode = #tpu.pipeline_mode<synchronous>, transform_indices = @transform_4, window_bounds = array<i64: 1, 128>}, {pipeline_mode = #tpu.pipeline_mode<synchronous>, transform_indices = @transform_5, window_bounds = array<i64: 128, 128>}, {pipeline_mode = #tpu.pipeline_mode<synchronous>, transform_indices = @transform_6, window_bounds = array<i64: 1, 128>}, {transform_indices = @transform_7, window_bounds = array<i64: 1, 1>}, {transform_indices = @transform_8, window_bounds = array<i64: 1024, 128>}]} {
    %get3A = arith.constant 0 : index
    %get3A_0 = arith.constant 0 : index
    %get3A_1 = memref.load %arg8[%get3A, %get3A_0] : memref<1x1xf32, #tpu.memory_space<smem>>
    %add3A = arith.constant 1.000000e+00 : f32
    %add3A_2 = arith.addf %add3A, %get3A_1 : f32
    %get3A_3 = arith.constant 0 : index
    %get3A_4 = arith.constant 0 : index
    %get3A_5 = vector.load %arg1[%get3A_3, %get3A_4] : memref<1024x128xf32, #tpu.memory_space<vmem>>, vector<1024x128xf32>
    %mul3A = vector.broadcast %add3A_2 : f32 to vector<1024x128xf32>
    %mul3A_6 = arith.mulf %mul3A, %get3A_5 : vector<1024x128xf32>
    %get3A_7 = arith.constant 0 : index
    %get3A_8 = arith.constant 0 : index
    %get3A_9 = vector.load %arg2[%get3A_7, %get3A_8] : memref<1024x128xf32, #tpu.memory_space<vmem>>, vector<1024x128xf32>
    %add3A_10 = arith.addf %mul3A_6, %get3A_9 : vector<1024x128xf32>
    %get3A_11 = arith.constant 0 : index
    %get3A_12 = arith.constant 0 : index
    %get3A_13 = vector.load %arg3[%get3A_11, %get3A_12] : memref<1024x128xf32, #tpu.memory_space<vmem>>, vector<1024x128xf32>
    %add3A_14 = arith.addf %add3A_10, %get3A_13 : vector<1024x128xf32>
    %get3A_15 = arith.constant 0 : index
    %get3A_16 = arith.constant 0 : index
    %get3A_17 = vector.load %arg4[%get3A_15, %get3A_16] : memref<128x128xf32, #tpu.memory_space<vmem>>, vector<128x128xf32>
    %dot_general3A = arith.constant dense<0.000000e+00> : vector<1024x128xf32>
    %dot_general3A_18 = tpu.matmul %add3A_14, %get3A_17, %dot_general3A {dimension_numbers = #tpu.dot_dimension_numbers<[1], [0], [0], [1], [0, 0, 1, 1], [], []>, transpose_lhs_hint = false} : vector<1024x128xf32>, vector<128x128xf32>, vector<1024x128xf32> -> vector<1024x128xf32>
    %get3A_19 = arith.constant 0 : index
    %get3A_20 = arith.constant 0 : index
    %get3A_21 = vector.load %arg5[%get3A_19, %get3A_20] : memref<1x128xf32, #tpu.memory_space<vmem>>, vector<1x128xf32>
    %add3A_22 = vector.broadcast %get3A_21 : vector<1x128xf32> to vector<1024x128xf32>
    %add3A_23 = arith.addf %dot_general3A_18, %add3A_22 : vector<1024x128xf32>
    %max3A = arith.constant 0.000000e+00 : f32
    %max3A_24 = vector.broadcast %max3A : f32 to vector<1024x128xf32>
    %max3A_25 = arith.maximumf %add3A_23, %max3A_24 : vector<1024x128xf32>
    %get3A_26 = arith.constant 0 : index
    %get3A_27 = arith.constant 0 : index
    %get3A_28 = vector.load %arg6[%get3A_26, %get3A_27] : memref<128x128xf32, #tpu.memory_space<vmem>>, vector<128x128xf32>
    %dot_general3A_29 = arith.constant dense<0.000000e+00> : vector<1024x128xf32>
    %dot_general3A_30 = tpu.matmul %max3A_25, %get3A_28, %dot_general3A_29 {dimension_numbers = #tpu.dot_dimension_numbers<[1], [0], [0], [1], [0, 0, 1, 1], [], []>, transpose_lhs_hint = false} : vector<1024x128xf32>, vector<128x128xf32>, vector<1024x128xf32> -> vector<1024x128xf32>
    %get3A_31 = arith.constant 0 : index
    %get3A_32 = arith.constant 0 : index
    %get3A_33 = vector.load %arg7[%get3A_31, %get3A_32] : memref<1x128xf32, #tpu.memory_space<vmem>>, vector<1x128xf32>
    %add3A_34 = vector.broadcast %get3A_33 : vector<1x128xf32> to vector<1024x128xf32>
    %add3A_35 = arith.addf %dot_general3A_30, %add3A_34 : vector<1024x128xf32>
    %swap3A = arith.constant 0 : index
    %swap3A_36 = arith.constant 0 : index
    %swap3A_37 = vector.load %arg9[%swap3A, %swap3A_36] : memref<1024x128xf32, #tpu.memory_space<vmem>>, vector<1024x128xf32>
    tpu.vector_store %arg9[%swap3A, %swap3A_36], %add3A_35 {strides = array<i32>} : memref<1024x128xf32, #tpu.memory_space<vmem>>, vector<1024x128xf32>,
    return
  }
  func.func @transform_0(%arg0: i32) -> (i32, i32) {
    %c0_i32 = arith.constant 0 : i32
    %c0_i32_0 = arith.constant 0 : i32
    return %arg0, %c0_i32 : i32, i32
  }
  func.func @transform_1(%arg0: i32) -> (i32, i32) {
    %c0_i32 = arith.constant 0 : i32
    %c0_i32_0 = arith.constant 0 : i32
    return %arg0, %c0_i32 : i32, i32
  }
  func.func @transform_2(%arg0: i32) -> (i32, i32) {
    %c0_i32 = arith.constant 0 : i32
    %c0_i32_0 = arith.constant 0 : i32
    return %arg0, %c0_i32 : i32, i32
  }
  func.func @transform_3(%arg0: i32) -> (i32, i32) {
    %c0_i32 = arith.constant 0 : i32
    %c0_i32_0 = arith.constant 0 : i32
    %c0_i32_1 = arith.constant 0 : i32
    return %c0_i32, %c0_i32_0 : i32, i32
  }
  func.func @transform_4(%arg0: i32) -> (i32, i32) {
    %c0_i32 = arith.constant 0 : i32
    %c0_i32_0 = arith.constant 0 : i32
    %c0_i32_1 = arith.constant 0 : i32
    return %c0_i32, %c0_i32_0 : i32, i32
  }
  func.func @transform_5(%arg0: i32) -> (i32, i32) {
    %c0_i32 = arith.constant 0 : i32
    %c0_i32_0 = arith.constant 0 : i32
    %c0_i32_1 = arith.constant 0 : i32
    return %c0_i32, %c0_i32_0 : i32, i32
  }
  func.func @transform_6(%arg0: i32) -> (i32, i32) {
    %c0_i32 = arith.constant 0 : i32
    %c0_i32_0 = arith.constant 0 : i32
    %c0_i32_1 = arith.constant 0 : i32
    return %c0_i32, %c0_i32_0 : i32, i32
  }
  func.func @transform_7(%arg0: i32) -> (i32, i32) {
    %c0_i32 = arith.constant 0 : i32
    %c0_i32_0 = arith.constant 0 : i32
    %c0_i32_1 = arith.constant 0 : i32
    return %c0_i32, %c0_i32_0 : i32, i32
  }
  func.func @transform_8(%arg0: i32) -> (i32, i32) {
    %c0_i32 = arith.constant 0 : i32
    %c0_i32_0 = arith.constant 0 : i32
    return %arg0, %c0_i32 : i32, i32
  }
}

module attributes {stable_mosaic.version = 14 : i64} {
  func.func @_latent_body(%arg0: memref<128x64xf32, #tpu.memory_space<vmem>>, %arg1: memref<64x64xf32, #tpu.memory_space<vmem>>, %arg2: memref<1x64xf32, #tpu.memory_space<vmem>>, %arg3: memref<64x64xf32, #tpu.memory_space<vmem>>, %arg4: memref<1x64xf32, #tpu.memory_space<vmem>>, %arg5: memref<64x256xf32, #tpu.memory_space<vmem>>, %arg6: memref<1x256xf32, #tpu.memory_space<vmem>>, %arg7: memref<128x64xf32, #tpu.memory_space<vmem>>, %arg8: memref<128x64xf32, #tpu.memory_space<vmem>>, %arg9: memref<128x256xf32, #tpu.memory_space<vmem>>, %arg10: memref<1x1xf32, #tpu.memory_space<smem>>) attributes {dimension_semantics = [], scalar_prefetch = 0 : i64, scratch_operands = 0 : i64, tpu.core_type = #tpu.core_type<tc>} {
    %get3A = arith.constant 0 : index
    %get3A_0 = arith.constant 0 : index
    %get3A_1 = vector.load %arg0[%get3A, %get3A_0] : memref<128x64xf32, #tpu.memory_space<vmem>>, vector<128x64xf32>
    %get3A_2 = arith.constant 0 : index
    %get3A_3 = arith.constant 0 : index
    %get3A_4 = vector.load %arg1[%get3A_2, %get3A_3] : memref<64x64xf32, #tpu.memory_space<vmem>>, vector<64x64xf32>
    %dot_general3A = arith.constant dense<0.000000e+00> : vector<128x64xf32>
    %dot_general3A_5 = tpu.matmul %get3A_1, %get3A_4, %dot_general3A {dimension_numbers = #tpu.dot_dimension_numbers<[1], [0], [0], [1], [0, 0, 1, 1], [], []>, transpose_lhs_hint = false} : vector<128x64xf32>, vector<64x64xf32>, vector<128x64xf32> -> vector<128x64xf32>
    %get3A_6 = arith.constant 0 : index
    %get3A_7 = arith.constant 0 : index
    %get3A_8 = vector.load %arg2[%get3A_6, %get3A_7] : memref<1x64xf32, #tpu.memory_space<vmem>>, vector<1x64xf32>
    %add3A = vector.broadcast %get3A_8 : vector<1x64xf32> to vector<128x64xf32>
    %add3A_9 = arith.addf %dot_general3A_5, %add3A : vector<128x64xf32>
    %get3A_10 = arith.constant 0 : index
    %get3A_11 = arith.constant 0 : index
    %get3A_12 = vector.load %arg3[%get3A_10, %get3A_11] : memref<64x64xf32, #tpu.memory_space<vmem>>, vector<64x64xf32>
    %dot_general3A_13 = arith.constant dense<0.000000e+00> : vector<128x64xf32>
    %dot_general3A_14 = tpu.matmul %get3A_1, %get3A_12, %dot_general3A_13 {dimension_numbers = #tpu.dot_dimension_numbers<[1], [0], [0], [1], [0, 0, 1, 1], [], []>, transpose_lhs_hint = false} : vector<128x64xf32>, vector<64x64xf32>, vector<128x64xf32> -> vector<128x64xf32>
    %get3A_15 = arith.constant 0 : index
    %get3A_16 = arith.constant 0 : index
    %get3A_17 = vector.load %arg4[%get3A_15, %get3A_16] : memref<1x64xf32, #tpu.memory_space<vmem>>, vector<1x64xf32>
    %add3A_18 = vector.broadcast %get3A_17 : vector<1x64xf32> to vector<128x64xf32>
    %add3A_19 = arith.addf %dot_general3A_14, %add3A_18 : vector<128x64xf32>
    %abs3A = math.absf %add3A_19 : vector<128x64xf32>
    %neg3A = arith.constant 0.000000e+00 : f32
    %neg3A_20 = vector.broadcast %neg3A : f32 to vector<128x64xf32>
    %neg3A_21 = arith.subf %neg3A_20, %abs3A : vector<128x64xf32>
    %add3A_22 = arith.constant 1.000000e+00 : f32
    %add3A_23 = vector.broadcast %add3A_22 : f32 to vector<128x64xf32>
    %add3A_24 = arith.addf %add3A_23, %neg3A_21 : vector<128x64xf32>
    %mul3A = arith.mulf %add3A_9, %add3A_9 : vector<128x64xf32>
    %sub3A = arith.subf %add3A_24, %mul3A : vector<128x64xf32>
    %exp3A = math.exp %neg3A_21 : vector<128x64xf32>
    %sub3A_25 = arith.subf %sub3A, %exp3A : vector<128x64xf32>
    %reduce_sum3A = vector.shape_cast %sub3A_25 : vector<128x64xf32> to vector<1x128x64xf32>
    %reduce_sum3A_26 = arith.constant dense<0.000000e+00> : vector<1xf32>
    %reduce_sum3A_27 = vector.multi_reduction <add>, %reduce_sum3A, %reduce_sum3A_26 [1, 2] : vector<1x128x64xf32> to vector<1xf32>
    %reduce_sum3A_28 = vector.shape_cast %reduce_sum3A_27 : vector<1xf32> to vector<1x1x1xf32>
    %reduce_sum3A_29 = vector.extract %reduce_sum3A_28[0, 0, 0] : f32 from vector<1x1x1xf32>
    %mul3A_30 = arith.constant -5.000000e-01 : f32
    %mul3A_31 = arith.mulf %mul3A_30, %reduce_sum3A_29 : f32
    %div3A = arith.constant 1.280000e+02 : f32
    %div3A_32 = arith.divf %mul3A_31, %div3A : f32
    %swap3A = arith.constant 0 : index
    %swap3A_33 = arith.constant 0 : index
    %swap3A_34 = memref.load %arg10[%swap3A, %swap3A_33] : memref<1x1xf32, #tpu.memory_space<smem>>
    memref.store %div3A_32, %arg10[%swap3A, %swap3A_33] : memref<1x1xf32, #tpu.memory_space<smem>>
    %mul3A_35 = arith.constant 5.000000e-01 : f32
    %mul3A_36 = vector.broadcast %mul3A_35 : f32 to vector<128x64xf32>
    %mul3A_37 = arith.mulf %neg3A_21, %mul3A_36 : vector<128x64xf32>
    %exp3A_38 = math.exp %mul3A_37 : vector<128x64xf32>
    %get3A_39 = arith.constant 0 : index
    %get3A_40 = arith.constant 0 : index
    %get3A_41 = vector.load %arg7[%get3A_39, %get3A_40] : memref<128x64xf32, #tpu.memory_space<vmem>>, vector<128x64xf32>
    %mul3A_42 = arith.mulf %exp3A_38, %get3A_41 : vector<128x64xf32>
    %add3A_43 = arith.addf %add3A_9, %mul3A_42 : vector<128x64xf32>
    %swap3A_44 = arith.constant 0 : index
    %swap3A_45 = arith.constant 0 : index
    %swap3A_46 = vector.load %arg8[%swap3A_44, %swap3A_45] : memref<128x64xf32, #tpu.memory_space<vmem>>, vector<128x64xf32>
    tpu.vector_store %arg8[%swap3A_44, %swap3A_45], %add3A_43 {strides = array<i32>} : memref<128x64xf32, #tpu.memory_space<vmem>>, vector<128x64xf32>,
    %get3A_47 = arith.constant 0 : index
    %get3A_48 = arith.constant 0 : index
    %get3A_49 = vector.load %arg5[%get3A_47, %get3A_48] : memref<64x256xf32, #tpu.memory_space<vmem>>, vector<64x256xf32>
    %dot_general3A_50 = arith.constant dense<0.000000e+00> : vector<128x256xf32>
    %dot_general3A_51 = tpu.matmul %add3A_43, %get3A_49, %dot_general3A_50 {dimension_numbers = #tpu.dot_dimension_numbers<[1], [0], [0], [1], [0, 0, 1, 1], [], []>, transpose_lhs_hint = false} : vector<128x64xf32>, vector<64x256xf32>, vector<128x256xf32> -> vector<128x256xf32>
    %get3A_52 = arith.constant 0 : index
    %get3A_53 = arith.constant 0 : index
    %get3A_54 = vector.load %arg6[%get3A_52, %get3A_53] : memref<1x256xf32, #tpu.memory_space<vmem>>, vector<1x256xf32>
    %add3A_55 = vector.broadcast %get3A_54 : vector<1x256xf32> to vector<128x256xf32>
    %add3A_56 = arith.addf %dot_general3A_51, %add3A_55 : vector<128x256xf32>
    %swap3A_57 = arith.constant 0 : index
    %swap3A_58 = arith.constant 0 : index
    %swap3A_59 = vector.load %arg9[%swap3A_57, %swap3A_58] : memref<128x256xf32, #tpu.memory_space<vmem>>, vector<128x256xf32>
    tpu.vector_store %arg9[%swap3A_57, %swap3A_58], %add3A_56 {strides = array<i32>} : memref<128x256xf32, #tpu.memory_space<vmem>>, vector<128x256xf32>,
    return
  }
}

module attributes {stable_mosaic.version = 14 : i64} {
  func.func @_gru_body(%arg0: memref<47x128x64xf32, #tpu.memory_space<vmem>>, %arg1: memref<128x256xf32, #tpu.memory_space<vmem>>, %arg2: memref<64x768xf32, #tpu.memory_space<vmem>>, %arg3: memref<256x768xf32, #tpu.memory_space<vmem>>, %arg4: memref<1x768xf32, #tpu.memory_space<vmem>>, %arg5: memref<1x768xf32, #tpu.memory_space<vmem>>, %arg6: memref<47x128x256xf32, #tpu.memory_space<vmem>>, %arg7: memref<47x128x768xf32, #tpu.memory_space<vmem>>) attributes {dimension_semantics = [], scalar_prefetch = 0 : i64, scratch_operands = 1 : i64, tpu.core_type = #tpu.core_type<tc>} {
    %get3A = arith.constant 0 : index
    %get3A_0 = arith.constant 0 : index
    %get3A_1 = vector.load %arg3[%get3A, %get3A_0] : memref<256x768xf32, #tpu.memory_space<vmem>>, vector<256x768xf32>
    %get3A_2 = arith.constant 0 : index
    %get3A_3 = arith.constant 0 : index
    %get3A_4 = vector.load %arg4[%get3A_2, %get3A_3] : memref<1x768xf32, #tpu.memory_space<vmem>>, vector<1x768xf32>
    %get3A_5 = arith.constant 0 : index
    %get3A_6 = arith.constant 0 : index
    %get3A_7 = vector.load %arg5[%get3A_5, %get3A_6] : memref<1x768xf32, #tpu.memory_space<vmem>>, vector<1x768xf32>
    %get3A_8 = arith.constant 0 : index
    %get3A_9 = arith.constant 0 : index
    %get3A_10 = arith.constant 0 : index
    %get3A_11 = vector.load %arg0[%get3A_8, %get3A_9, %get3A_10] : memref<47x128x64xf32, #tpu.memory_space<vmem>>, vector<47x128x64xf32>
    %reshape3A = vector.shape_cast %get3A_11 : vector<47x128x64xf32> to vector<6016x64xf32>
    %get3A_12 = arith.constant 0 : index
    %get3A_13 = arith.constant 0 : index
    %get3A_14 = vector.load %arg2[%get3A_12, %get3A_13] : memref<64x768xf32, #tpu.memory_space<vmem>>, vector<64x768xf32>
    %dot_general3A = arith.constant dense<0.000000e+00> : vector<6016x768xf32>
    %dot_general3A_15 = tpu.matmul %reshape3A, %get3A_14, %dot_general3A {dimension_numbers = #tpu.dot_dimension_numbers<[1], [0], [0], [1], [0, 0, 1, 1], [], []>, transpose_lhs_hint = false} : vector<6016x64xf32>, vector<64x768xf32>, vector<6016x768xf32> -> vector<6016x768xf32>
    %reshape3A_16 = vector.shape_cast %dot_general3A_15 : vector<6016x768xf32> to vector<47x128x768xf32>
    %swap3A = arith.constant 0 : index
    %swap3A_17 = arith.constant 0 : index
    %swap3A_18 = arith.constant 0 : index
    %swap3A_19 = vector.load %arg7[%swap3A, %swap3A_17, %swap3A_18] : memref<47x128x768xf32, #tpu.memory_space<vmem>>, vector<47x128x768xf32>
    tpu.vector_store %arg7[%swap3A, %swap3A_17, %swap3A_18], %reshape3A_16 {strides = array<i32>} : memref<47x128x768xf32, #tpu.memory_space<vmem>>, vector<47x128x768xf32>,
    %get3A_20 = arith.constant 0 : index
    %get3A_21 = arith.constant 0 : index
    %get3A_22 = vector.load %arg1[%get3A_20, %get3A_21] : memref<128x256xf32, #tpu.memory_space<vmem>>, vector<128x256xf32>
    %scan3A = arith.constant 0 : i32
    %scan3A_23 = arith.constant 47 : i32
    %scan3A_24 = arith.addi %scan3A, %scan3A_23 : i32
    %scan3A_25 = arith.constant 1 : i32
    %scan3A_26 = scf.for %scan3A_28 = %scan3A to %scan3A_24 step %scan3A_25 iter_args(%scan3A_29 = %get3A_22) -> (vector<128x256xf32>)  : i32 {
      %get3A_30 = arith.index_cast %scan3A_28 : i32 to index
      %get3A_31 = arith.constant 0 : index
      %get3A_32 = arith.constant 0 : index
      %get3A_33 = vector.load %arg7[%get3A_30, %get3A_31, %get3A_32] : memref<47x128x768xf32, #tpu.memory_space<vmem>>, vector<1x128x768xf32>
      %get3A_34 = vector.shape_cast %get3A_33 : vector<1x128x768xf32> to vector<128x768xf32>
      %add3A = vector.broadcast %get3A_4 : vector<1x768xf32> to vector<128x768xf32>
      %add3A_35 = arith.addf %get3A_34, %add3A : vector<128x768xf32>
      %dot_general3A_36 = arith.constant dense<0.000000e+00> : vector<128x768xf32>
      %dot_general3A_37 = tpu.matmul %scan3A_29, %get3A_1, %dot_general3A_36 {dimension_numbers = #tpu.dot_dimension_numbers<[1], [0], [0], [1], [0, 0, 1, 1], [], []>, transpose_lhs_hint = false} : vector<128x256xf32>, vector<256x768xf32>, vector<128x768xf32> -> vector<128x768xf32>
      %add3A_38 = vector.broadcast %get3A_7 : vector<1x768xf32> to vector<128x768xf32>
      %add3A_39 = arith.addf %dot_general3A_37, %add3A_38 : vector<128x768xf32>
      %slice3A = vector.extract_strided_slice %add3A_35 {offsets = [0, 0], sizes = [128, 256], strides = [1, 1]} : vector<128x768xf32> to vector<128x256xf32>
      %slice3A_40 = vector.extract_strided_slice %add3A_39 {offsets = [0, 0], sizes = [128, 256], strides = [1, 1]} : vector<128x768xf32> to vector<128x256xf32>
      %add3A_41 = arith.addf %slice3A, %slice3A_40 : vector<128x256xf32>
      %logistic3A = arith.negf %add3A_41 : vector<128x256xf32>
      %logistic3A_42 = math.exp %logistic3A : vector<128x256xf32>
      %logistic3A_43 = arith.constant 1.000000e+00 : f32
      %logistic3A_44 = vector.broadcast %logistic3A_43 : f32 to vector<128x256xf32>
      %logistic3A_45 = arith.addf %logistic3A_44, %logistic3A_42 : vector<128x256xf32>
      %logistic3A_46 = arith.divf %logistic3A_44, %logistic3A_45 : vector<128x256xf32>
      %slice3A_47 = vector.extract_strided_slice %add3A_35 {offsets = [0, 256], sizes = [128, 256], strides = [1, 1]} : vector<128x768xf32> to vector<128x256xf32>
      %slice3A_48 = vector.extract_strided_slice %add3A_39 {offsets = [0, 256], sizes = [128, 256], strides = [1, 1]} : vector<128x768xf32> to vector<128x256xf32>
      %add3A_49 = arith.addf %slice3A_47, %slice3A_48 : vector<128x256xf32>
      %logistic3A_50 = arith.negf %add3A_49 : vector<128x256xf32>
      %logistic3A_51 = math.exp %logistic3A_50 : vector<128x256xf32>
      %logistic3A_52 = arith.constant 1.000000e+00 : f32
      %logistic3A_53 = vector.broadcast %logistic3A_52 : f32 to vector<128x256xf32>
      %logistic3A_54 = arith.addf %logistic3A_53, %logistic3A_51 : vector<128x256xf32>
      %logistic3A_55 = arith.divf %logistic3A_53, %logistic3A_54 : vector<128x256xf32>
      %slice3A_56 = vector.extract_strided_slice %add3A_35 {offsets = [0, 512], sizes = [128, 256], strides = [1, 1]} : vector<128x768xf32> to vector<128x256xf32>
      %slice3A_57 = vector.extract_strided_slice %add3A_39 {offsets = [0, 512], sizes = [128, 256], strides = [1, 1]} : vector<128x768xf32> to vector<128x256xf32>
      %mul3A = arith.mulf %logistic3A_46, %slice3A_57 : vector<128x256xf32>
      %add3A_58 = arith.addf %slice3A_56, %mul3A : vector<128x256xf32>
      %tanh3A = math.tanh %add3A_58 : vector<128x256xf32>
      %sub3A = arith.constant 1.000000e+00 : f32
      %sub3A_59 = vector.broadcast %sub3A : f32 to vector<128x256xf32>
      %sub3A_60 = arith.subf %sub3A_59, %logistic3A_55 : vector<128x256xf32>
      %mul3A_61 = arith.mulf %sub3A_60, %tanh3A : vector<128x256xf32>
      %mul3A_62 = arith.mulf %logistic3A_55, %scan3A_29 : vector<128x256xf32>
      %add3A_63 = arith.addf %mul3A_61, %mul3A_62 : vector<128x256xf32>
      %swap3A_64 = arith.index_cast %scan3A_28 : i32 to index
      %swap3A_65 = arith.constant 0 : index
      %swap3A_66 = arith.constant 0 : index
      %swap3A_67 = vector.load %arg6[%swap3A_64, %swap3A_65, %swap3A_66] : memref<47x128x256xf32, #tpu.memory_space<vmem>>, vector<1x128x256xf32>
      %swap3A_68 = vector.shape_cast %swap3A_67 : vector<1x128x256xf32> to vector<128x256xf32>
      %swap3A_69 = vector.shape_cast %add3A_63 : vector<128x256xf32> to vector<1x128x256xf32>
      tpu.vector_store %arg6[%swap3A_64, %swap3A_65, %swap3A_66], %swap3A_69 {strides = array<i32>} : memref<47x128x256xf32, #tpu.memory_space<vmem>>, vector<1x128x256xf32>,
      scf.yield %add3A_63 : vector<128x256xf32>
    }
    %scan3A_27 = arith.constant 47 : i32
    return
  }
}

module attributes {stable_mosaic.version = 14 : i64} {
  func.func @_piece_loss_body(%arg0: memref<47x128x256xf32, #tpu.memory_space<vmem>>, %arg1: memref<256x512xf32, #tpu.memory_space<vmem>>, %arg2: memref<1x512xf32, #tpu.memory_space<vmem>>, %arg3: memref<48x128xi32, #tpu.memory_space<vmem>>, %arg4: memref<1x1xf32, #tpu.memory_space<smem>>) attributes {dimension_semantics = [], scalar_prefetch = 0 : i64, scratch_operands = 0 : i64, tpu.core_type = #tpu.core_type<tc>} {
    %get3A = arith.constant 0 : index
    %get3A_0 = arith.constant 0 : index
    %get3A_1 = vector.load %arg1[%get3A, %get3A_0] : memref<256x512xf32, #tpu.memory_space<vmem>>, vector<256x512xf32>
    %get3A_2 = arith.constant 0 : index
    %get3A_3 = arith.constant 0 : index
    %get3A_4 = vector.load %arg2[%get3A_2, %get3A_3] : memref<1x512xf32, #tpu.memory_space<vmem>>, vector<1x512xf32>
    %iota3A = tpu.iota {dimensions = array<i32: 1>} : vector<128x512xi32>
    %scan3A = arith.constant 0.000000e+00 : f32
    %scan3A_5 = arith.constant 0.000000e+00 : f32
    %scan3A_6 = arith.constant 0 : i32
    %scan3A_7 = arith.constant 47 : i32
    %scan3A_8 = arith.addi %scan3A_6, %scan3A_7 : i32
    %scan3A_9 = arith.constant 1 : i32
    %scan3A_10:2 = scf.for %scan3A_15 = %scan3A_6 to %scan3A_8 step %scan3A_9 iter_args(%scan3A_16 = %scan3A, %scan3A_17 = %scan3A_5) -> (f32, f32)  : i32 {
      %get3A_18 = arith.index_cast %scan3A_15 : i32 to index
      %get3A_19 = arith.constant 0 : index
      %get3A_20 = arith.constant 0 : index
      %get3A_21 = vector.load %arg0[%get3A_18, %get3A_19, %get3A_20] : memref<47x128x256xf32, #tpu.memory_space<vmem>>, vector<1x128x256xf32>
      %get3A_22 = vector.shape_cast %get3A_21 : vector<1x128x256xf32> to vector<128x256xf32>
      %dot_general3A = arith.constant dense<0.000000e+00> : vector<128x512xf32>
      %dot_general3A_23 = tpu.matmul %get3A_22, %get3A_1, %dot_general3A {dimension_numbers = #tpu.dot_dimension_numbers<[1], [0], [0], [1], [0, 0, 1, 1], [], []>, transpose_lhs_hint = false} : vector<128x256xf32>, vector<256x512xf32>, vector<128x512xf32> -> vector<128x512xf32>
      %add3A = vector.broadcast %get3A_4 : vector<1x512xf32> to vector<128x512xf32>
      %add3A_24 = arith.addf %dot_general3A_23, %add3A : vector<128x512xf32>
      %reduce_max3A = arith.constant dense<0xFF800000> : vector<128xf32>
      %reduce_max3A_25 = vector.multi_reduction <maximumf>, %add3A_24, %reduce_max3A [1] : vector<128x512xf32> to vector<128xf32>
      %broadcast_in_dim3A = vector.shape_cast %reduce_max3A_25 : vector<128xf32> to vector<128x1xf32>
      %sub3A = vector.broadcast %broadcast_in_dim3A : vector<128x1xf32> to vector<128x512xf32>
      %sub3A_26 = arith.subf %add3A_24, %sub3A : vector<128x512xf32>
      %exp3A = math.exp %sub3A_26 : vector<128x512xf32>
      %reduce_sum3A = arith.constant dense<0.000000e+00> : vector<128xf32>
      %reduce_sum3A_27 = vector.multi_reduction <add>, %exp3A, %reduce_sum3A [1] : vector<128x512xf32> to vector<128xf32>
      %log3A = math.log %reduce_sum3A_27 : vector<128xf32>
      %squeeze3A = vector.shape_cast %broadcast_in_dim3A : vector<128x1xf32> to vector<128xf32>
      %add3A_28 = arith.addf %log3A, %squeeze3A : vector<128xf32>
      %add3A_29 = arith.constant 1 : i32
      %add3A_30 = arith.addi %scan3A_15, %add3A_29 : i32
      %get3A_31 = arith.index_cast %add3A_30 : i32 to index
      %get3A_32 = arith.constant 0 : index
      %get3A_33 = vector.load %arg3[%get3A_31, %get3A_32] : memref<48x128xi32, #tpu.memory_space<vmem>>, vector<1x128xi32>
      %get3A_34 = vector.shape_cast %get3A_33 : vector<1x128xi32> to vector<128xi32>
      %broadcast_in_dim3A_35 = vector.shape_cast %get3A_34 : vector<128xi32> to vector<128x1xi32>
      %eq3A = vector.broadcast %broadcast_in_dim3A_35 : vector<128x1xi32> to vector<128x512xi32>
      %eq3A_36 = arith.cmpi eq, %iota3A, %eq3A : vector<128x512xi32>
      %jit3A = arith.constant 0.000000e+00 : f32
      %broadcast_in_dim3A_37 = vector.broadcast %jit3A : f32 to vector<128x512xf32>
      %select_n3A = arith.select %eq3A_36, %add3A_24, %broadcast_in_dim3A_37 : vector<128x512xi1>, vector<128x512xf32>
      %reduce_sum3A_38 = arith.constant dense<0.000000e+00> : vector<128xf32>
      %reduce_sum3A_39 = vector.multi_reduction <add>, %select_n3A, %reduce_sum3A_38 [1] : vector<128x512xf32> to vector<128xf32>
      %ne3A = arith.constant 0 : i32
      %ne3A_40 = vector.broadcast %ne3A : i32 to vector<128xi32>
      %ne3A_41 = arith.cmpi ne, %get3A_34, %ne3A_40 : vector<128xi32>
      %convert_element_type3A = arith.extui %ne3A_41 : vector<128xi1> to vector<128xi32>
      %convert_element_type3A_42 = arith.sitofp %convert_element_type3A : vector<128xi32> to vector<128xf32>
      %sub3A_43 = arith.subf %add3A_28, %reduce_sum3A_39 : vector<128xf32>
      %mul3A = arith.mulf %sub3A_43, %convert_element_type3A_42 : vector<128xf32>
      %reduce_sum3A_44 = vector.shape_cast %mul3A : vector<128xf32> to vector<1x128xf32>
      %reduce_sum3A_45 = arith.constant dense<0.000000e+00> : vector<1xf32>
      %reduce_sum3A_46 = vector.multi_reduction <add>, %reduce_sum3A_44, %reduce_sum3A_45 [1] : vector<1x128xf32> to vector<1xf32>
      %reduce_sum3A_47 = vector.shape_cast %reduce_sum3A_46 : vector<1xf32> to vector<1x1xf32>
      %reduce_sum3A_48 = vector.extract %reduce_sum3A_47[0, 0] : f32 from vector<1x1xf32>
      %add3A_49 = arith.addf %scan3A_16, %reduce_sum3A_48 : f32
      %reduce_sum3A_50 = vector.shape_cast %convert_element_type3A_42 : vector<128xf32> to vector<1x128xf32>
      %reduce_sum3A_51 = arith.constant dense<0.000000e+00> : vector<1xf32>
      %reduce_sum3A_52 = vector.multi_reduction <add>, %reduce_sum3A_50, %reduce_sum3A_51 [1] : vector<1x128xf32> to vector<1xf32>
      %reduce_sum3A_53 = vector.shape_cast %reduce_sum3A_52 : vector<1xf32> to vector<1x1xf32>
      %reduce_sum3A_54 = vector.extract %reduce_sum3A_53[0, 0] : f32 from vector<1x1xf32>
      %add3A_55 = arith.addf %scan3A_17, %reduce_sum3A_54 : f32
      scf.yield %add3A_49, %add3A_55 : f32, f32
    }
    %scan3A_11 = arith.constant 47 : i32
    %max3A = arith.constant 1.000000e+00 : f32
    %max3A_12 = arith.maximumf %scan3A_10#1, %max3A : f32
    %div3A = arith.divf %scan3A_10#0, %max3A_12 : f32
    %swap3A = arith.constant 0 : index
    %swap3A_13 = arith.constant 0 : index
    %swap3A_14 = memref.load %arg4[%swap3A, %swap3A_13] : memref<1x1xf32, #tpu.memory_space<smem>>
    memref.store %div3A, %arg4[%swap3A, %swap3A_13] : memref<1x1xf32, #tpu.memory_space<smem>>
    return
  }
}

module attributes {stable_mosaic.version = 14 : i64} {
  func.func @_edge_mlp_body(%arg0: i32, %arg1: memref<1024x128xf32, #tpu.memory_space<vmem>>, %arg2: memref<128x128xf32, #tpu.memory_space<vmem>>, %arg3: memref<128x64xf32, #tpu.memory_space<vmem>>, %arg4: memref<320x160xf32, #tpu.memory_space<vmem>>, %arg5: memref<1x160xf32, #tpu.memory_space<vmem>>, %arg6: memref<160x160xf32, #tpu.memory_space<vmem>>, %arg7: memref<1x160xf32, #tpu.memory_space<vmem>>, %arg8: memref<160x160xf32, #tpu.memory_space<vmem>>, %arg9: memref<1x160xf32, #tpu.memory_space<vmem>>, %arg10: memref<160x128xf32, #tpu.memory_space<vmem>>, %arg11: memref<1x128xf32, #tpu.memory_space<vmem>>, %arg12: memref<1x1x1024xi32, #tpu.memory_space<vmem>>, %arg13: memref<1x1xf32, #tpu.memory_space<smem>>) attributes {dimension_semantics = [#tpu.dimension_semantics<arbitrary>], iteration_bounds = array<i64: 8>, scalar_prefetch = 0 : i64, scratch_operands = 0 : i64, tpu.core_type = #tpu.core_type<tc>, window_params = [{transform_indices = @transform_0, window_bounds = array<i64: 1024, 128>}, {pipeline_mode = #tpu.pipeline_mode<synchronous>, transform_indices = @transform_1, window_bounds = array<i64: 128, 128>}, {pipeline_mode = #tpu.pipeline_mode<synchronous>, transform_indices = @transform_2, window_bounds = array<i64: 128, 64>}, {pipeline_mode = #tpu.pipeline_mode<synchronous>, transform_indices = @transform_3, window_bounds = array<i64: 320, 160>}, {pipeline_mode = #tpu.pipeline_mode<synchronous>, transform_indices = @transform_4, window_bounds = array<i64: 1, 160>}, {pipeline_mode = #tpu.pipeline_mode<synchronous>, transform_indices = @transform_5, window_bounds = array<i64: 160, 160>}, {pipeline_mode = #tpu.pipeline_mode<synchronous>, transform_indices = @transform_6, window_bounds = array<i64: 1, 160>}, {pipeline_mode = #tpu.pipeline_mode<synchronous>, transform_indices = @transform_7, window_bounds = array<i64: 160, 160>}, {pipeline_mode = #tpu.pipeline_mode<synchronous>, transform_indices = @transform_8, window_bounds = array<i64: 1, 160>}, {pipeline_mode = #tpu.pipeline_mode<synchronous>, transform_indices = @transform_9, window_bounds = array<i64: 160, 128>}, {pipeline_mode = #tpu.pipeline_mode<synchronous>, transform_indices = @transform_10, window_bounds = array<i64: 1, 128>}, {transform_indices = @transform_11, window_bounds = array<i64: 1, 1, 1024>}, {transform_indices = @transform_12, window_bounds = array<i64: 1, 1>}]} {
    %mul3A = arith.constant 16 : i32
    %mul3A_0 = arith.muli %arg0, %mul3A : i32
    %get3A = arith.index_cast %mul3A_0 : i32 to index
    %get3A_1 = arith.constant 0 : index
    %get3A_2 = vector.load %arg2[%get3A, %get3A_1] : memref<128x128xf32, #tpu.memory_space<vmem>>, vector<16x128xf32>
    %get3A_3 = arith.index_cast %mul3A_0 : i32 to index
    %get3A_4 = arith.constant 0 : index
    %get3A_5 = vector.load %arg3[%get3A_3, %get3A_4] : memref<128x64xf32, #tpu.memory_space<vmem>>, vector<16x64xf32>
    %broadcast_in_dim3A = vector.shape_cast %get3A_2 : vector<16x128xf32> to vector<16x1x128xf32>
    %broadcast_in_dim3A_6 = vector.shape_cast %broadcast_in_dim3A : vector<16x1x128xf32> to vector<16x1x128xf32>
    %broadcast_in_dim3A_7 = vector.broadcast %broadcast_in_dim3A_6 : vector<16x1x128xf32> to vector<16x64x128xf32>
    %reshape3A = vector.shape_cast %broadcast_in_dim3A_7 : vector<16x64x128xf32> to vector<1024x128xf32>
    %broadcast_in_dim3A_8 = vector.shape_cast %get3A_5 : vector<16x64xf32> to vector<16x1x64xf32>
    %broadcast_in_dim3A_9 = vector.shape_cast %broadcast_in_dim3A_8 : vector<16x1x64xf32> to vector<16x1x64xf32>
    %broadcast_in_dim3A_10 = vector.broadcast %broadcast_in_dim3A_9 : vector<16x1x64xf32> to vector<16x64x64xf32>
    %reshape3A_11 = vector.shape_cast %broadcast_in_dim3A_10 : vector<16x64x64xf32> to vector<1024x64xf32>
    %get3A_12 = arith.constant 0 : index
    %get3A_13 = arith.constant 0 : index
    %get3A_14 = vector.load %arg1[%get3A_12, %get3A_13] : memref<1024x128xf32, #tpu.memory_space<vmem>>, vector<1024x128xf32>
    %concatenate3A = tpu.concatenate %get3A_14, %reshape3A, %reshape3A_11 in 1 : vector<1024x128xf32>, vector<1024x128xf32>, vector<1024x64xf32> -> vector<1024x320xf32>
    %get3A_15 = arith.constant 0 : index
    %get3A_16 = arith.constant 0 : index
    %get3A_17 = vector.load %arg4[%get3A_15, %get3A_16] : memref<320x160xf32, #tpu.memory_space<vmem>>, vector<320x160xf32>
    %dot_general3A = arith.constant dense<0.000000e+00> : vector<1024x160xf32>
    %dot_general3A_18 = tpu.matmul %concatenate3A, %get3A_17, %dot_general3A {dimension_numbers = #tpu.dot_dimension_numbers<[1], [0], [0], [1], [0, 0, 1, 1], [], []>, transpose_lhs_hint = false} : vector<1024x320xf32>, vector<320x160xf32>, vector<1024x160xf32> -> vector<1024x160xf32>
    %get3A_19 = arith.constant 0 : index
    %get3A_20 = arith.constant 0 : index
    %get3A_21 = vector.load %arg5[%get3A_19, %get3A_20] : memref<1x160xf32, #tpu.memory_space<vmem>>, vector<1x160xf32>
    %add3A = vector.broadcast %get3A_21 : vector<1x160xf32> to vector<1024x160xf32>
    %add3A_22 = arith.addf %dot_general3A_18, %add3A : vector<1024x160xf32>
    %max3A = arith.constant 0.000000e+00 : f32
    %max3A_23 = vector.broadcast %max3A : f32 to vector<1024x160xf32>
    %max3A_24 = arith.maximumf %add3A_22, %max3A_23 : vector<1024x160xf32>
    %get3A_25 = arith.constant 0 : index
    %get3A_26 = arith.constant 0 : index
    %get3A_27 = vector.load %arg6[%get3A_25, %get3A_26] : memref<160x160xf32, #tpu.memory_space<vmem>>, vector<160x160xf32>
    %dot_general3A_28 = arith.constant dense<0.000000e+00> : vector<1024x160xf32>
    %dot_general3A_29 = tpu.matmul %max3A_24, %get3A_27, %dot_general3A_28 {dimension_numbers = #tpu.dot_dimension_numbers<[1], [0], [0], [1], [0, 0, 1, 1], [], []>, transpose_lhs_hint = false} : vector<1024x160xf32>, vector<160x160xf32>, vector<1024x160xf32> -> vector<1024x160xf32>
    %get3A_30 = arith.constant 0 : index
    %get3A_31 = arith.constant 0 : index
    %get3A_32 = vector.load %arg7[%get3A_30, %get3A_31] : memref<1x160xf32, #tpu.memory_space<vmem>>, vector<1x160xf32>
    %add3A_33 = vector.broadcast %get3A_32 : vector<1x160xf32> to vector<1024x160xf32>
    %add3A_34 = arith.addf %dot_general3A_29, %add3A_33 : vector<1024x160xf32>
    %max3A_35 = arith.constant 0.000000e+00 : f32
    %max3A_36 = vector.broadcast %max3A_35 : f32 to vector<1024x160xf32>
    %max3A_37 = arith.maximumf %add3A_34, %max3A_36 : vector<1024x160xf32>
    %get3A_38 = arith.constant 0 : index
    %get3A_39 = arith.constant 0 : index
    %get3A_40 = vector.load %arg8[%get3A_38, %get3A_39] : memref<160x160xf32, #tpu.memory_space<vmem>>, vector<160x160xf32>
    %dot_general3A_41 = arith.constant dense<0.000000e+00> : vector<1024x160xf32>
    %dot_general3A_42 = tpu.matmul %max3A_37, %get3A_40, %dot_general3A_41 {dimension_numbers = #tpu.dot_dimension_numbers<[1], [0], [0], [1], [0, 0, 1, 1], [], []>, transpose_lhs_hint = false} : vector<1024x160xf32>, vector<160x160xf32>, vector<1024x160xf32> -> vector<1024x160xf32>
    %get3A_43 = arith.constant 0 : index
    %get3A_44 = arith.constant 0 : index
    %get3A_45 = vector.load %arg9[%get3A_43, %get3A_44] : memref<1x160xf32, #tpu.memory_space<vmem>>, vector<1x160xf32>
    %add3A_46 = vector.broadcast %get3A_45 : vector<1x160xf32> to vector<1024x160xf32>
    %add3A_47 = arith.addf %dot_general3A_42, %add3A_46 : vector<1024x160xf32>
    %max3A_48 = arith.constant 0.000000e+00 : f32
    %max3A_49 = vector.broadcast %max3A_48 : f32 to vector<1024x160xf32>
    %max3A_50 = arith.maximumf %add3A_47, %max3A_49 : vector<1024x160xf32>
    %get3A_51 = arith.constant 0 : index
    %get3A_52 = arith.constant 0 : index
    %get3A_53 = vector.load %arg10[%get3A_51, %get3A_52] : memref<160x128xf32, #tpu.memory_space<vmem>>, vector<160x128xf32>
    %dot_general3A_54 = arith.constant dense<0.000000e+00> : vector<1024x128xf32>
    %dot_general3A_55 = tpu.matmul %max3A_50, %get3A_53, %dot_general3A_54 {dimension_numbers = #tpu.dot_dimension_numbers<[1], [0], [0], [1], [0, 0, 1, 1], [], []>, transpose_lhs_hint = false} : vector<1024x160xf32>, vector<160x128xf32>, vector<1024x128xf32> -> vector<1024x128xf32>
    %get3A_56 = arith.constant 0 : index
    %get3A_57 = arith.constant 0 : index
    %get3A_58 = vector.load %arg11[%get3A_56, %get3A_57] : memref<1x128xf32, #tpu.memory_space<vmem>>, vector<1x128xf32>
    %add3A_59 = vector.broadcast %get3A_58 : vector<1x128xf32> to vector<1024x128xf32>
    %add3A_60 = arith.addf %dot_general3A_55, %add3A_59 : vector<1024x128xf32>
    %reduce_max3A = arith.constant dense<0xFF800000> : vector<1024xf32>
    %reduce_max3A_61 = vector.multi_reduction <maximumf>, %add3A_60, %reduce_max3A [1] : vector<1024x128xf32> to vector<1024xf32>
    %broadcast_in_dim3A_62 = vector.shape_cast %reduce_max3A_61 : vector<1024xf32> to vector<1024x1xf32>
    %sub3A = vector.broadcast %broadcast_in_dim3A_62 : vector<1024x1xf32> to vector<1024x128xf32>
    %sub3A_63 = arith.subf %add3A_60, %sub3A : vector<1024x128xf32>
    %exp3A = math.exp %sub3A_63 : vector<1024x128xf32>
    %reduce_sum3A = arith.constant dense<0.000000e+00> : vector<1024xf32>
    %reduce_sum3A_64 = vector.multi_reduction <add>, %exp3A, %reduce_sum3A [1] : vector<1024x128xf32> to vector<1024xf32>
    %log3A = math.log %reduce_sum3A_64 : vector<1024xf32>
    %squeeze3A = vector.shape_cast %broadcast_in_dim3A_62 : vector<1024x1xf32> to vector<1024xf32>
    %add3A_65 = arith.addf %log3A, %squeeze3A : vector<1024xf32>
    %get3A_66 = arith.constant 0 : index
    %get3A_67 = arith.constant 0 : index
    %get3A_68 = arith.constant 0 : index
    %get3A_69 = vector.load %arg12[%get3A_66, %get3A_67, %get3A_68] : memref<1x1x1024xi32, #tpu.memory_space<vmem>>, vector<1x1x1024xi32>
    %get3A_70 = vector.shape_cast %get3A_69 : vector<1x1x1024xi32> to vector<1024xi32>
    %iota3A = tpu.iota {dimensions = array<i32: 1>} : vector<1024x128xi32>
    %broadcast_in_dim3A_71 = vector.shape_cast %get3A_70 : vector<1024xi32> to vector<1024x1xi32>
    %eq3A = vector.broadcast %broadcast_in_dim3A_71 : vector<1024x1xi32> to vector<1024x128xi32>
    %eq3A_72 = arith.cmpi eq, %iota3A, %eq3A : vector<1024x128xi32>
    %jit3A = arith.constant 0.000000e+00 : f32
    %broadcast_in_dim3A_73 = vector.broadcast %jit3A : f32 to vector<1024x128xf32>
    %select_n3A = arith.select %eq3A_72, %add3A_60, %broadcast_in_dim3A_73 : vector<1024x128xi1>, vector<1024x128xf32>
    %reduce_sum3A_74 = arith.constant dense<0.000000e+00> : vector<1024xf32>
    %reduce_sum3A_75 = vector.multi_reduction <add>, %select_n3A, %reduce_sum3A_74 [1] : vector<1024x128xf32> to vector<1024xf32>
    %sub3A_76 = arith.subf %add3A_65, %reduce_sum3A_75 : vector<1024xf32>
    %reduce_sum3A_77 = vector.shape_cast %sub3A_76 : vector<1024xf32> to vector<1x1024xf32>
    %reduce_sum3A_78 = arith.constant dense<0.000000e+00> : vector<1xf32>
    %reduce_sum3A_79 = vector.multi_reduction <add>, %reduce_sum3A_77, %reduce_sum3A_78 [1] : vector<1x1024xf32> to vector<1xf32>
    %reduce_sum3A_80 = vector.shape_cast %reduce_sum3A_79 : vector<1xf32> to vector<1x1xf32>
    %reduce_sum3A_81 = vector.extract %reduce_sum3A_80[0, 0] : f32 from vector<1x1xf32>
    %eq3A_82 = arith.constant 0 : i32
    %eq3A_83 = arith.cmpi eq, %arg0, %eq3A_82 : i32
    %convert_element_type3A = arith.extui %eq3A_83 : i1 to i32
    %cond3A = arith.constant 0 : i32
    %cond3A_84 = arith.cmpi ne, %convert_element_type3A, %cond3A : i32
    scf.if %cond3A_84 {
      %swap3A_91 = arith.constant 0.000000e+00 : f32
      %swap3A_92 = arith.constant 0 : index
      %swap3A_93 = arith.constant 0 : index
      %swap3A_94 = memref.load %arg13[%swap3A_92, %swap3A_93] : memref<1x1xf32, #tpu.memory_space<smem>>
      memref.store %swap3A_91, %arg13[%swap3A_92, %swap3A_93] : memref<1x1xf32, #tpu.memory_space<smem>>
    } else {
    }
    %get3A_85 = arith.constant 0 : index
    %get3A_86 = arith.constant 0 : index
    %get3A_87 = memref.load %arg13[%get3A_85, %get3A_86] : memref<1x1xf32, #tpu.memory_space<smem>>
    %add3A_88 = arith.addf %get3A_87, %reduce_sum3A_81 : f32
    %swap3A = arith.constant 0 : index
    %swap3A_89 = arith.constant 0 : index
    %swap3A_90 = memref.load %arg13[%swap3A, %swap3A_89] : memref<1x1xf32, #tpu.memory_space<smem>>
    memref.store %add3A_88, %arg13[%swap3A, %swap3A_89] : memref<1x1xf32, #tpu.memory_space<smem>>
    return
  }
  func.func @transform_0(%arg0: i32) -> (i32, i32) {
    %c0_i32 = arith.constant 0 : i32
    %c0_i32_0 = arith.constant 0 : i32
    return %arg0, %c0_i32 : i32, i32
  }
  func.func @transform_1(%arg0: i32) -> (i32, i32) {
    %c0_i32 = arith.constant 0 : i32
    %c0_i32_0 = arith.constant 0 : i32
    %c0_i32_1 = arith.constant 0 : i32
    return %c0_i32, %c0_i32_0 : i32, i32
  }
  func.func @transform_2(%arg0: i32) -> (i32, i32) {
    %c0_i32 = arith.constant 0 : i32
    %c0_i32_0 = arith.constant 0 : i32
    %c0_i32_1 = arith.constant 0 : i32
    return %c0_i32, %c0_i32_0 : i32, i32
  }
  func.func @transform_3(%arg0: i32) -> (i32, i32) {
    %c0_i32 = arith.constant 0 : i32
    %c0_i32_0 = arith.constant 0 : i32
    %c0_i32_1 = arith.constant 0 : i32
    return %c0_i32, %c0_i32_0 : i32, i32
  }
  func.func @transform_4(%arg0: i32) -> (i32, i32) {
    %c0_i32 = arith.constant 0 : i32
    %c0_i32_0 = arith.constant 0 : i32
    %c0_i32_1 = arith.constant 0 : i32
    return %c0_i32, %c0_i32_0 : i32, i32
  }
  func.func @transform_5(%arg0: i32) -> (i32, i32) {
    %c0_i32 = arith.constant 0 : i32
    %c0_i32_0 = arith.constant 0 : i32
    %c0_i32_1 = arith.constant 0 : i32
    return %c0_i32, %c0_i32_0 : i32, i32
  }
  func.func @transform_6(%arg0: i32) -> (i32, i32) {
    %c0_i32 = arith.constant 0 : i32
    %c0_i32_0 = arith.constant 0 : i32
    %c0_i32_1 = arith.constant 0 : i32
    return %c0_i32, %c0_i32_0 : i32, i32
  }
  func.func @transform_7(%arg0: i32) -> (i32, i32) {
    %c0_i32 = arith.constant 0 : i32
    %c0_i32_0 = arith.constant 0 : i32
    %c0_i32_1 = arith.constant 0 : i32
    return %c0_i32, %c0_i32_0 : i32, i32
  }
  func.func @transform_8(%arg0: i32) -> (i32, i32) {
    %c0_i32 = arith.constant 0 : i32
    %c0_i32_0 = arith.constant 0 : i32
    %c0_i32_1 = arith.constant 0 : i32
    return %c0_i32, %c0_i32_0 : i32, i32
  }
  func.func @transform_9(%arg0: i32) -> (i32, i32) {
    %c0_i32 = arith.constant 0 : i32
    %c0_i32_0 = arith.constant 0 : i32
    %c0_i32_1 = arith.constant 0 : i32
    return %c0_i32, %c0_i32_0 : i32, i32
  }
  func.func @transform_10(%arg0: i32) -> (i32, i32) {
    %c0_i32 = arith.constant 0 : i32
    %c0_i32_0 = arith.constant 0 : i32
    %c0_i32_1 = arith.constant 0 : i32
    return %c0_i32, %c0_i32_0 : i32, i32
  }
  func.func @transform_11(%arg0: i32) -> (i32, i32, i32) {
    %c0_i32 = arith.constant 0 : i32
    %c0_i32_0 = arith.constant 0 : i32
    %c0_i32_1 = arith.constant 0 : i32
    return %arg0, %c0_i32, %c0_i32_0 : i32, i32, i32
  }
  func.func @transform_12(%arg0: i32) -> (i32, i32) {
    %c0_i32 = arith.constant 0 : i32
    %c0_i32_0 = arith.constant 0 : i32
    %c0_i32_1 = arith.constant 0 : i32
    return %c0_i32, %c0_i32_0 : i32, i32
  }
}

</mosaic_0001>

<sc_bundles>
// kernel: kernel.17.cloned.1.call-start
scs
__scs_entry_jumppad:
0x0: {  	(pc) =	sbr.rel $0x88, $3  }
0x1: {  	(tag) =	ssettag $0x0;
	lr =	simm.s32 $0x1  }
0x2: {  	[smem:$0x3F68] =	sst lr;
	_ =	strace $0xD0000000  }
0x3: {  	_ = 	snop  }
0x4: {  	_ = 	snop  }
0x5: {  	_ = 	snop  }
0x6: {  	_ = 	snop  }
0x7: {  	_ = 	snop  }
__scs_overlays_trampoline_lowered:
0x8: {  	[smem:$0x3F77] =	sst s0  }
0x9: {  	[smem:$0x3F78] =	sst s1  }
0xa: {  	[smem:$0x3F79] =	sst s2  }
0xb: {  	[smem:$0x3F7A] =	sst s3  }
0xc: {  	[smem:$0x3F7B] =	sst s4  }
0xd: {  	[smem:$0x3F7C] =	sst s5  }
0xe: {  	[smem:$0x3F7D] =	sst s6  }
0xf: {  	[smem:$0x3F7E] =	sst s7  }
0x10: {  	[smem:$0x3F7F] =	sst s8  }
0x11: {  	[smem:$0x3F80] =	sst s9;
	s0 =	simm.s32 @!p0 $0x0  }
0x12: {  	s1 =	sld [smem:$0x3F66];
	s0 =	simm.s32 @p0 $0x1  }
0x13: {  	[smem:$0x3F81] =	sst s0;
	s0 =	simm.s32 @!p1 $0x0  }
0x14: {  	s2 =	sld [smem:$0x3F65];
	s0 =	simm.s32 @p1 $0x1  }
0x15: {  	[smem:$0x3F82] =	sst s0;
	s0 =	simm.s32 @!p2 $0x0  }
0x16: {  	s3 =	sld [smem:$0x3FDB];
	s0 =	simm.s32 @p2 $0x1  }
0x17: {  	s4 =	simm.s32 $0x1BF5;
	[smem:$0x3F84] =	sst s0  }
0x18: {  	s0 =	sld [smem:$0x3F67];
	_ =	swait.ge [sflag:s4], $0x0  }
0x19: {  	s7 =	sld [smem:$0x3F68]  }
0x1a: {  	s8 =	sadd.s32 $0xFFFFE003, lr  }
0x1b: {  	s9 =	sadd.s32 $0xFFFFFEF7, lr;
	s5 =	simm.s32 $0xFFFFFFFF;
	p2 =	slt.u32 s8, $0xFFFFF086  }
0x1c: {  	p1 =	slt.u32 s9, $0xF7A;
	s5 =	simm.s32 @!p2 $0x0  }
0x1d: {  	s5 =	simm.s32 @p1 $0x1;
	p0 =	seq.s32 s7, s2  }
0x1e: {  	s7 =	smul.u32 @!p0 $0xF7A, s2;
	p2 =	seq.s32 @!p0 s5, $0x0  }
0x1f: {  	s9 =	smul.u32 $0xF7A, s1;
	s8 =	simm.s32 @!p0 $0x1BF5;
	p2 =	por !p2, p0  }
0x20: {  	[sflag:s8] =	ssyncset.s32 @!p0 $0xFFFFF086;
	s6 =	sadd.s32 @!p0 s3, s7;
	s7 =	simm.s32 @!p0 $0x108  }
0x21: {  	s3 =	sadd.s32 s3, s9;
	s6 =	sadd.s32 @!p0 $0x88, s6;
	s7 =	simm.s32 @p2 $0x1082  }
0x22: {  	[simem:s7], [sflag:s8] =	dma.local @!p0 [hbm:s6], $0xF7A  }
0x23: {  	s9 =	sor.u32 $0xD0000000, s2;
	s6 =	simm.s32 $0x108;
	_ =	swait.ge @!p0 [sflag:s8], $0x0  }
0x24: {  	s3 =	sadd.s32 $0x88, s3;
	s6 =	simm.s32 @!p1 $0x1082;
	[sflag:s4] =	ssyncset.s32 $0xFFFFF086  }
0x25: {  	[simem:s6], [sflag:s4] =	dma.local [hbm:s3], $0xF7A  }
0x26: {  	[smem:$0x3F68] =	sst s1;
	(tag) =	ssettag s2;
	_ =	strace s9  }
0x27: {  	s1 =	sld [smem:$0x3F78]  }
0x28: {  	s2 =	sld [smem:$0x3F79]  }
0x29: {  	s4 =	sld [smem:$0x3F7B]  }
0x2a: {  	p0 =	seq.s32 s5, $0x0;
	s5 =	sld [smem:$0x3F7C]  }
0x2b: {  	s6 =	sld [smem:$0x3F7D]  }
0x2c: {  	s7 =	sld [smem:$0x3F7E]  }
0x2d: {  	s3 =	simm.s32 $0x108;
	s8 =	sld [smem:$0x3F7F]  }
0x2e: {  	s3 =	simm.s32 @!p0 $0x1082;
	s9 =	sld [smem:$0x3F80]  }
0x2f: {  	lr =	sadd.s32 s0, s3;
	s0 =	sld [smem:$0x3F77]  }
0x30: {  	s3 =	sld [smem:$0x3F7A]  }
0x31: {  	[smem:$0x3F83] =	sst s10  }
0x32: {  	s10 =	sld [smem:$0x3F81];
	_ =	sdelay $0x3  }
0x33: {  	p0 =	seq.s32 s10, $0x1;
	s10 =	sld [smem:$0x3F83];
	_ =	sdelay $0x3  }
0x34: {  	[smem:$0x3F83] =	sst s10  }
0x35: {  	s10 =	sld [smem:$0x3F82];
	_ =	sdelay $0x3  }
0x36: {  	p1 =	seq.s32 s10, $0x1;
	s10 =	sld [smem:$0x3F83];
	_ =	sdelay $0x3  }
0x37: {  	[smem:$0x3F83] =	sst s10  }
0x38: {  	s10 =	sld [smem:$0x3F84]  }
0x39: {  	_ = 	snop;
	(pc) =	sbr.ind lr, $3  }
0x3a: {  	_ = 	snop  }
0x3b: {  	_ = 	snop  }
0x3c: {  	p2 =	seq.s32 s10, $0x1;
	s10 =	sld [smem:$0x3F83]  }
0x3d: {  	_ =	shalt  }
0x3e: {  	_ =	shalt  }
0x3f: {  	_ =	shalt  }
0x40: {  	_ =	shalt  }
0x41: {  	_ =	shalt  }
0x42: {  	_ =	shalt  }
0x43: {  	_ =	shalt  }
0x44: {  	_ =	shalt  }
0x45: {  	_ =	shalt  }
0x46: {  	_ =	shalt  }
0x47: {  	_ =	shalt  }
0x48: {  	_ =	shalt  }
0x49: {  	_ =	shalt  }
0x4a: {  	_ =	shalt  }
0x4b: {  	_ =	shalt  }
0x4c: {  	_ =	shalt  }
0x4d: {  	_ =	shalt  }
0x4e: {  	_ =	shalt  }
0x4f: {  	_ =	shalt  }
0x50: {  	_ =	shalt  }
0x51: {  	_ =	shalt  }
0x52: {  	_ =	shalt  }
0x53: {  	_ =	shalt  }
0x54: {  	_ =	shalt  }
0x55: {  	_ =	shalt  }
0x56: {  	_ =	shalt  }
0x57: {  	_ =	shalt  }
0x58: {  	_ =	shalt  }
0x59: {  	_ =	shalt  }
0x5a: {  	_ =	shalt  }
0x5b: {  	_ =	shalt  }
0x5c: {  	_ =	shalt  }
0x5d: {  	_ =	shalt  }
0x5e: {  	_ =	shalt  }
0x5f: {  	_ =	shalt  }
0x60: {  	_ =	shalt  }
0x61: {  	_ =	shalt  }
0x62: {  	_ =	shalt  }
0x63: {  	_ =	shalt  }
0x64: {  	_ =	shalt  }
0x65: {  	_ =	shalt  }
0x66: {  	_ =	shalt  }
0x67: {  	_ =	shalt  }
0x68: {  	_ =	shalt  }
0x69: {  	_ =	shalt  }
0x6a: {  	_ =	shalt  }
0x6b: {  	_ =	shalt  }
0x6c: {  	_ =	shalt  }
0x6d: {  	_ =	shalt  }
0x6e: {  	_ =	shalt  }
0x6f: {  	_ =	shalt  }
0x70: {  	_ =	shalt  }
0x71: {  	_ =	shalt  }
0x72: {  	_ =	shalt  }
0x73: {  	_ =	shalt  }
0x74: {  	_ =	shalt  }
0x75: {  	_ =	shalt  }
0x76: {  	_ =	shalt  }
0x77: {  	_ =	shalt  }
0x78: {  	_ =	shalt  }
0x79: {  	_ =	shalt  }
0x7a: {  	_ =	shalt  }
0x7b: {  	_ =	shalt  }
0x7c: {  	_ =	shalt  }
0x7d: {  	_ =	shalt  }
0x7e: {  	_ =	shalt  }
0x7f: {  	_ =	shalt  }
0x80: {  	_ =	shalt  }
0x81: {  	_ =	shalt  }
0x82: {  	_ =	shalt  }
0x83: {  	_ =	shalt  }
0x84: {  	_ =	shalt  }
0x85: {  	_ =	shalt  }
0x86: {  	_ =	shalt  }
0x87: {  	_ =	shalt  }
.Lfunc_end0:
.L_simem_size_0:
called_computation_lowered:
.L_overlay_start_0:
0x88: {  	s2 =	sld [smem:$0x3FD9]  }
0x89: {  	s3 =	sld [smem:$0x3FFE];
	_ =	sdelay $0x1  }
0x8a: {  	s1 =	srdreg.scid  }
0x8b: {  	s0 =	sand.u32 $0x1, s1  }
0x8c: {  	s17 =	sshll.u32 s0, $0xA;
	s2 =	sadd.s32 s3, s2  }
0x8d: {  	s2 =	sadd.s32 s2, s17  }
0x8e: {  	[smem:$0x3F8F] =	sst s2  }
0x8f: {  	_ = 	snop  }
0x90: {  	(tm) =	ssettm $0x1  }
0x91: {  	s18 =	sld [smem:$0x3FFB];
	_ =	sdelay $0x3  }
0x92: {  	_ =	strace s18  }
0x93: {  	s2 =	sld [smem:$0x3FFC];
	_ =	sdelay $0x3  }
0x94: {  	_ =	strace s2  }
0x95: {  	s2 =	sld [smem:$0x3FFD];
	_ =	sdelay $0x3  }
0x96: {  	_ =	strace s2  }
0x97: {  	_ =	strace $0x8FFFFFFF  }
0x98: {  	s19 =	sld [smem:$0x3FDB];
	_ =	sdelay $0x1  }
0x99: {  	s20 =	simm.s32 $_scs_section_size  }
0x9a: {  	s4 =	simm.s32 $_size__tile_overlayer_lowered;
	s5 =	simm.s32 $_tile_overlayer_lowered  }
0x9b: {  	s6 =	simm.s32 $0x1BFF;
	s21 =	sshll.u32 s5, $0x1;
	s3 =	sadd.s32 s20, s19  }
0x9c: {  	s22 =	simm.s32 $0x0;
	s4 =	sshll.u32 s4, $0x1;
	s5 =	sadd.s32 s21, s3  }
0x9d: {  	[timem:s22], [sflag:s6] =	dma.local [hbm:s5], s4  }
0x9e: {  	_ =	swait.ge [sflag:s6], s4  }
0x9f: {  	s4 =	ssub.s32 $0x0, s4;
	[sflag:s6] =	ssyncset.done $0x0  }
0xa0: {  	[sflag:s6] =	ssyncadd.s32 s4;
	_ =	sdelay $0x1  }
0xa1: {  	s23 =	simm.s32 $0x1B8B  }
0xa2: {  	_ =	swait.ge [sflag:s23], $0x1  }
0xa3: {  	[sflag:s23] =	ssyncset.done $0x0  }
0xa4: {  	[sflag:s23] =	ssyncadd.s32 $0xFFFFFFFF  }
0xa5: {  	s4 =	sld [smem:$0x0]  }
0xa6: {  	s5 =	sand.u32 $0xFFFFFFFE, s1  }
0xa7: {  	p0 =	sne.s32 s1, s5  }
0xa8: {  	s5 =	sshll.u32 @p0 s5, $0xE  }
0xa9: {  	s5 =	sadd.s32 @p0 $0x11B8D, s5;
	s6 =	sshll.u32 @p0 s4, $0x11  }
0xaa: {  	s5 =	sor.u32 @p0 s6, s5  }
0xab: {  	[sflag:s5] =	ssyncadd.remote.s32 @p0 $0x1;
	_ =	sdelay $0x1  }
0xac: {  	s5 =	simm.s32 @p0 $0x1B8D  }
0xad: {  	_ =	swait.eq @p0 [sflag:s5], $0x1  }
0xae: {  	[sflag:s5] =	ssyncadd.s32 @p0 $0xFFFFFFFF  }
0xaf: {  	s6 =	sshll.u32 @!p0 s1, $0xE  }
0xb0: {  	s6 =	sor.u32 @!p0 $0x4000, s6;
	s5 =	simm.s32 @!p0 $0x1B8D  }
0xb1: {  	s4 =	sshll.u32 @!p0 s4, $0x11;
	s6 =	sadd.s32 @!p0 $0x11B8D, s6;
	_ =	swait.eq @!p0 [sflag:s5], $0x1  }
0xb2: {  	s4 =	sor.u32 @!p0 s4, s6;
	[sflag:s5] =	ssyncadd.s32 @!p0 $0xFFFFFFFF  }
0xb3: {  	s25 =	simm.s32 $0x1B8E;
	s24 =	sld [smem:$0x3FFE];
	[sflag:s4] =	ssyncadd.remote.s32 @!p0 $0x1  }
0xb4: {  	s26 =	simm.s32 $execute0_lowered;
	[smem:$0x3FD2] =	sst s25  }
0xb5: {  	s5 =	sshll.u32 s26, $0x1;
	_ =	strace $0x8000004F;
	[dreg:$0x1] =	wrdreg $0xFFFFFFFF  }
0xb6: {  	s28 =	simm.s32 $_size_execute0_lowered;
	s3 =	sadd.s32 s3, s5;
	[dreg:$0x0] =	wrdreg $0x0  }
0xb7: {  	s5 =	sshll.u32 s28, $0x1;
	[dreg:$0x2] =	wrdreg s3  }
0xb8: {  	[dreg:$0x3] =	wrdreg s5  }
0xb9: {  	[dreg:$0x4] =	wrdreg $0xC0  }
0xba: {  	_ =	task [dreg:s22], $0x5FFFF  }
0xbb: {  	[dreg:$0x1] =	wrdreg $0xFFFFFFFF  }
0xbc: {  	[dreg:$0x0] =	wrdreg $0x60  }
0xbd: {  	[dreg:$0x2] =	wrdreg s24  }
0xbe: {  	[dreg:$0x3] =	wrdreg $0x9  }
0xbf: {  	_ =	task.clear_ibuf [dreg:s22], $0x4FFFF;
	_ =	strace $0x9000004F  }
0xc0: {  	s29 =	simm.s32 $0x9;
	_ =	strace $0x80000051  }
0xc1: {  	_ =	swait.ge [sflag:s29], $0x1  }
0xc2: {  	[sflag:s29] =	ssyncadd.s32 $0xFFFFFFFF  }
0xc3: {  	_ =	strace $0x90000051  }
0xc4: {  	_ =	sfence  }
0xc5: {  	s30 =	sld [smem:$0x0];
	_ =	sdelay $0x2  }
0xc6: {  	s31 =	sshll.u32 s1, $0xD;
	s1 =	sshrl.u32 s1, $0x2  }
0xc7: {  	s4 =	sand.u32 $0x4000, s31;
	s1 =	sadd.s32 s1, s30  }
0xc8: {  	s0 =	sor.u32 s4, s0;
	s1 =	sshll.u32 s1, $0x11  }
0xc9: {  	s0 =	sor.u32 s1, s0  }
0xca: {  	s0 =	sadd.s32 $0x8F2B, s0  }
0xcb: {  	[sflag:s0] =	ssyncadd.remote.s32 $0x1  }
0xcc: {  	_ =	sfence.sel $0xFFFF  }
0xcd: {  	[dreg:$0x0] =	wrdreg $0xFFFFFFFF;
	(pc) =	sbr.abs _section_cstart, $3  }
0xce: {  	[dreg:$0x1] =	wrdreg $0xFFFFFFFF  }
0xcf: {  	_ =	task.clear_ibuf [dreg:s22], $0x2FFFF;
	_ =	strace $0x9FFFFFFF  }
0xd0: {  	(tm) =	ssettm $0x7FFFFFFF  }
0xd1: {  	_ =	shalt  }
tec
execute0_lowered:
.L_overlay_start_1:
0x0: {  	(tag) =	ssettag $0x1  }
0x1: {  	s1 =	srdreg.scid;
	s0 =	stileid.u32  }
0x2: {  	s10 =	sand.u32 $0x1, s1;
	s29 =	sshll.u32 s0, $0x1  }
0x3: {  	s11 =	sor.u32 s10, s29  }
0x4: {  	s12 =	rddreg [dreg:$0x0];
	s3 =	smul.u32 $0x18, s11  }
0x5: {  	s2 =	simm.s32 $0x0;
	s1 =	rddreg [dreg:$0x1]  }
0x6: {  	[smem:$0x7FF] =	sst s2;
	s3 =	sadd.s32 s3, s12  }
0x7: {  	_ =	strace $0x80000050;
	s4 =	sadd.s32 $0x75000, s3;
	s3 =	simm.s32 $0x2  }
0x8: {  	[tilespmem:s2], [sflag:$0x2] =	stream.linear.gather [hbm4b:s4+s2], $0xC0, $0x38;
	[tilespmem:$0x30C0] =	vst v63  }
0x9: {  	_ =	swait.ge [sflag:s3], $0xC0  }
0xa: {  	s6 =	simm.s32 $0x60;
	[sflag:s3] =	ssyncset.done $0x0  }
0xb: {  	s7 =	simm.s32 $0xC0;
	s5 =	sadd.s32 $0x74000, s12;
	[sflag:s3] =	ssyncadd.s32 $0xFFFFFF40  }
0xc: {  	[tilespmem:s7], [sflag:$0x1] =	stream.indirect.gather [hbm4b:s5+s6], $0x40, s2, s6, $0xb8;
	[tilespmem:$0x30C0] =	vst v63  }
0xd: {  	s8 =	simm.s32 $0x18C0;
	s9 =	simm.s32 $0x1;
	s10 =	ssub.s32 $0x2, s10  }
0xe: {  	[tilespmem:s8], [sflag:$0x1] =	stream.indirect.gather [hbm4b:s5+s6], $0x40, s6, s6, $0xb8;
	[tilespmem:$0x30C0] =	vst v63  }
0xf: {  	s13 =	sshrl.u32 s10, $0x1;
	_ =	swait.ge [sflag:s9], $0x1800  }
0x10: {  	s30 =	ssub.s32 s10, s13;
	[sflag:s9] =	ssyncset.done $0x0  }
0x11: {  	s11 =	smul.u32 $0x600, s11;
	s31 =	smax.u32 s30, $0x1;
	[sflag:s9] =	ssyncadd.s32 $0xFFFFE800  }
0x12: {  	p0 =	sne.s32 s31, $0x1;
	_ =	swait.ge [sflag:s9], $0x1800  }
.Ltmp0:
0x13: {  	s11 =	sadd.s32 s11, s12;
	[sflag:s9] =	ssyncset.done $0x0;
	(pc) =	sbr.rel @!p0 .LBB2_2-.Ltmp0, $4  }
0x14: {  	s10 =	sadd.s32 $0x75400, s11;
	[sflag:s9] =	ssyncadd.s32 $0xFFFFE800  }
0x15: {  	[hbm4b:s10+s2] =	stream.linear.scatter [tilespmem:s7], [sflag:$0x2], $0x3000, $0x38;
	[tilespmem:$0x30C0] =	vst v63  }
0x16: {  	_ =	swait.ge [sflag:s3], $0x3000  }
0x17: {  	s11 =	sadd.s32 $0xFFFFFFFF, s31;
	[sflag:s3] =	ssyncset.done $0x0  }
.LBB2_1:
0x18: {  	p0 =	sne.s32 s11, $0x1;
	s11 =	sadd.s32 $0xFFFFFFFF, s11;
	[sflag:s3] =	ssyncadd.s32 $0xFFFFD000  }
0x19: {  	[tilespmem:s2], [sflag:$0x2] =	stream.linear.gather [hbm4b:s4+s2], $0xC0, $0x38;
	[tilespmem:$0x30C0] =	vst v63  }
0x1a: {  	_ =	swait.ge [sflag:s3], $0xC0  }
0x1b: {  	[sflag:s3] =	ssyncset.done $0x0  }
0x1c: {  	[sflag:s3] =	ssyncadd.s32 $0xFFFFFF40  }
0x1d: {  	[tilespmem:s7], [sflag:$0x1] =	stream.indirect.gather [hbm4b:s5+s6], $0x40, s2, s6, $0xb8;
	[tilespmem:$0x30C0] =	vst v63  }
0x1e: {  	_ = 	snop  }
0x1f: {  	[tilespmem:s8], [sflag:$0x1] =	stream.indirect.gather [hbm4b:s5+s6], $0x40, s6, s6, $0xb8;
	[tilespmem:$0x30C0] =	vst v63  }
0x20: {  	_ =	swait.ge [sflag:s9], $0x1800  }
0x21: {  	[sflag:s9] =	ssyncset.done $0x0  }
0x22: {  	[sflag:s9] =	ssyncadd.s32 $0xFFFFE800  }
0x23: {  	_ =	swait.ge [sflag:s9], $0x1800  }
.Ltmp1:
0x24: {  	[sflag:s9] =	ssyncset.done $0x0;
	(pc) =	sbr.rel @p0 .LBB2_1-.Ltmp1, $4  }
0x25: {  	[sflag:s9] =	ssyncadd.s32 $0xFFFFE800  }
0x26: {  	[hbm4b:s10+s2] =	stream.linear.scatter [tilespmem:s7], [sflag:$0x2], $0x3000, $0x38;
	[tilespmem:$0x30C0] =	vst v63  }
0x27: {  	_ =	swait.ge [sflag:s3], $0x3000  }
0x28: {  	[sflag:s3] =	ssyncset.done $0x0  }
.LBB2_2:
0x29: {  	[sflag:s3] =	ssyncadd.s32 $0xFFFFD000  }
0x2a: {  	_ =	sfence.sel $0x180000  }
0x2b: {  	[bflag:$0x0] =	sbarrier.arrive $0xFFFF  }
0x2c: {  	p0 =	sne.s32 s0, $0x0;
	_ =	strace $0x90000050  }
0x2d: {  	s0 =	sadd.s32 @!p0 $0x100000, s1;
	[bflag:$0x2] =	sbarrier.arrive $0xFFFF  }
0x2e: {  	[sflag:s0] =	ssyncadd.tile.s32 @!p0 $0x1;
	_ =	shalt  }
.Lfunc_end2:
_tile_overlayer_lowered:
.L_overlay_start_2:
0x2f: {  	(tag) =	ssettag $0x2  }
0x30: {  	s0 =	rddreg [dreg:$0x0];
	s2 =	stileid.u32  }
0x31: {  	s1 =	rddreg [dreg:$0x1];
	p0 =	sne.s32 s2, $0x0  }
0x32: {  	s3 =	rddreg [dreg:$0x2];
	[bflag:$0x3] =	sbarrier.arrive $0xFFFF;
	s2 =	simm.s32 @!p0 $0x1C02  }
0x33: {  	[timem:s3], [sflag:s2] =	dma.local @!p0 [hbm:s0], s1  }
0x34: {  	s0 =	simm.s32 @!p0 $0x2  }
0x35: {  	_ =	swait.ge @!p0 [sflag:s0], s1  }
0x36: {  	s1 =	ssub.s32 @!p0 $0x0, s1;
	[sflag:s0] =	ssyncset.done @!p0 $0x0  }
0x37: {  	[sflag:s0] =	ssyncadd.s32 @!p0 s1  }
0x38: {  	[bflag:$0x3] =	sbarrier.arrive $0xFFFF  }
0x39: {  	_ =	shalt  }

// kernel: kernel.20.cloned.1.call-start
scs
__scs_entry_jumppad:
0x0: {  	(pc) =	sbr.rel $0x88, $3  }
0x1: {  	(tag) =	ssettag $0x0;
	lr =	simm.s32 $0x1  }
0x2: {  	[smem:$0x3F68] =	sst lr;
	_ =	strace $0xD0000000  }
0x3: {  	_ = 	snop  }
0x4: {  	_ = 	snop  }
0x5: {  	_ = 	snop  }
0x6: {  	_ = 	snop  }
0x7: {  	_ = 	snop  }
__scs_overlays_trampoline_lowered:
0x8: {  	[smem:$0x3F77] =	sst s0  }
0x9: {  	[smem:$0x3F78] =	sst s1  }
0xa: {  	[smem:$0x3F79] =	sst s2  }
0xb: {  	[smem:$0x3F7A] =	sst s3  }
0xc: {  	[smem:$0x3F7B] =	sst s4  }
0xd: {  	[smem:$0x3F7C] =	sst s5  }
0xe: {  	[smem:$0x3F7D] =	sst s6  }
0xf: {  	[smem:$0x3F7E] =	sst s7  }
0x10: {  	[smem:$0x3F7F] =	sst s8  }
0x11: {  	[smem:$0x3F80] =	sst s9;
	s0 =	simm.s32 @!p0 $0x0  }
0x12: {  	s1 =	sld [smem:$0x3F66];
	s0 =	simm.s32 @p0 $0x1  }
0x13: {  	[smem:$0x3F81] =	sst s0;
	s0 =	simm.s32 @!p1 $0x0  }
0x14: {  	s2 =	sld [smem:$0x3F65];
	s0 =	simm.s32 @p1 $0x1  }
0x15: {  	[smem:$0x3F82] =	sst s0;
	s0 =	simm.s32 @!p2 $0x0  }
0x16: {  	s3 =	sld [smem:$0x3FDB];
	s0 =	simm.s32 @p2 $0x1  }
0x17: {  	s4 =	simm.s32 $0x1BF5;
	[smem:$0x3F84] =	sst s0  }
0x18: {  	s0 =	sld [smem:$0x3F67];
	_ =	swait.ge [sflag:s4], $0x0  }
0x19: {  	s7 =	sld [smem:$0x3F68]  }
0x1a: {  	s8 =	sadd.s32 $0xFFFFE003, lr  }
0x1b: {  	s9 =	sadd.s32 $0xFFFFFEF7, lr;
	s5 =	simm.s32 $0xFFFFFFFF;
	p2 =	slt.u32 s8, $0xFFFFF086  }
0x1c: {  	p1 =	slt.u32 s9, $0xF7A;
	s5 =	simm.s32 @!p2 $0x0  }
0x1d: {  	s5 =	simm.s32 @p1 $0x1;
	p0 =	seq.s32 s7, s2  }
0x1e: {  	s7 =	smul.u32 @!p0 $0xF7A, s2;
	p2 =	seq.s32 @!p0 s5, $0x0  }
0x1f: {  	s9 =	smul.u32 $0xF7A, s1;
	s8 =	simm.s32 @!p0 $0x1BF5;
	p2 =	por !p2, p0  }
0x20: {  	[sflag:s8] =	ssyncset.s32 @!p0 $0xFFFFF086;
	s6 =	sadd.s32 @!p0 s3, s7;
	s7 =	simm.s32 @!p0 $0x108  }
0x21: {  	s3 =	sadd.s32 s3, s9;
	s6 =	sadd.s32 @!p0 $0x88, s6;
	s7 =	simm.s32 @p2 $0x1082  }
0x22: {  	[simem:s7], [sflag:s8] =	dma.local @!p0 [hbm:s6], $0xF7A  }
0x23: {  	s9 =	sor.u32 $0xD0000000, s2;
	s6 =	simm.s32 $0x108;
	_ =	swait.ge @!p0 [sflag:s8], $0x0  }
0x24: {  	s3 =	sadd.s32 $0x88, s3;
	s6 =	simm.s32 @!p1 $0x1082;
	[sflag:s4] =	ssyncset.s32 $0xFFFFF086  }
0x25: {  	[simem:s6], [sflag:s4] =	dma.local [hbm:s3], $0xF7A  }
0x26: {  	[smem:$0x3F68] =	sst s1;
	(tag) =	ssettag s2;
	_ =	strace s9  }
0x27: {  	s1 =	sld [smem:$0x3F78]  }
0x28: {  	s2 =	sld [smem:$0x3F79]  }
0x29: {  	s4 =	sld [smem:$0x3F7B]  }
0x2a: {  	p0 =	seq.s32 s5, $0x0;
	s5 =	sld [smem:$0x3F7C]  }
0x2b: {  	s6 =	sld [smem:$0x3F7D]  }
0x2c: {  	s7 =	sld [smem:$0x3F7E]  }
0x2d: {  	s3 =	simm.s32 $0x108;
	s8 =	sld [smem:$0x3F7F]  }
0x2e: {  	s3 =	simm.s32 @!p0 $0x1082;
	s9 =	sld [smem:$0x3F80]  }
0x2f: {  	lr =	sadd.s32 s0, s3;
	s0 =	sld [smem:$0x3F77]  }
0x30: {  	s3 =	sld [smem:$0x3F7A]  }
0x31: {  	[smem:$0x3F83] =	sst s10  }
0x32: {  	s10 =	sld [smem:$0x3F81];
	_ =	sdelay $0x3  }
0x33: {  	p0 =	seq.s32 s10, $0x1;
	s10 =	sld [smem:$0x3F83];
	_ =	sdelay $0x3  }
0x34: {  	[smem:$0x3F83] =	sst s10  }
0x35: {  	s10 =	sld [smem:$0x3F82];
	_ =	sdelay $0x3  }
0x36: {  	p1 =	seq.s32 s10, $0x1;
	s10 =	sld [smem:$0x3F83];
	_ =	sdelay $0x3  }
0x37: {  	[smem:$0x3F83] =	sst s10  }
0x38: {  	s10 =	sld [smem:$0x3F84]  }
0x39: {  	_ = 	snop;
	(pc) =	sbr.ind lr, $3  }
0x3a: {  	_ = 	snop  }
0x3b: {  	_ = 	snop  }
0x3c: {  	p2 =	seq.s32 s10, $0x1;
	s10 =	sld [smem:$0x3F83]  }
0x3d: {  	_ =	shalt  }
0x3e: {  	_ =	shalt  }
0x3f: {  	_ =	shalt  }
0x40: {  	_ =	shalt  }
0x41: {  	_ =	shalt  }
0x42: {  	_ =	shalt  }
0x43: {  	_ =	shalt  }
0x44: {  	_ =	shalt  }
0x45: {  	_ =	shalt  }
0x46: {  	_ =	shalt  }
0x47: {  	_ =	shalt  }
0x48: {  	_ =	shalt  }
0x49: {  	_ =	shalt  }
0x4a: {  	_ =	shalt  }
0x4b: {  	_ =	shalt  }
0x4c: {  	_ =	shalt  }
0x4d: {  	_ =	shalt  }
0x4e: {  	_ =	shalt  }
0x4f: {  	_ =	shalt  }
0x50: {  	_ =	shalt  }
0x51: {  	_ =	shalt  }
0x52: {  	_ =	shalt  }
0x53: {  	_ =	shalt  }
0x54: {  	_ =	shalt  }
0x55: {  	_ =	shalt  }
0x56: {  	_ =	shalt  }
0x57: {  	_ =	shalt  }
0x58: {  	_ =	shalt  }
0x59: {  	_ =	shalt  }
0x5a: {  	_ =	shalt  }
0x5b: {  	_ =	shalt  }
0x5c: {  	_ =	shalt  }
0x5d: {  	_ =	shalt  }
0x5e: {  	_ =	shalt  }
0x5f: {  	_ =	shalt  }
0x60: {  	_ =	shalt  }
0x61: {  	_ =	shalt  }
0x62: {  	_ =	shalt  }
0x63: {  	_ =	shalt  }
0x64: {  	_ =	shalt  }
0x65: {  	_ =	shalt  }
0x66: {  	_ =	shalt  }
0x67: {  	_ =	shalt  }
0x68: {  	_ =	shalt  }
0x69: {  	_ =	shalt  }
0x6a: {  	_ =	shalt  }
0x6b: {  	_ =	shalt  }
0x6c: {  	_ =	shalt  }
0x6d: {  	_ =	shalt  }
0x6e: {  	_ =	shalt  }
0x6f: {  	_ =	shalt  }
0x70: {  	_ =	shalt  }
0x71: {  	_ =	shalt  }
0x72: {  	_ =	shalt  }
0x73: {  	_ =	shalt  }
0x74: {  	_ =	shalt  }
0x75: {  	_ =	shalt  }
0x76: {  	_ =	shalt  }
0x77: {  	_ =	shalt  }
0x78: {  	_ =	shalt  }
0x79: {  	_ =	shalt  }
0x7a: {  	_ =	shalt  }
0x7b: {  	_ =	shalt  }
0x7c: {  	_ =	shalt  }
0x7d: {  	_ =	shalt  }
0x7e: {  	_ =	shalt  }
0x7f: {  	_ =	shalt  }
0x80: {  	_ =	shalt  }
0x81: {  	_ =	shalt  }
0x82: {  	_ =	shalt  }
0x83: {  	_ =	shalt  }
0x84: {  	_ =	shalt  }
0x85: {  	_ =	shalt  }
0x86: {  	_ =	shalt  }
0x87: {  	_ =	shalt  }
.Lfunc_end0:
.L_simem_size_0:
called_computation.1_lowered:
.L_overlay_start_0:
0x88: {  	s2 =	sld [smem:$0x3FD9]  }
0x89: {  	s3 =	sld [smem:$0x3FFE];
	_ =	sdelay $0x1  }
0x8a: {  	s1 =	srdreg.scid  }
0x8b: {  	s0 =	sand.u32 $0x1, s1  }
0x8c: {  	s16 =	sshll.u32 s0, $0xA;
	s2 =	sadd.s32 s3, s2  }
0x8d: {  	s2 =	sadd.s32 s2, s16  }
0x8e: {  	[smem:$0x3F8F] =	sst s2  }
0x8f: {  	_ = 	snop  }
0x90: {  	(tm) =	ssettm $0x1  }
0x91: {  	s17 =	sld [smem:$0x3FFB];
	_ =	sdelay $0x3  }
0x92: {  	_ =	strace s17  }
0x93: {  	s2 =	sld [smem:$0x3FFC];
	_ =	sdelay $0x3  }
0x94: {  	_ =	strace s2  }
0x95: {  	s2 =	sld [smem:$0x3FFD];
	_ =	sdelay $0x3  }
0x96: {  	_ =	strace s2  }
0x97: {  	_ =	strace $0x8FFFFFFF  }
0x98: {  	s18 =	sld [smem:$0x3FDB];
	_ =	sdelay $0x1  }
0x99: {  	s19 =	simm.s32 $_scs_section_size  }
0x9a: {  	s4 =	simm.s32 $_size__tile_overlayer_lowered;
	s5 =	simm.s32 $_tile_overlayer_lowered  }
0x9b: {  	s22 =	simm.s32 $0x1BFF;
	s21 =	sshll.u32 s5, $0x1;
	s2 =	sadd.s32 s19, s18  }
0x9c: {  	s6 =	simm.s32 $0x0;
	s20 =	sshll.u32 s4, $0x1;
	s4 =	sadd.s32 s21, s2  }
0x9d: {  	[timem:s6], [sflag:s22] =	dma.local [hbm:s4], s20  }
0x9e: {  	_ =	swait.ge [sflag:s22], s20  }
0x9f: {  	s3 =	ssub.s32 $0x0, s20;
	[sflag:s22] =	ssyncset.done $0x0  }
0xa0: {  	[sflag:s22] =	ssyncadd.s32 s3;
	_ =	sdelay $0x1  }
0xa1: {  	s23 =	simm.s32 $0x1B8B  }
0xa2: {  	_ =	swait.ge [sflag:s23], $0x1  }
0xa3: {  	[sflag:s23] =	ssyncset.done $0x0  }
0xa4: {  	s25 =	simm.s32 $0x1B8E;
	s24 =	sld [smem:$0x3FFE];
	[sflag:s23] =	ssyncadd.s32 $0xFFFFFFFF  }
0xa5: {  	s26 =	simm.s32 $execute0_lowered;
	[smem:$0x3FD2] =	sst s25  }
0xa6: {  	s4 =	sshll.u32 s26, $0x1;
	_ =	strace $0x80000046;
	[dreg:$0x1] =	wrdreg $0xFFFFFFFF  }
0xa7: {  	s28 =	simm.s32 $_size_execute0_lowered;
	s2 =	sadd.s32 s2, s4;
	[dreg:$0x0] =	wrdreg $0x0  }
0xa8: {  	s4 =	sshll.u32 s28, $0x1;
	[dreg:$0x2] =	wrdreg s2  }
0xa9: {  	[dreg:$0x3] =	wrdreg s4  }
0xaa: {  	[dreg:$0x4] =	wrdreg $0xC0  }
0xab: {  	_ =	task [dreg:s6], $0x5FFFF  }
0xac: {  	[dreg:$0x1] =	wrdreg $0xFFFFFFFF  }
0xad: {  	[dreg:$0x0] =	wrdreg $0x60  }
0xae: {  	[dreg:$0x2] =	wrdreg s24  }
0xaf: {  	[dreg:$0x3] =	wrdreg $0xA0000  }
0xb0: {  	[dreg:$0x4] =	wrdreg $0x9  }
0xb1: {  	_ =	task.clear_ibuf [dreg:s6], $0x5FFFF;
	_ =	strace $0x90000046  }
0xb2: {  	s29 =	simm.s32 $0x9;
	_ =	strace $0x80000048  }
0xb3: {  	_ =	swait.ge [sflag:s29], $0x1  }
0xb4: {  	[sflag:s29] =	ssyncadd.s32 $0xFFFFFFFF  }
0xb5: {  	_ =	strace $0x90000048  }
0xb6: {  	_ =	sfence  }
0xb7: {  	s30 =	sld [smem:$0x0];
	_ =	sdelay $0x2  }
0xb8: {  	s31 =	sshll.u32 s1, $0xD;
	s1 =	sshrl.u32 s1, $0x2  }
0xb9: {  	s3 =	sand.u32 $0x4000, s31;
	s1 =	sadd.s32 s1, s30  }
0xba: {  	s0 =	sor.u32 s3, s0;
	s1 =	sshll.u32 s1, $0x11  }
0xbb: {  	s0 =	sor.u32 s1, s0  }
0xbc: {  	s0 =	sadd.s32 $0x8F2B, s0  }
0xbd: {  	[sflag:s0] =	ssyncadd.remote.s32 $0x1  }
0xbe: {  	_ =	sfence.sel $0xFFFF  }
0xbf: {  	[dreg:$0x0] =	wrdreg $0xFFFFFFFF;
	(pc) =	sbr.abs _section_cstart, $3  }
0xc0: {  	[dreg:$0x1] =	wrdreg $0xFFFFFFFF  }
0xc1: {  	_ =	task.clear_ibuf [dreg:s6], $0x2FFFF;
	_ =	strace $0x9FFFFFFF  }
0xc2: {  	(tm) =	ssettm $0x7FFFFFFF  }
0xc3: {  	_ =	shalt  }
tec
execute0_lowered:
.L_overlay_start_1:
0x0: {  	(tag) =	ssettag $0x1  }
0x1: {  	s6 =	rddreg [dreg:$0x0]  }
0x2: {  	s1 =	rddreg [dreg:$0x1];
	s2 =	srdreg.scid  }
0x3: {  	s0 =	rddreg [dreg:$0x2];
	s3 =	simm.s32 $0x0;
	s15 =	simm.s32 $0x2000  }
0x4: {  	s16 =	simm.s32 $0x80;
	s17 =	simm.s32 $0x6000;
	s18 =	simm.s32 $0x1  }
0x5: {  	s19 =	simm.s32 $0x2;
	s20 =	simm.s32 $0x0;
	s7 =	sand.u32 $0x1, s2  }
0x6: {  	s2 =	stileid.u32;
	[smem:$0x7FF] =	sst s3;
	s4 =	sshll.u32 s7, $0x4  }
0x7: {  	_ =	strace $0x80000047;
	s10 =	sshll.u32 s2, $0xD;
	s11 =	ssub.s32 $0x2, s7  }
0x8: {  	s12 =	sshll.u32 s7, $0x11;
	s31 =	sshll.u32 s2, $0x10;
	s13 =	sshll.u32 s2, $0x6  }
0x9: {  	s5 =	sor.u32 s2, s4;
	s4 =	sadd.s32 $0x12000, s6;
	s10 =	sadd.s32 s10, s6  }
0xa: {  	s30 =	sshrl.u32 s11, $0x1;
	s14 =	sadd.s32 s31, s1;
	s13 =	sor.u32 $0x1C03, s13  }
0xb: {  	s8 =	sshll.u32 s5, $0x9;
	s5 =	sshll.u32 s5, $0x10;
	s11 =	ssub.s32 s11, s30  }
0xc: {  	s10 =	sadd.s32 s12, s10;
	s12 =	simm.s32 $0x1000;
	s14 =	sshrl.u32 s14, $0x3  }
0xd: {  	s8 =	sadd.s32 s8, s6;
	s9 =	sadd.s32 s5, s6;
	s5 =	sadd.s32 $0x32000, s6  }
0xe: {  	s6 =	sadd.s32 $0xE000, s8;
	s7 =	sadd.s32 $0xA000, s8;
	s8 =	sadd.s32 $0x212000, s9  }
0xf: {  	s9 =	sadd.s32 $0x34000, s10;
	s10 =	smax.u32 s11, $0x1;
	s11 =	simm.s32 $0x3  }
.LBB2_1:
0x10: {  	[tilespmem:s3], [sflag:$0x3] =	stream.linear.gather [hbm4b:s6+s3], $0x1000, $0x38;
	[tilespmem:$0x1A000] =	vst v63  }
0x11: {  	_ =	swait.ge [sflag:s11], $0x1000  }
0x12: {  	[sflag:s11] =	ssyncset.done $0x0  }
0x13: {  	[sflag:s11] =	ssyncadd.s32 $0xFFFFF000  }
0x14: {  	[tilespmem:s12], [sflag:$0x3] =	stream.linear.gather [hbm4b:s7+s3], $0x1000, $0x38;
	[tilespmem:$0x1A000] =	vst v63  }
0x15: {  	_ =	swait.ge [sflag:s11], $0x1000  }
0x16: {  	[sflag:s11] =	ssyncset.done $0x0  }
0x17: {  	[sflag:s11] =	ssyncadd.s32 $0xFFFFF000  }
0x18: {  	[spmem:s14], [sflag:s13] =	dma.local [hbm:s5], $0x2000  }
0x19: {  	_ =	swait.ge [sflag:s11], $0x2000  }
0x1a: {  	[sflag:s11] =	ssyncset.done $0x0  }
0x1b: {  	[sflag:s11] =	ssyncadd.s32 $0xFFFFE000  }
0x1c: {  	s21 =	simm.s32 $0x0;
	[bflag:$0x0] =	sbarrier.arrive $0xFFFF  }
.LBB2_2:
0x1d: {  	s22 =	sshll.u32 s21, $0xB  }
0x1e: {  	s23 =	simm.s32 $0x0;
	s22 =	sadd.s32 s22, s8  }
0x1f: {  	[tilespmem:s15], [sflag:$0x1] =	stream.linear.gather [hbm4b:s22+s23], $0x4000, $0x38;
	[tilespmem:$0x1A000] =	vst v63  }
0x20: {  	s22 =	sshll.u32 s21, $0x7  }
0x21: {  	[tilespmem:s17], [sflag:$0x2] =	stream.indirect.gather [hbm4b:s4+s16], $0x80, s22, s16, $0xb8;
	[tilespmem:$0x1A000] =	vst v63  }
0x22: {  	_ =	swait.ge [sflag:s18], $0x4000  }
0x23: {  	[sflag:s18] =	ssyncset.done $0x0  }
0x24: {  	[sflag:s18] =	ssyncadd.s32 $0xFFFFC000  }
0x25: {  	_ =	swait.ge [sflag:s19], $0x4000  }
0x26: {  	[sflag:s19] =	ssyncset.done $0x0  }
0x27: {  	s23 =	simm.s32 $0x0;
	[sflag:s19] =	ssyncadd.s32 $0xFFFFC000  }
0x28: {  	v6 =	vld [tilespmem:s23+$0x2000]  }
0x29: {  	v11 =	vld [tilespmem:s23+$0x2010]  }
0x2a: {  	v5 =	vld [tilespmem:s23+$0x2020]  }
0x2b: {  	v4 =	vld [tilespmem:s23+$0x2030]  }
0x2c: {  	v3 =	vld [tilespmem:s23+$0x2040]  }
0x2d: {  	v2 =	vld [tilespmem:s23+$0x2050]  }
0x2e: {  	v1 =	vld [tilespmem:s23+$0x2060]  }
0x2f: {  	v0 =	vld [tilespmem:s23+$0x2070]  }
0x30: {  	v12 =	vld [tilespmem:s23+$0x6000]  }
0x31: {  	v13 =	vld [tilespmem:s23+$0x6010]  }
0x32: {  	v10 =	vld [tilespmem:s23+$0x6020]  }
0x33: {  	v9 =	vld [tilespmem:s23+$0x6030]  }
0x34: {  	v8 =	vld [tilespmem:s23+$0x6040]  }
0x35: {  	v7 =	vld [tilespmem:s23+$0x6050];
	v12 =	vadd.f32 v6, v12  }
0x36: {  	s24 =	simm.s32 $0x200;
	v11 =	vadd.f32 v11, v13;
	v6 =	vld [tilespmem:s23+$0x6060]  }
.LBB2_3:
0x37: {  	s25 =	sshra.s32 s24, $0x2;
	p0 =	sne.s32 s24, $0xFE00;
	v12 =	vmax.f32 v12, $0.0e+00;
	v5 =	vadd.f32 v5, v10;
	v10 =	vld [tilespmem:s23+$0x6070]  }
0x38: {  	v13 =	vld [tilespmem:s25+$0x2000];
	[tilespmem:s23+$0x6000] =	vst v12;
	v11 =	vmax.f32 v11, $0.0e+00;
	v4 =	vadd.f32 v4, v9  }
0x39: {  	v14 =	vld [tilespmem:s25+$0x2010];
	[tilespmem:s23+$0x6010] =	vst v11;
	v9 =	vmax.f32 v5, $0.0e+00;
	v3 =	vadd.f32 v3, v8  }
0x3a: {  	v5 =	vld [tilespmem:s25+$0x2020];
	[tilespmem:s23+$0x6020] =	vst v9;
	v8 =	vmax.f32 v4, $0.0e+00;
	v2 =	vadd.f32 v2, v7  }
0x3b: {  	v4 =	vld [tilespmem:s25+$0x2030];
	[tilespmem:s23+$0x6030] =	vst v8;
	v7 =	vmax.f32 v3, $0.0e+00;
	v1 =	vadd.f32 v1, v6  }
0x3c: {  	v3 =	vld [tilespmem:s25+$0x2040];
	[tilespmem:s23+$0x6040] =	vst v7;
	v6 =	vmax.f32 v2, $0.0e+00;
	v0 =	vadd.f32 v0, v10  }
0x3d: {  	v2 =	vld [tilespmem:s25+$0x2050];
	[tilespmem:s23+$0x6050] =	vst v6;
	v6 =	vmax.f32 v1, $0.0e+00  }
0x3e: {  	v1 =	vld [tilespmem:s25+$0x2060];
	[tilespmem:s23+$0x6060] =	vst v6;
	v6 =	vmax.f32 v0, $0.0e+00  }
0x3f: {  	v0 =	vld [tilespmem:s25+$0x2070];
	[tilespmem:s23+$0x6070] =	vst v6;
	s23 =	smov.u32 s25  }
0x40: {  	v6 =	vld [tilespmem:s23+$0x6000]  }
0x41: {  	v11 =	vld [tilespmem:s23+$0x6010]  }
.Ltmp0:
0x42: {  	v10 =	vld [tilespmem:s23+$0x6020];
	(pc) =	sbr.rel @p0 .LBB2_3-.Ltmp0, $4  }
0x43: {  	v9 =	vld [tilespmem:s23+$0x6030]  }
0x44: {  	v8 =	vld [tilespmem:s23+$0x6040]  }
0x45: {  	v12 =	vadd.f32 v13, v6;
	v7 =	vld [tilespmem:s23+$0x6050]  }
0x46: {  	s24 =	sadd.s32 $0x200, s24;
	v11 =	vadd.f32 v14, v11;
	v6 =	vld [tilespmem:s23+$0x6060]  }
0x47: {  	v12 =	vmax.f32 v12, $0.0e+00;
	v5 =	vadd.f32 v5, v10;
	v63 =	vld [tilespmem:s23+$0x6070]  }
0x48: {  	[tilespmem:s23+$0x6000] =	vst v12;
	v11 =	vmax.f32 v11, $0.0e+00;
	v4 =	vadd.f32 v4, v9  }
0x49: {  	[tilespmem:s23+$0x6010] =	vst v11;
	v5 =	vmax.f32 v5, $0.0e+00;
	v3 =	vadd.f32 v3, v8  }
0x4a: {  	[tilespmem:s23+$0x6020] =	vst v5;
	v4 =	vmax.f32 v4, $0.0e+00;
	v2 =	vadd.f32 v2, v7  }
0x4b: {  	[tilespmem:s23+$0x6030] =	vst v4;
	v3 =	vmax.f32 v3, $0.0e+00;
	v1 =	vadd.f32 v1, v6  }
0x4c: {  	[tilespmem:s23+$0x6040] =	vst v3;
	v2 =	vmax.f32 v2, $0.0e+00;
	v0 =	vadd.f32 v0, v63  }
0x4d: {  	s21 =	sadd.s32 $0x1, s21;
	[tilespmem:s23+$0x6050] =	vst v2;
	v1 =	vmax.f32 v1, $0.0e+00  }
0x4e: {  	p0 =	sne.s32 s21, $0x20;
	[tilespmem:s23+$0x6060] =	vst v1;
	v0 =	vmax.f32 v0, $0.0e+00  }
.Ltmp1:
0x4f: {  	s22 =	sadd.s32 $0x1000, s22;
	[tilespmem:s23+$0x6070] =	vst v0;
	(pc) =	sbr.rel @p0 .LBB2_2-.Ltmp1, $4  }
0x50: {  	[spmem:s1] =	stream.indirect.scatter.add.f32 [tilespmem:s17], [sflag:$0x3], $0x80, s22, s16, $0xb8;
	[tilespmem:$0x1A000] =	vst v63  }
0x51: {  	_ =	swait.ge [sflag:s11], $0x4000  }
0x52: {  	[sflag:s11] =	ssyncset.done $0x0  }
0x53: {  	[sflag:s11] =	ssyncadd.s32 $0xFFFFC000  }
0x54: {  	s20 =	sadd.s32 $0x1, s20  }
0x55: {  	p0 =	sne.s32 s20, s10  }
.Ltmp2:
0x56: {  	[bflag:$0x0] =	sbarrier.arrive $0xFFFF;
	(pc) =	sbr.rel @p0 .LBB2_1-.Ltmp2, $4  }
0x57: {  	[hbm:s9], [sflag:s13] =	dma.local [spmem:s14], $0x2000  }
0x58: {  	_ =	swait.ge [sflag:s11], $0x2000  }
0x59: {  	[sflag:s11] =	ssyncset.done $0x0  }
0x5a: {  	[sflag:s11] =	ssyncadd.s32 $0xFFFFE000  }
0x5b: {  	_ =	sfence.sel $0x180000  }
0x5c: {  	[bflag:$0x0] =	sbarrier.arrive $0xFFFF  }
0x5d: {  	p0 =	sne.s32 s2, $0x0;
	_ =	strace $0x90000047  }
0x5e: {  	s0 =	sadd.s32 @!p0 $0x100000, s0;
	[bflag:$0x2] =	sbarrier.arrive $0xFFFF  }
0x5f: {  	[sflag:s0] =	ssyncadd.tile.s32 @!p0 $0x1;
	_ =	shalt  }
.Lfunc_end2:
_tile_overlayer_lowered:
.L_overlay_start_2:
0x60: {  	(tag) =	ssettag $0x2  }
0x61: {  	s0 =	rddreg [dreg:$0x0];
	s2 =	stileid.u32  }
0x62: {  	s1 =	rddreg [dreg:$0x1];
	p0 =	sne.s32 s2, $0x0  }
0x63: {  	s3 =	rddreg [dreg:$0x2];
	[bflag:$0x3] =	sbarrier.arrive $0xFFFF;
	s2 =	simm.s32 @!p0 $0x1C03  }
0x64: {  	[timem:s3], [sflag:s2] =	dma.local @!p0 [hbm:s0], s1  }
0x65: {  	s0 =	simm.s32 @!p0 $0x3  }
0x66: {  	_ =	swait.ge @!p0 [sflag:s0], s1  }
0x67: {  	s1 =	ssub.s32 @!p0 $0x0, s1;
	[sflag:s0] =	ssyncset.done @!p0 $0x0  }
0x68: {  	[sflag:s0] =	ssyncadd.s32 @!p0 s1  }
0x69: {  	[bflag:$0x3] =	sbarrier.arrive $0xFFFF  }
0x6a: {  	_ =	shalt  }

// kernel: kernel.23.cloned.1.call-start
scs
__scs_entry_jumppad:
0x0: {  	(pc) =	sbr.rel $0x88, $3  }
0x1: {  	(tag) =	ssettag $0x0;
	lr =	simm.s32 $0x1  }
0x2: {  	[smem:$0x3F68] =	sst lr;
	_ =	strace $0xD0000000  }
0x3: {  	_ = 	snop  }
0x4: {  	_ = 	snop  }
0x5: {  	_ = 	snop  }
0x6: {  	_ = 	snop  }
0x7: {  	_ = 	snop  }
__scs_overlays_trampoline_lowered:
0x8: {  	[smem:$0x3F77] =	sst s0  }
0x9: {  	[smem:$0x3F78] =	sst s1  }
0xa: {  	[smem:$0x3F79] =	sst s2  }
0xb: {  	[smem:$0x3F7A] =	sst s3  }
0xc: {  	[smem:$0x3F7B] =	sst s4  }
0xd: {  	[smem:$0x3F7C] =	sst s5  }
0xe: {  	[smem:$0x3F7D] =	sst s6  }
0xf: {  	[smem:$0x3F7E] =	sst s7  }
0x10: {  	[smem:$0x3F7F] =	sst s8  }
0x11: {  	[smem:$0x3F80] =	sst s9;
	s0 =	simm.s32 @!p0 $0x0  }
0x12: {  	s1 =	sld [smem:$0x3F66];
	s0 =	simm.s32 @p0 $0x1  }
0x13: {  	[smem:$0x3F81] =	sst s0;
	s0 =	simm.s32 @!p1 $0x0  }
0x14: {  	s2 =	sld [smem:$0x3F65];
	s0 =	simm.s32 @p1 $0x1  }
0x15: {  	[smem:$0x3F82] =	sst s0;
	s0 =	simm.s32 @!p2 $0x0  }
0x16: {  	s3 =	sld [smem:$0x3FDB];
	s0 =	simm.s32 @p2 $0x1  }
0x17: {  	s4 =	simm.s32 $0x1BF5;
	[smem:$0x3F84] =	sst s0  }
0x18: {  	s0 =	sld [smem:$0x3F67];
	_ =	swait.ge [sflag:s4], $0x0  }
0x19: {  	s7 =	sld [smem:$0x3F68]  }
0x1a: {  	s8 =	sadd.s32 $0xFFFFE003, lr  }
0x1b: {  	s9 =	sadd.s32 $0xFFFFFEF7, lr;
	s5 =	simm.s32 $0xFFFFFFFF;
	p2 =	slt.u32 s8, $0xFFFFF086  }
0x1c: {  	p1 =	slt.u32 s9, $0xF7A;
	s5 =	simm.s32 @!p2 $0x0  }
0x1d: {  	s5 =	simm.s32 @p1 $0x1;
	p0 =	seq.s32 s7, s2  }
0x1e: {  	s7 =	smul.u32 @!p0 $0xF7A, s2;
	p2 =	seq.s32 @!p0 s5, $0x0  }
0x1f: {  	s9 =	smul.u32 $0xF7A, s1;
	s8 =	simm.s32 @!p0 $0x1BF5;
	p2 =	por !p2, p0  }
0x20: {  	[sflag:s8] =	ssyncset.s32 @!p0 $0xFFFFF086;
	s6 =	sadd.s32 @!p0 s3, s7;
	s7 =	simm.s32 @!p0 $0x108  }
0x21: {  	s3 =	sadd.s32 s3, s9;
	s6 =	sadd.s32 @!p0 $0x88, s6;
	s7 =	simm.s32 @p2 $0x1082  }
0x22: {  	[simem:s7], [sflag:s8] =	dma.local @!p0 [hbm:s6], $0xF7A  }
0x23: {  	s9 =	sor.u32 $0xD0000000, s2;
	s6 =	simm.s32 $0x108;
	_ =	swait.ge @!p0 [sflag:s8], $0x0  }
0x24: {  	s3 =	sadd.s32 $0x88, s3;
	s6 =	simm.s32 @!p1 $0x1082;
	[sflag:s4] =	ssyncset.s32 $0xFFFFF086  }
0x25: {  	[simem:s6], [sflag:s4] =	dma.local [hbm:s3], $0xF7A  }
0x26: {  	[smem:$0x3F68] =	sst s1;
	(tag) =	ssettag s2;
	_ =	strace s9  }
0x27: {  	s1 =	sld [smem:$0x3F78]  }
0x28: {  	s2 =	sld [smem:$0x3F79]  }
0x29: {  	s4 =	sld [smem:$0x3F7B]  }
0x2a: {  	p0 =	seq.s32 s5, $0x0;
	s5 =	sld [smem:$0x3F7C]  }
0x2b: {  	s6 =	sld [smem:$0x3F7D]  }
0x2c: {  	s7 =	sld [smem:$0x3F7E]  }
0x2d: {  	s3 =	simm.s32 $0x108;
	s8 =	sld [smem:$0x3F7F]  }
0x2e: {  	s3 =	simm.s32 @!p0 $0x1082;
	s9 =	sld [smem:$0x3F80]  }
0x2f: {  	lr =	sadd.s32 s0, s3;
	s0 =	sld [smem:$0x3F77]  }
0x30: {  	s3 =	sld [smem:$0x3F7A]  }
0x31: {  	[smem:$0x3F83] =	sst s10  }
0x32: {  	s10 =	sld [smem:$0x3F81];
	_ =	sdelay $0x3  }
0x33: {  	p0 =	seq.s32 s10, $0x1;
	s10 =	sld [smem:$0x3F83];
	_ =	sdelay $0x3  }
0x34: {  	[smem:$0x3F83] =	sst s10  }
0x35: {  	s10 =	sld [smem:$0x3F82];
	_ =	sdelay $0x3  }
0x36: {  	p1 =	seq.s32 s10, $0x1;
	s10 =	sld [smem:$0x3F83];
	_ =	sdelay $0x3  }
0x37: {  	[smem:$0x3F83] =	sst s10  }
0x38: {  	s10 =	sld [smem:$0x3F84]  }
0x39: {  	_ = 	snop;
	(pc) =	sbr.ind lr, $3  }
0x3a: {  	_ = 	snop  }
0x3b: {  	_ = 	snop  }
0x3c: {  	p2 =	seq.s32 s10, $0x1;
	s10 =	sld [smem:$0x3F83]  }
0x3d: {  	_ =	shalt  }
0x3e: {  	_ =	shalt  }
0x3f: {  	_ =	shalt  }
0x40: {  	_ =	shalt  }
0x41: {  	_ =	shalt  }
0x42: {  	_ =	shalt  }
0x43: {  	_ =	shalt  }
0x44: {  	_ =	shalt  }
0x45: {  	_ =	shalt  }
0x46: {  	_ =	shalt  }
0x47: {  	_ =	shalt  }
0x48: {  	_ =	shalt  }
0x49: {  	_ =	shalt  }
0x4a: {  	_ =	shalt  }
0x4b: {  	_ =	shalt  }
0x4c: {  	_ =	shalt  }
0x4d: {  	_ =	shalt  }
0x4e: {  	_ =	shalt  }
0x4f: {  	_ =	shalt  }
0x50: {  	_ =	shalt  }
0x51: {  	_ =	shalt  }
0x52: {  	_ =	shalt  }
0x53: {  	_ =	shalt  }
0x54: {  	_ =	shalt  }
0x55: {  	_ =	shalt  }
0x56: {  	_ =	shalt  }
0x57: {  	_ =	shalt  }
0x58: {  	_ =	shalt  }
0x59: {  	_ =	shalt  }
0x5a: {  	_ =	shalt  }
0x5b: {  	_ =	shalt  }
0x5c: {  	_ =	shalt  }
0x5d: {  	_ =	shalt  }
0x5e: {  	_ =	shalt  }
0x5f: {  	_ =	shalt  }
0x60: {  	_ =	shalt  }
0x61: {  	_ =	shalt  }
0x62: {  	_ =	shalt  }
0x63: {  	_ =	shalt  }
0x64: {  	_ =	shalt  }
0x65: {  	_ =	shalt  }
0x66: {  	_ =	shalt  }
0x67: {  	_ =	shalt  }
0x68: {  	_ =	shalt  }
0x69: {  	_ =	shalt  }
0x6a: {  	_ =	shalt  }
0x6b: {  	_ =	shalt  }
0x6c: {  	_ =	shalt  }
0x6d: {  	_ =	shalt  }
0x6e: {  	_ =	shalt  }
0x6f: {  	_ =	shalt  }
0x70: {  	_ =	shalt  }
0x71: {  	_ =	shalt  }
0x72: {  	_ =	shalt  }
0x73: {  	_ =	shalt  }
0x74: {  	_ =	shalt  }
0x75: {  	_ =	shalt  }
0x76: {  	_ =	shalt  }
0x77: {  	_ =	shalt  }
0x78: {  	_ =	shalt  }
0x79: {  	_ =	shalt  }
0x7a: {  	_ =	shalt  }
0x7b: {  	_ =	shalt  }
0x7c: {  	_ =	shalt  }
0x7d: {  	_ =	shalt  }
0x7e: {  	_ =	shalt  }
0x7f: {  	_ =	shalt  }
0x80: {  	_ =	shalt  }
0x81: {  	_ =	shalt  }
0x82: {  	_ =	shalt  }
0x83: {  	_ =	shalt  }
0x84: {  	_ =	shalt  }
0x85: {  	_ =	shalt  }
0x86: {  	_ =	shalt  }
0x87: {  	_ =	shalt  }
.Lfunc_end0:
.L_simem_size_0:
called_computation.2_lowered:
.L_overlay_start_0:
0x88: {  	s2 =	sld [smem:$0x3FD9]  }
0x89: {  	s3 =	sld [smem:$0x3FFE];
	_ =	sdelay $0x1  }
0x8a: {  	s1 =	srdreg.scid  }
0x8b: {  	s0 =	sand.u32 $0x1, s1  }
0x8c: {  	s16 =	sshll.u32 s0, $0xA;
	s2 =	sadd.s32 s3, s2  }
0x8d: {  	s2 =	sadd.s32 s2, s16  }
0x8e: {  	[smem:$0x3F8F] =	sst s2  }
0x8f: {  	_ = 	snop  }
0x90: {  	(tm) =	ssettm $0x1  }
0x91: {  	s17 =	sld [smem:$0x3FFB];
	_ =	sdelay $0x3  }
0x92: {  	_ =	strace s17  }
0x93: {  	s2 =	sld [smem:$0x3FFC];
	_ =	sdelay $0x3  }
0x94: {  	_ =	strace s2  }
0x95: {  	s2 =	sld [smem:$0x3FFD];
	_ =	sdelay $0x3  }
0x96: {  	_ =	strace s2  }
0x97: {  	_ =	strace $0x8FFFFFFF  }
0x98: {  	s18 =	sld [smem:$0x3FDB];
	_ =	sdelay $0x1  }
0x99: {  	s19 =	simm.s32 $_scs_section_size  }
0x9a: {  	s4 =	simm.s32 $_size__tile_overlayer_lowered;
	s5 =	simm.s32 $_tile_overlayer_lowered  }
0x9b: {  	s22 =	simm.s32 $0x1BFF;
	s21 =	sshll.u32 s5, $0x1;
	s2 =	sadd.s32 s19, s18  }
0x9c: {  	s6 =	simm.s32 $0x0;
	s20 =	sshll.u32 s4, $0x1;
	s4 =	sadd.s32 s21, s2  }
0x9d: {  	[timem:s6], [sflag:s22] =	dma.local [hbm:s4], s20  }
0x9e: {  	_ =	swait.ge [sflag:s22], s20  }
0x9f: {  	s3 =	ssub.s32 $0x0, s20;
	[sflag:s22] =	ssyncset.done $0x0  }
0xa0: {  	[sflag:s22] =	ssyncadd.s32 s3;
	_ =	sdelay $0x1  }
0xa1: {  	s23 =	simm.s32 $0x1B8B  }
0xa2: {  	_ =	swait.ge [sflag:s23], $0x1  }
0xa3: {  	[sflag:s23] =	ssyncset.done $0x0  }
0xa4: {  	s25 =	simm.s32 $0x1B8E;
	s24 =	sld [smem:$0x3FFE];
	[sflag:s23] =	ssyncadd.s32 $0xFFFFFFFF  }
0xa5: {  	s26 =	simm.s32 $execute0_lowered;
	[smem:$0x3FD2] =	sst s25  }
0xa6: {  	s4 =	sshll.u32 s26, $0x1;
	_ =	strace $0x80000049;
	[dreg:$0x1] =	wrdreg $0xFFFFFFFF  }
0xa7: {  	s28 =	simm.s32 $_size_execute0_lowered;
	s2 =	sadd.s32 s2, s4;
	[dreg:$0x0] =	wrdreg $0x0  }
0xa8: {  	s4 =	sshll.u32 s28, $0x1;
	[dreg:$0x2] =	wrdreg s2  }
0xa9: {  	[dreg:$0x3] =	wrdreg s4  }
0xaa: {  	[dreg:$0x4] =	wrdreg $0xC0  }
0xab: {  	_ =	task [dreg:s6], $0x5FFFF  }
0xac: {  	[dreg:$0x1] =	wrdreg $0xFFFFFFFF  }
0xad: {  	[dreg:$0x0] =	wrdreg $0x60  }
0xae: {  	[dreg:$0x2] =	wrdreg s24  }
0xaf: {  	[dreg:$0x3] =	wrdreg $0xA0000  }
0xb0: {  	[dreg:$0x4] =	wrdreg $0x9  }
0xb1: {  	_ =	task.clear_ibuf [dreg:s6], $0x5FFFF;
	_ =	strace $0x90000049  }
0xb2: {  	s29 =	simm.s32 $0x9;
	_ =	strace $0x8000004B  }
0xb3: {  	_ =	swait.ge [sflag:s29], $0x1  }
0xb4: {  	[sflag:s29] =	ssyncadd.s32 $0xFFFFFFFF  }
0xb5: {  	_ =	strace $0x9000004B  }
0xb6: {  	_ =	sfence  }
0xb7: {  	s30 =	sld [smem:$0x0];
	_ =	sdelay $0x2  }
0xb8: {  	s31 =	sshll.u32 s1, $0xD;
	s1 =	sshrl.u32 s1, $0x2  }
0xb9: {  	s3 =	sand.u32 $0x4000, s31;
	s1 =	sadd.s32 s1, s30  }
0xba: {  	s0 =	sor.u32 s3, s0;
	s1 =	sshll.u32 s1, $0x11  }
0xbb: {  	s0 =	sor.u32 s1, s0  }
0xbc: {  	s0 =	sadd.s32 $0x8F2B, s0  }
0xbd: {  	[sflag:s0] =	ssyncadd.remote.s32 $0x1  }
0xbe: {  	_ =	sfence.sel $0xFFFF  }
0xbf: {  	[dreg:$0x0] =	wrdreg $0xFFFFFFFF;
	(pc) =	sbr.abs _section_cstart, $3  }
0xc0: {  	[dreg:$0x1] =	wrdreg $0xFFFFFFFF  }
0xc1: {  	_ =	task.clear_ibuf [dreg:s6], $0x2FFFF;
	_ =	strace $0x9FFFFFFF  }
0xc2: {  	(tm) =	ssettm $0x7FFFFFFF  }
0xc3: {  	_ =	shalt  }
tec
execute0_lowered:
.L_overlay_start_1:
0x0: {  	(tag) =	ssettag $0x1  }
0x1: {  	s6 =	rddreg [dreg:$0x0]  }
0x2: {  	s1 =	rddreg [dreg:$0x1];
	s2 =	srdreg.scid  }
0x3: {  	s0 =	rddreg [dreg:$0x2];
	s3 =	simm.s32 $0x0;
	s15 =	simm.s32 $0x2000  }
0x4: {  	s16 =	simm.s32 $0x80;
	s17 =	simm.s32 $0x6000;
	s18 =	simm.s32 $0x1  }
0x5: {  	s19 =	simm.s32 $0x2;
	s20 =	simm.s32 $0x0;
	s7 =	sand.u32 $0x1, s2  }
0x6: {  	s2 =	stileid.u32;
	[smem:$0x7FF] =	sst s3;
	s4 =	sshll.u32 s7, $0x4  }
0x7: {  	_ =	strace $0x8000004A;
	s10 =	sshll.u32 s2, $0xD;
	s11 =	ssub.s32 $0x2, s7  }
0x8: {  	s12 =	sshll.u32 s7, $0x11;
	s31 =	sshll.u32 s2, $0x10;
	s13 =	sshll.u32 s2, $0x6  }
0x9: {  	s5 =	sor.u32 s2, s4;
	s4 =	sadd.s32 $0x12000, s6;
	s10 =	sadd.s32 s10, s6  }
0xa: {  	s30 =	sshrl.u32 s11, $0x1;
	s14 =	sadd.s32 s31, s1;
	s13 =	sor.u32 $0x1C03, s13  }
0xb: {  	s8 =	sshll.u32 s5, $0x9;
	s5 =	sshll.u32 s5, $0x10;
	s11 =	ssub.s32 s11, s30  }
0xc: {  	s10 =	sadd.s32 s12, s10;
	s12 =	simm.s32 $0x1000;
	s14 =	sshrl.u32 s14, $0x3  }
0xd: {  	s8 =	sadd.s32 s8, s6;
	s9 =	sadd.s32 s5, s6;
	s5 =	sadd.s32 $0x32000, s6  }
0xe: {  	s6 =	sadd.s32 $0xE000, s8;
	s7 =	sadd.s32 $0xA000, s8;
	s8 =	sadd.s32 $0x412000, s9  }
0xf: {  	s9 =	sadd.s32 $0x34000, s10;
	s10 =	smax.u32 s11, $0x1;
	s11 =	simm.s32 $0x3  }
.LBB2_1:
0x10: {  	[tilespmem:s3], [sflag:$0x3] =	stream.linear.gather [hbm4b:s6+s3], $0x1000, $0x38;
	[tilespmem:$0x1A000] =	vst v63  }
0x11: {  	_ =	swait.ge [sflag:s11], $0x1000  }
0x12: {  	[sflag:s11] =	ssyncset.done $0x0  }
0x13: {  	[sflag:s11] =	ssyncadd.s32 $0xFFFFF000  }
0x14: {  	[tilespmem:s12], [sflag:$0x3] =	stream.linear.gather [hbm4b:s7+s3], $0x1000, $0x38;
	[tilespmem:$0x1A000] =	vst v63  }
0x15: {  	_ =	swait.ge [sflag:s11], $0x1000  }
0x16: {  	[sflag:s11] =	ssyncset.done $0x0  }
0x17: {  	[sflag:s11] =	ssyncadd.s32 $0xFFFFF000  }
0x18: {  	[spmem:s14], [sflag:s13] =	dma.local [hbm:s5], $0x2000  }
0x19: {  	_ =	swait.ge [sflag:s11], $0x2000  }
0x1a: {  	[sflag:s11] =	ssyncset.done $0x0  }
0x1b: {  	[sflag:s11] =	ssyncadd.s32 $0xFFFFE000  }
0x1c: {  	s21 =	simm.s32 $0x0;
	[bflag:$0x0] =	sbarrier.arrive $0xFFFF  }
.LBB2_2:
0x1d: {  	s22 =	sshll.u32 s21, $0xB  }
0x1e: {  	s23 =	simm.s32 $0x0;
	s22 =	sadd.s32 s22, s8  }
0x1f: {  	[tilespmem:s15], [sflag:$0x1] =	stream.linear.gather [hbm4b:s22+s23], $0x4000, $0x38;
	[tilespmem:$0x1A000] =	vst v63  }
0x20: {  	s22 =	sshll.u32 s21, $0x7  }
0x21: {  	[tilespmem:s17], [sflag:$0x2] =	stream.indirect.gather [hbm4b:s4+s16], $0x80, s22, s16, $0xb8;
	[tilespmem:$0x1A000] =	vst v63  }
0x22: {  	_ =	swait.ge [sflag:s18], $0x4000  }
0x23: {  	[sflag:s18] =	ssyncset.done $0x0  }
0x24: {  	[sflag:s18] =	ssyncadd.s32 $0xFFFFC000  }
0x25: {  	_ =	swait.ge [sflag:s19], $0x4000  }
0x26: {  	[sflag:s19] =	ssyncset.done $0x0  }
0x27: {  	s23 =	simm.s32 $0x0;
	[sflag:s19] =	ssyncadd.s32 $0xFFFFC000  }
0x28: {  	v6 =	vld [tilespmem:s23+$0x2000]  }
0x29: {  	v11 =	vld [tilespmem:s23+$0x2010]  }
0x2a: {  	v5 =	vld [tilespmem:s23+$0x2020]  }
0x2b: {  	v4 =	vld [tilespmem:s23+$0x2030]  }
0x2c: {  	v3 =	vld [tilespmem:s23+$0x2040]  }
0x2d: {  	v2 =	vld [tilespmem:s23+$0x2050]  }
0x2e: {  	v1 =	vld [tilespmem:s23+$0x2060]  }
0x2f: {  	v0 =	vld [tilespmem:s23+$0x2070]  }
0x30: {  	v12 =	vld [tilespmem:s23+$0x6000]  }
0x31: {  	v13 =	vld [tilespmem:s23+$0x6010]  }
0x32: {  	v10 =	vld [tilespmem:s23+$0x6020]  }
0x33: {  	v9 =	vld [tilespmem:s23+$0x6030]  }
0x34: {  	v8 =	vld [tilespmem:s23+$0x6040]  }
0x35: {  	v7 =	vld [tilespmem:s23+$0x6050];
	v12 =	vadd.f32 v6, v12  }
0x36: {  	s24 =	simm.s32 $0x200;
	v11 =	vadd.f32 v11, v13;
	v6 =	vld [tilespmem:s23+$0x6060]  }
.LBB2_3:
0x37: {  	s25 =	sshra.s32 s24, $0x2;
	p0 =	sne.s32 s24, $0xFE00;
	v12 =	vmax.f32 v12, $0.0e+00;
	v5 =	vadd.f32 v5, v10;
	v10 =	vld [tilespmem:s23+$0x6070]  }
0x38: {  	v13 =	vld [tilespmem:s25+$0x2000];
	[tilespmem:s23+$0x6000] =	vst v12;
	v11 =	vmax.f32 v11, $0.0e+00;
	v4 =	vadd.f32 v4, v9  }
0x39: {  	v14 =	vld [tilespmem:s25+$0x2010];
	[tilespmem:s23+$0x6010] =	vst v11;
	v9 =	vmax.f32 v5, $0.0e+00;
	v3 =	vadd.f32 v3, v8  }
0x3a: {  	v5 =	vld [tilespmem:s25+$0x2020];
	[tilespmem:s23+$0x6020] =	vst v9;
	v8 =	vmax.f32 v4, $0.0e+00;
	v2 =	vadd.f32 v2, v7  }
0x3b: {  	v4 =	vld [tilespmem:s25+$0x2030];
	[tilespmem:s23+$0x6030] =	vst v8;
	v7 =	vmax.f32 v3, $0.0e+00;
	v1 =	vadd.f32 v1, v6  }
0x3c: {  	v3 =	vld [tilespmem:s25+$0x2040];
	[tilespmem:s23+$0x6040] =	vst v7;
	v6 =	vmax.f32 v2, $0.0e+00;
	v0 =	vadd.f32 v0, v10  }
0x3d: {  	v2 =	vld [tilespmem:s25+$0x2050];
	[tilespmem:s23+$0x6050] =	vst v6;
	v6 =	vmax.f32 v1, $0.0e+00  }
0x3e: {  	v1 =	vld [tilespmem:s25+$0x2060];
	[tilespmem:s23+$0x6060] =	vst v6;
	v6 =	vmax.f32 v0, $0.0e+00  }
0x3f: {  	v0 =	vld [tilespmem:s25+$0x2070];
	[tilespmem:s23+$0x6070] =	vst v6;
	s23 =	smov.u32 s25  }
0x40: {  	v6 =	vld [tilespmem:s23+$0x6000]  }
0x41: {  	v11 =	vld [tilespmem:s23+$0x6010]  }
.Ltmp0:
0x42: {  	v10 =	vld [tilespmem:s23+$0x6020];
	(pc) =	sbr.rel @p0 .LBB2_3-.Ltmp0, $4  }
0x43: {  	v9 =	vld [tilespmem:s23+$0x6030]  }
0x44: {  	v8 =	vld [tilespmem:s23+$0x6040]  }
0x45: {  	v12 =	vadd.f32 v13, v6;
	v7 =	vld [tilespmem:s23+$0x6050]  }
0x46: {  	s24 =	sadd.s32 $0x200, s24;
	v11 =	vadd.f32 v14, v11;
	v6 =	vld [tilespmem:s23+$0x6060]  }
0x47: {  	v12 =	vmax.f32 v12, $0.0e+00;
	v5 =	vadd.f32 v5, v10;
	v63 =	vld [tilespmem:s23+$0x6070]  }
0x48: {  	[tilespmem:s23+$0x6000] =	vst v12;
	v11 =	vmax.f32 v11, $0.0e+00;
	v4 =	vadd.f32 v4, v9  }
0x49: {  	[tilespmem:s23+$0x6010] =	vst v11;
	v5 =	vmax.f32 v5, $0.0e+00;
	v3 =	vadd.f32 v3, v8  }
0x4a: {  	[tilespmem:s23+$0x6020] =	vst v5;
	v4 =	vmax.f32 v4, $0.0e+00;
	v2 =	vadd.f32 v2, v7  }
0x4b: {  	[tilespmem:s23+$0x6030] =	vst v4;
	v3 =	vmax.f32 v3, $0.0e+00;
	v1 =	vadd.f32 v1, v6  }
0x4c: {  	[tilespmem:s23+$0x6040] =	vst v3;
	v2 =	vmax.f32 v2, $0.0e+00;
	v0 =	vadd.f32 v0, v63  }
0x4d: {  	s21 =	sadd.s32 $0x1, s21;
	[tilespmem:s23+$0x6050] =	vst v2;
	v1 =	vmax.f32 v1, $0.0e+00  }
0x4e: {  	p0 =	sne.s32 s21, $0x20;
	[tilespmem:s23+$0x6060] =	vst v1;
	v0 =	vmax.f32 v0, $0.0e+00  }
.Ltmp1:
0x4f: {  	s22 =	sadd.s32 $0x1000, s22;
	[tilespmem:s23+$0x6070] =	vst v0;
	(pc) =	sbr.rel @p0 .LBB2_2-.Ltmp1, $4  }
0x50: {  	[spmem:s1] =	stream.indirect.scatter.add.f32 [tilespmem:s17], [sflag:$0x3], $0x80, s22, s16, $0xb8;
	[tilespmem:$0x1A000] =	vst v63  }
0x51: {  	_ =	swait.ge [sflag:s11], $0x4000  }
0x52: {  	[sflag:s11] =	ssyncset.done $0x0  }
0x53: {  	[sflag:s11] =	ssyncadd.s32 $0xFFFFC000  }
0x54: {  	s20 =	sadd.s32 $0x1, s20  }
0x55: {  	p0 =	sne.s32 s20, s10  }
.Ltmp2:
0x56: {  	[bflag:$0x0] =	sbarrier.arrive $0xFFFF;
	(pc) =	sbr.rel @p0 .LBB2_1-.Ltmp2, $4  }
0x57: {  	[hbm:s9], [sflag:s13] =	dma.local [spmem:s14], $0x2000  }
0x58: {  	_ =	swait.ge [sflag:s11], $0x2000  }
0x59: {  	[sflag:s11] =	ssyncset.done $0x0  }
0x5a: {  	[sflag:s11] =	ssyncadd.s32 $0xFFFFE000  }
0x5b: {  	_ =	sfence.sel $0x180000  }
0x5c: {  	[bflag:$0x0] =	sbarrier.arrive $0xFFFF  }
0x5d: {  	p0 =	sne.s32 s2, $0x0;
	_ =	strace $0x9000004A  }
0x5e: {  	s0 =	sadd.s32 @!p0 $0x100000, s0;
	[bflag:$0x2] =	sbarrier.arrive $0xFFFF  }
0x5f: {  	[sflag:s0] =	ssyncadd.tile.s32 @!p0 $0x1;
	_ =	shalt  }
.Lfunc_end2:
_tile_overlayer_lowered:
.L_overlay_start_2:
0x60: {  	(tag) =	ssettag $0x2  }
0x61: {  	s0 =	rddreg [dreg:$0x0];
	s2 =	stileid.u32  }
0x62: {  	s1 =	rddreg [dreg:$0x1];
	p0 =	sne.s32 s2, $0x0  }
0x63: {  	s3 =	rddreg [dreg:$0x2];
	[bflag:$0x3] =	sbarrier.arrive $0xFFFF;
	s2 =	simm.s32 @!p0 $0x1C03  }
0x64: {  	[timem:s3], [sflag:s2] =	dma.local @!p0 [hbm:s0], s1  }
0x65: {  	s0 =	simm.s32 @!p0 $0x3  }
0x66: {  	_ =	swait.ge @!p0 [sflag:s0], s1  }
0x67: {  	s1 =	ssub.s32 @!p0 $0x0, s1;
	[sflag:s0] =	ssyncset.done @!p0 $0x0  }
0x68: {  	[sflag:s0] =	ssyncadd.s32 @!p0 s1  }
0x69: {  	[bflag:$0x3] =	sbarrier.arrive $0xFFFF  }
0x6a: {  	_ =	shalt  }

// kernel: kernel.26.cloned.1.call-start
scs
__scs_entry_jumppad:
0x0: {  	(pc) =	sbr.rel $0x88, $3  }
0x1: {  	(tag) =	ssettag $0x0;
	lr =	simm.s32 $0x1  }
0x2: {  	[smem:$0x3F68] =	sst lr;
	_ =	strace $0xD0000000  }
0x3: {  	_ = 	snop  }
0x4: {  	_ = 	snop  }
0x5: {  	_ = 	snop  }
0x6: {  	_ = 	snop  }
0x7: {  	_ = 	snop  }
__scs_overlays_trampoline_lowered:
0x8: {  	[smem:$0x3F77] =	sst s0  }
0x9: {  	[smem:$0x3F78] =	sst s1  }
0xa: {  	[smem:$0x3F79] =	sst s2  }
0xb: {  	[smem:$0x3F7A] =	sst s3  }
0xc: {  	[smem:$0x3F7B] =	sst s4  }
0xd: {  	[smem:$0x3F7C] =	sst s5  }
0xe: {  	[smem:$0x3F7D] =	sst s6  }
0xf: {  	[smem:$0x3F7E] =	sst s7  }
0x10: {  	[smem:$0x3F7F] =	sst s8  }
0x11: {  	[smem:$0x3F80] =	sst s9;
	s0 =	simm.s32 @!p0 $0x0  }
0x12: {  	s1 =	sld [smem:$0x3F66];
	s0 =	simm.s32 @p0 $0x1  }
0x13: {  	[smem:$0x3F81] =	sst s0;
	s0 =	simm.s32 @!p1 $0x0  }
0x14: {  	s2 =	sld [smem:$0x3F65];
	s0 =	simm.s32 @p1 $0x1  }
0x15: {  	[smem:$0x3F82] =	sst s0;
	s0 =	simm.s32 @!p2 $0x0  }
0x16: {  	s3 =	sld [smem:$0x3FDB];
	s0 =	simm.s32 @p2 $0x1  }
0x17: {  	s4 =	simm.s32 $0x1BF5;
	[smem:$0x3F84] =	sst s0  }
0x18: {  	s0 =	sld [smem:$0x3F67];
	_ =	swait.ge [sflag:s4], $0x0  }
0x19: {  	s7 =	sld [smem:$0x3F68]  }
0x1a: {  	s8 =	sadd.s32 $0xFFFFE003, lr  }
0x1b: {  	s9 =	sadd.s32 $0xFFFFFEF7, lr;
	s5 =	simm.s32 $0xFFFFFFFF;
	p2 =	slt.u32 s8, $0xFFFFF086  }
0x1c: {  	p1 =	slt.u32 s9, $0xF7A;
	s5 =	simm.s32 @!p2 $0x0  }
0x1d: {  	s5 =	simm.s32 @p1 $0x1;
	p0 =	seq.s32 s7, s2  }
0x1e: {  	s7 =	smul.u32 @!p0 $0xF7A, s2;
	p2 =	seq.s32 @!p0 s5, $0x0  }
0x1f: {  	s9 =	smul.u32 $0xF7A, s1;
	s8 =	simm.s32 @!p0 $0x1BF5;
	p2 =	por !p2, p0  }
0x20: {  	[sflag:s8] =	ssyncset.s32 @!p0 $0xFFFFF086;
	s6 =	sadd.s32 @!p0 s3, s7;
	s7 =	simm.s32 @!p0 $0x108  }
0x21: {  	s3 =	sadd.s32 s3, s9;
	s6 =	sadd.s32 @!p0 $0x88, s6;
	s7 =	simm.s32 @p2 $0x1082  }
0x22: {  	[simem:s7], [sflag:s8] =	dma.local @!p0 [hbm:s6], $0xF7A  }
0x23: {  	s9 =	sor.u32 $0xD0000000, s2;
	s6 =	simm.s32 $0x108;
	_ =	swait.ge @!p0 [sflag:s8], $0x0  }
0x24: {  	s3 =	sadd.s32 $0x88, s3;
	s6 =	simm.s32 @!p1 $0x1082;
	[sflag:s4] =	ssyncset.s32 $0xFFFFF086  }
0x25: {  	[simem:s6], [sflag:s4] =	dma.local [hbm:s3], $0xF7A  }
0x26: {  	[smem:$0x3F68] =	sst s1;
	(tag) =	ssettag s2;
	_ =	strace s9  }
0x27: {  	s1 =	sld [smem:$0x3F78]  }
0x28: {  	s2 =	sld [smem:$0x3F79]  }
0x29: {  	s4 =	sld [smem:$0x3F7B]  }
0x2a: {  	p0 =	seq.s32 s5, $0x0;
	s5 =	sld [smem:$0x3F7C]  }
0x2b: {  	s6 =	sld [smem:$0x3F7D]  }
0x2c: {  	s7 =	sld [smem:$0x3F7E]  }
0x2d: {  	s3 =	simm.s32 $0x108;
	s8 =	sld [smem:$0x3F7F]  }
0x2e: {  	s3 =	simm.s32 @!p0 $0x1082;
	s9 =	sld [smem:$0x3F80]  }
0x2f: {  	lr =	sadd.s32 s0, s3;
	s0 =	sld [smem:$0x3F77]  }
0x30: {  	s3 =	sld [smem:$0x3F7A]  }
0x31: {  	[smem:$0x3F83] =	sst s10  }
0x32: {  	s10 =	sld [smem:$0x3F81];
	_ =	sdelay $0x3  }
0x33: {  	p0 =	seq.s32 s10, $0x1;
	s10 =	sld [smem:$0x3F83];
	_ =	sdelay $0x3  }
0x34: {  	[smem:$0x3F83] =	sst s10  }
0x35: {  	s10 =	sld [smem:$0x3F82];
	_ =	sdelay $0x3  }
0x36: {  	p1 =	seq.s32 s10, $0x1;
	s10 =	sld [smem:$0x3F83];
	_ =	sdelay $0x3  }
0x37: {  	[smem:$0x3F83] =	sst s10  }
0x38: {  	s10 =	sld [smem:$0x3F84]  }
0x39: {  	_ = 	snop;
	(pc) =	sbr.ind lr, $3  }
0x3a: {  	_ = 	snop  }
0x3b: {  	_ = 	snop  }
0x3c: {  	p2 =	seq.s32 s10, $0x1;
	s10 =	sld [smem:$0x3F83]  }
0x3d: {  	_ =	shalt  }
0x3e: {  	_ =	shalt  }
0x3f: {  	_ =	shalt  }
0x40: {  	_ =	shalt  }
0x41: {  	_ =	shalt  }
0x42: {  	_ =	shalt  }
0x43: {  	_ =	shalt  }
0x44: {  	_ =	shalt  }
0x45: {  	_ =	shalt  }
0x46: {  	_ =	shalt  }
0x47: {  	_ =	shalt  }
0x48: {  	_ =	shalt  }
0x49: {  	_ =	shalt  }
0x4a: {  	_ =	shalt  }
0x4b: {  	_ =	shalt  }
0x4c: {  	_ =	shalt  }
0x4d: {  	_ =	shalt  }
0x4e: {  	_ =	shalt  }
0x4f: {  	_ =	shalt  }
0x50: {  	_ =	shalt  }
0x51: {  	_ =	shalt  }
0x52: {  	_ =	shalt  }
0x53: {  	_ =	shalt  }
0x54: {  	_ =	shalt  }
0x55: {  	_ =	shalt  }
0x56: {  	_ =	shalt  }
0x57: {  	_ =	shalt  }
0x58: {  	_ =	shalt  }
0x59: {  	_ =	shalt  }
0x5a: {  	_ =	shalt  }
0x5b: {  	_ =	shalt  }
0x5c: {  	_ =	shalt  }
0x5d: {  	_ =	shalt  }
0x5e: {  	_ =	shalt  }
0x5f: {  	_ =	shalt  }
0x60: {  	_ =	shalt  }
0x61: {  	_ =	shalt  }
0x62: {  	_ =	shalt  }
0x63: {  	_ =	shalt  }
0x64: {  	_ =	shalt  }
0x65: {  	_ =	shalt  }
0x66: {  	_ =	shalt  }
0x67: {  	_ =	shalt  }
0x68: {  	_ =	shalt  }
0x69: {  	_ =	shalt  }
0x6a: {  	_ =	shalt  }
0x6b: {  	_ =	shalt  }
0x6c: {  	_ =	shalt  }
0x6d: {  	_ =	shalt  }
0x6e: {  	_ =	shalt  }
0x6f: {  	_ =	shalt  }
0x70: {  	_ =	shalt  }
0x71: {  	_ =	shalt  }
0x72: {  	_ =	shalt  }
0x73: {  	_ =	shalt  }
0x74: {  	_ =	shalt  }
0x75: {  	_ =	shalt  }
0x76: {  	_ =	shalt  }
0x77: {  	_ =	shalt  }
0x78: {  	_ =	shalt  }
0x79: {  	_ =	shalt  }
0x7a: {  	_ =	shalt  }
0x7b: {  	_ =	shalt  }
0x7c: {  	_ =	shalt  }
0x7d: {  	_ =	shalt  }
0x7e: {  	_ =	shalt  }
0x7f: {  	_ =	shalt  }
0x80: {  	_ =	shalt  }
0x81: {  	_ =	shalt  }
0x82: {  	_ =	shalt  }
0x83: {  	_ =	shalt  }
0x84: {  	_ =	shalt  }
0x85: {  	_ =	shalt  }
0x86: {  	_ =	shalt  }
0x87: {  	_ =	shalt  }
.Lfunc_end0:
.L_simem_size_0:
called_computation.3_lowered:
.L_overlay_start_0:
0x88: {  	s2 =	sld [smem:$0x3FD9]  }
0x89: {  	s3 =	sld [smem:$0x3FFE];
	_ =	sdelay $0x1  }
0x8a: {  	s1 =	srdreg.scid  }
0x8b: {  	s0 =	sand.u32 $0x1, s1  }
0x8c: {  	s16 =	sshll.u32 s0, $0xA;
	s2 =	sadd.s32 s3, s2  }
0x8d: {  	s2 =	sadd.s32 s2, s16  }
0x8e: {  	[smem:$0x3F8F] =	sst s2  }
0x8f: {  	_ = 	snop  }
0x90: {  	(tm) =	ssettm $0x1  }
0x91: {  	s17 =	sld [smem:$0x3FFB];
	_ =	sdelay $0x3  }
0x92: {  	_ =	strace s17  }
0x93: {  	s2 =	sld [smem:$0x3FFC];
	_ =	sdelay $0x3  }
0x94: {  	_ =	strace s2  }
0x95: {  	s2 =	sld [smem:$0x3FFD];
	_ =	sdelay $0x3  }
0x96: {  	_ =	strace s2  }
0x97: {  	_ =	strace $0x8FFFFFFF  }
0x98: {  	s18 =	sld [smem:$0x3FDB];
	_ =	sdelay $0x1  }
0x99: {  	s19 =	simm.s32 $_scs_section_size  }
0x9a: {  	s4 =	simm.s32 $_size__tile_overlayer_lowered;
	s5 =	simm.s32 $_tile_overlayer_lowered  }
0x9b: {  	s22 =	simm.s32 $0x1BFF;
	s21 =	sshll.u32 s5, $0x1;
	s2 =	sadd.s32 s19, s18  }
0x9c: {  	s6 =	simm.s32 $0x0;
	s20 =	sshll.u32 s4, $0x1;
	s4 =	sadd.s32 s21, s2  }
0x9d: {  	[timem:s6], [sflag:s22] =	dma.local [hbm:s4], s20  }
0x9e: {  	_ =	swait.ge [sflag:s22], s20  }
0x9f: {  	s3 =	ssub.s32 $0x0, s20;
	[sflag:s22] =	ssyncset.done $0x0  }
0xa0: {  	[sflag:s22] =	ssyncadd.s32 s3;
	_ =	sdelay $0x1  }
0xa1: {  	s23 =	simm.s32 $0x1B8B  }
0xa2: {  	_ =	swait.ge [sflag:s23], $0x1  }
0xa3: {  	[sflag:s23] =	ssyncset.done $0x0  }
0xa4: {  	s25 =	simm.s32 $0x1B8E;
	s24 =	sld [smem:$0x3FFE];
	[sflag:s23] =	ssyncadd.s32 $0xFFFFFFFF  }
0xa5: {  	s26 =	simm.s32 $execute0_lowered;
	[smem:$0x3FD2] =	sst s25  }
0xa6: {  	s4 =	sshll.u32 s26, $0x1;
	_ =	strace $0x8000004C;
	[dreg:$0x1] =	wrdreg $0xFFFFFFFF  }
0xa7: {  	s28 =	simm.s32 $_size_execute0_lowered;
	s2 =	sadd.s32 s2, s4;
	[dreg:$0x0] =	wrdreg $0x0  }
0xa8: {  	s4 =	sshll.u32 s28, $0x1;
	[dreg:$0x2] =	wrdreg s2  }
0xa9: {  	[dreg:$0x3] =	wrdreg s4  }
0xaa: {  	[dreg:$0x4] =	wrdreg $0xC0  }
0xab: {  	_ =	task [dreg:s6], $0x5FFFF  }
0xac: {  	[dreg:$0x1] =	wrdreg $0xFFFFFFFF  }
0xad: {  	[dreg:$0x0] =	wrdreg $0x60  }
0xae: {  	[dreg:$0x2] =	wrdreg s24  }
0xaf: {  	[dreg:$0x3] =	wrdreg $0xA0000  }
0xb0: {  	[dreg:$0x4] =	wrdreg $0xA  }
0xb1: {  	_ =	task.clear_ibuf [dreg:s6], $0x5FFFF;
	_ =	strace $0x9000004C  }
0xb2: {  	s29 =	simm.s32 $0xA;
	_ =	strace $0x8000004E  }
0xb3: {  	_ =	swait.ge [sflag:s29], $0x1  }
0xb4: {  	[sflag:s29] =	ssyncadd.s32 $0xFFFFFFFF  }
0xb5: {  	_ =	strace $0x9000004E  }
0xb6: {  	_ =	sfence  }
0xb7: {  	s30 =	sld [smem:$0x0];
	_ =	sdelay $0x2  }
0xb8: {  	s31 =	sshll.u32 s1, $0xD;
	s1 =	sshrl.u32 s1, $0x2  }
0xb9: {  	s3 =	sand.u32 $0x4000, s31;
	s1 =	sadd.s32 s1, s30  }
0xba: {  	s0 =	sor.u32 s3, s0;
	s1 =	sshll.u32 s1, $0x11  }
0xbb: {  	s0 =	sor.u32 s1, s0  }
0xbc: {  	s0 =	sadd.s32 $0x8F2B, s0  }
0xbd: {  	[sflag:s0] =	ssyncadd.remote.s32 $0x1  }
0xbe: {  	_ =	sfence.sel $0xFFFF  }
0xbf: {  	[dreg:$0x0] =	wrdreg $0xFFFFFFFF;
	(pc) =	sbr.abs _section_cstart, $3  }
0xc0: {  	[dreg:$0x1] =	wrdreg $0xFFFFFFFF  }
0xc1: {  	_ =	task.clear_ibuf [dreg:s6], $0x2FFFF;
	_ =	strace $0x9FFFFFFF  }
0xc2: {  	(tm) =	ssettm $0x7FFFFFFF  }
0xc3: {  	_ =	shalt  }
tec
execute0_lowered:
.L_overlay_start_1:
0x0: {  	(tag) =	ssettag $0x1  }
0x1: {  	s6 =	rddreg [dreg:$0x0]  }
0x2: {  	s1 =	rddreg [dreg:$0x1];
	s2 =	srdreg.scid  }
0x3: {  	s0 =	rddreg [dreg:$0x2];
	s3 =	simm.s32 $0x0;
	s15 =	simm.s32 $0x2000  }
0x4: {  	s16 =	simm.s32 $0x80;
	s17 =	simm.s32 $0x6000;
	s18 =	simm.s32 $0x1  }
0x5: {  	s19 =	simm.s32 $0x2;
	s20 =	simm.s32 $0x0;
	s7 =	sand.u32 $0x1, s2  }
0x6: {  	s2 =	stileid.u32;
	[smem:$0x7FF] =	sst s3;
	s4 =	sshll.u32 s7, $0x4  }
0x7: {  	_ =	strace $0x8000004D;
	s10 =	sshll.u32 s2, $0xD;
	s11 =	ssub.s32 $0x2, s7  }
0x8: {  	s12 =	sshll.u32 s7, $0x11;
	s31 =	sshll.u32 s2, $0x10;
	s13 =	sshll.u32 s2, $0x6  }
0x9: {  	s5 =	sor.u32 s2, s4;
	s4 =	sadd.s32 $0x12000, s6;
	s10 =	sadd.s32 s10, s6  }
0xa: {  	s30 =	sshrl.u32 s11, $0x1;
	s14 =	sadd.s32 s31, s1;
	s13 =	sor.u32 $0x1C03, s13  }
0xb: {  	s8 =	sshll.u32 s5, $0x9;
	s5 =	sshll.u32 s5, $0x10;
	s11 =	ssub.s32 s11, s30  }
0xc: {  	s10 =	sadd.s32 s12, s10;
	s12 =	simm.s32 $0x1000;
	s14 =	sshrl.u32 s14, $0x3  }
0xd: {  	s8 =	sadd.s32 s8, s6;
	s9 =	sadd.s32 s5, s6;
	s5 =	sadd.s32 $0x32000, s6  }
0xe: {  	s6 =	sadd.s32 $0xE000, s8;
	s7 =	sadd.s32 $0xA000, s8;
	s8 =	sadd.s32 $0x612000, s9  }
0xf: {  	s9 =	sadd.s32 $0x34000, s10;
	s10 =	smax.u32 s11, $0x1;
	s11 =	simm.s32 $0x3  }
.LBB2_1:
0x10: {  	[tilespmem:s3], [sflag:$0x3] =	stream.linear.gather [hbm4b:s6+s3], $0x1000, $0x38;
	[tilespmem:$0x1A000] =	vst v63  }
0x11: {  	_ =	swait.ge [sflag:s11], $0x1000  }
0x12: {  	[sflag:s11] =	ssyncset.done $0x0  }
0x13: {  	[sflag:s11] =	ssyncadd.s32 $0xFFFFF000  }
0x14: {  	[tilespmem:s12], [sflag:$0x3] =	stream.linear.gather [hbm4b:s7+s3], $0x1000, $0x38;
	[tilespmem:$0x1A000] =	vst v63  }
0x15: {  	_ =	swait.ge [sflag:s11], $0x1000  }
0x16: {  	[sflag:s11] =	ssyncset.done $0x0  }
0x17: {  	[sflag:s11] =	ssyncadd.s32 $0xFFFFF000  }
0x18: {  	[spmem:s14], [sflag:s13] =	dma.local [hbm:s5], $0x2000  }
0x19: {  	_ =	swait.ge [sflag:s11], $0x2000  }
0x1a: {  	[sflag:s11] =	ssyncset.done $0x0  }
0x1b: {  	[sflag:s11] =	ssyncadd.s32 $0xFFFFE000  }
0x1c: {  	s21 =	simm.s32 $0x0;
	[bflag:$0x0] =	sbarrier.arrive $0xFFFF  }
.LBB2_2:
0x1d: {  	s22 =	sshll.u32 s21, $0xB  }
0x1e: {  	s23 =	simm.s32 $0x0;
	s22 =	sadd.s32 s22, s8  }
0x1f: {  	[tilespmem:s15], [sflag:$0x1] =	stream.linear.gather [hbm4b:s22+s23], $0x4000, $0x38;
	[tilespmem:$0x1A000] =	vst v63  }
0x20: {  	s22 =	sshll.u32 s21, $0x7  }
0x21: {  	[tilespmem:s17], [sflag:$0x2] =	stream.indirect.gather [hbm4b:s4+s16], $0x80, s22, s16, $0xb8;
	[tilespmem:$0x1A000] =	vst v63  }
0x22: {  	_ =	swait.ge [sflag:s18], $0x4000  }
0x23: {  	[sflag:s18] =	ssyncset.done $0x0  }
0x24: {  	[sflag:s18] =	ssyncadd.s32 $0xFFFFC000  }
0x25: {  	_ =	swait.ge [sflag:s19], $0x4000  }
0x26: {  	[sflag:s19] =	ssyncset.done $0x0  }
0x27: {  	s23 =	simm.s32 $0x0;
	[sflag:s19] =	ssyncadd.s32 $0xFFFFC000  }
0x28: {  	v6 =	vld [tilespmem:s23+$0x2000]  }
0x29: {  	v11 =	vld [tilespmem:s23+$0x2010]  }
0x2a: {  	v5 =	vld [tilespmem:s23+$0x2020]  }
0x2b: {  	v4 =	vld [tilespmem:s23+$0x2030]  }
0x2c: {  	v3 =	vld [tilespmem:s23+$0x2040]  }
0x2d: {  	v2 =	vld [tilespmem:s23+$0x2050]  }
0x2e: {  	v1 =	vld [tilespmem:s23+$0x2060]  }
0x2f: {  	v0 =	vld [tilespmem:s23+$0x2070]  }
0x30: {  	v12 =	vld [tilespmem:s23+$0x6000]  }
0x31: {  	v13 =	vld [tilespmem:s23+$0x6010]  }
0x32: {  	v10 =	vld [tilespmem:s23+$0x6020]  }
0x33: {  	v9 =	vld [tilespmem:s23+$0x6030]  }
0x34: {  	v8 =	vld [tilespmem:s23+$0x6040]  }
0x35: {  	v7 =	vld [tilespmem:s23+$0x6050];
	v12 =	vadd.f32 v6, v12  }
0x36: {  	s24 =	simm.s32 $0x200;
	v11 =	vadd.f32 v11, v13;
	v6 =	vld [tilespmem:s23+$0x6060]  }
.LBB2_3:
0x37: {  	s25 =	sshra.s32 s24, $0x2;
	p0 =	sne.s32 s24, $0xFE00;
	v12 =	vmax.f32 v12, $0.0e+00;
	v5 =	vadd.f32 v5, v10;
	v10 =	vld [tilespmem:s23+$0x6070]  }
0x38: {  	v13 =	vld [tilespmem:s25+$0x2000];
	[tilespmem:s23+$0x6000] =	vst v12;
	v11 =	vmax.f32 v11, $0.0e+00;
	v4 =	vadd.f32 v4, v9  }
0x39: {  	v14 =	vld [tilespmem:s25+$0x2010];
	[tilespmem:s23+$0x6010] =	vst v11;
	v9 =	vmax.f32 v5, $0.0e+00;
	v3 =	vadd.f32 v3, v8  }
0x3a: {  	v5 =	vld [tilespmem:s25+$0x2020];
	[tilespmem:s23+$0x6020] =	vst v9;
	v8 =	vmax.f32 v4, $0.0e+00;
	v2 =	vadd.f32 v2, v7  }
0x3b: {  	v4 =	vld [tilespmem:s25+$0x2030];
	[tilespmem:s23+$0x6030] =	vst v8;
	v7 =	vmax.f32 v3, $0.0e+00;
	v1 =	vadd.f32 v1, v6  }
0x3c: {  	v3 =	vld [tilespmem:s25+$0x2040];
	[tilespmem:s23+$0x6040] =	vst v7;
	v6 =	vmax.f32 v2, $0.0e+00;
	v0 =	vadd.f32 v0, v10  }
0x3d: {  	v2 =	vld [tilespmem:s25+$0x2050];
	[tilespmem:s23+$0x6050] =	vst v6;
	v6 =	vmax.f32 v1, $0.0e+00  }
0x3e: {  	v1 =	vld [tilespmem:s25+$0x2060];
	[tilespmem:s23+$0x6060] =	vst v6;
	v6 =	vmax.f32 v0, $0.0e+00  }
0x3f: {  	v0 =	vld [tilespmem:s25+$0x2070];
	[tilespmem:s23+$0x6070] =	vst v6;
	s23 =	smov.u32 s25  }
0x40: {  	v6 =	vld [tilespmem:s23+$0x6000]  }
0x41: {  	v11 =	vld [tilespmem:s23+$0x6010]  }
.Ltmp0:
0x42: {  	v10 =	vld [tilespmem:s23+$0x6020];
	(pc) =	sbr.rel @p0 .LBB2_3-.Ltmp0, $4  }
0x43: {  	v9 =	vld [tilespmem:s23+$0x6030]  }
0x44: {  	v8 =	vld [tilespmem:s23+$0x6040]  }
0x45: {  	v12 =	vadd.f32 v13, v6;
	v7 =	vld [tilespmem:s23+$0x6050]  }
0x46: {  	s24 =	sadd.s32 $0x200, s24;
	v11 =	vadd.f32 v14, v11;
	v6 =	vld [tilespmem:s23+$0x6060]  }
0x47: {  	v12 =	vmax.f32 v12, $0.0e+00;
	v5 =	vadd.f32 v5, v10;
	v63 =	vld [tilespmem:s23+$0x6070]  }
0x48: {  	[tilespmem:s23+$0x6000] =	vst v12;
	v11 =	vmax.f32 v11, $0.0e+00;
	v4 =	vadd.f32 v4, v9  }
0x49: {  	[tilespmem:s23+$0x6010] =	vst v11;
	v5 =	vmax.f32 v5, $0.0e+00;
	v3 =	vadd.f32 v3, v8  }
0x4a: {  	[tilespmem:s23+$0x6020] =	vst v5;
	v4 =	vmax.f32 v4, $0.0e+00;
	v2 =	vadd.f32 v2, v7  }
0x4b: {  	[tilespmem:s23+$0x6030] =	vst v4;
	v3 =	vmax.f32 v3, $0.0e+00;
	v1 =	vadd.f32 v1, v6  }
0x4c: {  	[tilespmem:s23+$0x6040] =	vst v3;
	v2 =	vmax.f32 v2, $0.0e+00;
	v0 =	vadd.f32 v0, v63  }
0x4d: {  	s21 =	sadd.s32 $0x1, s21;
	[tilespmem:s23+$0x6050] =	vst v2;
	v1 =	vmax.f32 v1, $0.0e+00  }
0x4e: {  	p0 =	sne.s32 s21, $0x20;
	[tilespmem:s23+$0x6060] =	vst v1;
	v0 =	vmax.f32 v0, $0.0e+00  }
.Ltmp1:
0x4f: {  	s22 =	sadd.s32 $0x1000, s22;
	[tilespmem:s23+$0x6070] =	vst v0;
	(pc) =	sbr.rel @p0 .LBB2_2-.Ltmp1, $4  }
0x50: {  	[spmem:s1] =	stream.indirect.scatter.add.f32 [tilespmem:s17], [sflag:$0x3], $0x80, s22, s16, $0xb8;
	[tilespmem:$0x1A000] =	vst v63  }
0x51: {  	_ =	swait.ge [sflag:s11], $0x4000  }
0x52: {  	[sflag:s11] =	ssyncset.done $0x0  }
0x53: {  	[sflag:s11] =	ssyncadd.s32 $0xFFFFC000  }
0x54: {  	s20 =	sadd.s32 $0x1, s20  }
0x55: {  	p0 =	sne.s32 s20, s10  }
.Ltmp2:
0x56: {  	[bflag:$0x0] =	sbarrier.arrive $0xFFFF;
	(pc) =	sbr.rel @p0 .LBB2_1-.Ltmp2, $4  }
0x57: {  	[hbm:s9], [sflag:s13] =	dma.local [spmem:s14], $0x2000  }
0x58: {  	_ =	swait.ge [sflag:s11], $0x2000  }
0x59: {  	[sflag:s11] =	ssyncset.done $0x0  }
0x5a: {  	[sflag:s11] =	ssyncadd.s32 $0xFFFFE000  }
0x5b: {  	_ =	sfence.sel $0x180000  }
0x5c: {  	[bflag:$0x0] =	sbarrier.arrive $0xFFFF  }
0x5d: {  	p0 =	sne.s32 s2, $0x0;
	_ =	strace $0x9000004D  }
0x5e: {  	s0 =	sadd.s32 @!p0 $0x100000, s0;
	[bflag:$0x2] =	sbarrier.arrive $0xFFFF  }
0x5f: {  	[sflag:s0] =	ssyncadd.tile.s32 @!p0 $0x1;
	_ =	shalt  }
.Lfunc_end2:
_tile_overlayer_lowered:
.L_overlay_start_2:
0x60: {  	(tag) =	ssettag $0x2  }
0x61: {  	s0 =	rddreg [dreg:$0x0];
	s2 =	stileid.u32  }
0x62: {  	s1 =	rddreg [dreg:$0x1];
	p0 =	sne.s32 s2, $0x0  }
0x63: {  	s3 =	rddreg [dreg:$0x2];
	[bflag:$0x3] =	sbarrier.arrive $0xFFFF;
	s2 =	simm.s32 @!p0 $0x1C03  }
0x64: {  	[timem:s3], [sflag:s2] =	dma.local @!p0 [hbm:s0], s1  }
0x65: {  	s0 =	simm.s32 @!p0 $0x3  }
0x66: {  	_ =	swait.ge @!p0 [sflag:s0], s1  }
0x67: {  	s1 =	ssub.s32 @!p0 $0x0, s1;
	[sflag:s0] =	ssyncset.done @!p0 $0x0  }
0x68: {  	[sflag:s0] =	ssyncadd.s32 @!p0 s1  }
0x69: {  	[bflag:$0x3] =	sbarrier.arrive $0xFFFF  }
0x6a: {  	_ =	shalt  }

// kernel: kernel.29.cloned.1.call-start
scs
__scs_entry_jumppad:
0x0: {  	(pc) =	sbr.rel $0x88, $3  }
0x1: {  	(tag) =	ssettag $0x0;
	lr =	simm.s32 $0x1  }
0x2: {  	[smem:$0x3F68] =	sst lr;
	_ =	strace $0xD0000000  }
0x3: {  	_ = 	snop  }
0x4: {  	_ = 	snop  }
0x5: {  	_ = 	snop  }
0x6: {  	_ = 	snop  }
0x7: {  	_ = 	snop  }
__scs_overlays_trampoline_lowered:
0x8: {  	[smem:$0x3F77] =	sst s0  }
0x9: {  	[smem:$0x3F78] =	sst s1  }
0xa: {  	[smem:$0x3F79] =	sst s2  }
0xb: {  	[smem:$0x3F7A] =	sst s3  }
0xc: {  	[smem:$0x3F7B] =	sst s4  }
0xd: {  	[smem:$0x3F7C] =	sst s5  }
0xe: {  	[smem:$0x3F7D] =	sst s6  }
0xf: {  	[smem:$0x3F7E] =	sst s7  }
0x10: {  	[smem:$0x3F7F] =	sst s8  }
0x11: {  	[smem:$0x3F80] =	sst s9;
	s0 =	simm.s32 @!p0 $0x0  }
0x12: {  	s1 =	sld [smem:$0x3F66];
	s0 =	simm.s32 @p0 $0x1  }
0x13: {  	[smem:$0x3F81] =	sst s0;
	s0 =	simm.s32 @!p1 $0x0  }
0x14: {  	s2 =	sld [smem:$0x3F65];
	s0 =	simm.s32 @p1 $0x1  }
0x15: {  	[smem:$0x3F82] =	sst s0;
	s0 =	simm.s32 @!p2 $0x0  }
0x16: {  	s3 =	sld [smem:$0x3FDB];
	s0 =	simm.s32 @p2 $0x1  }
0x17: {  	s4 =	simm.s32 $0x1BF5;
	[smem:$0x3F84] =	sst s0  }
0x18: {  	s0 =	sld [smem:$0x3F67];
	_ =	swait.ge [sflag:s4], $0x0  }
0x19: {  	s7 =	sld [smem:$0x3F68]  }
0x1a: {  	s8 =	sadd.s32 $0xFFFFE003, lr  }
0x1b: {  	s9 =	sadd.s32 $0xFFFFFEF7, lr;
	s5 =	simm.s32 $0xFFFFFFFF;
	p2 =	slt.u32 s8, $0xFFFFF086  }
0x1c: {  	p1 =	slt.u32 s9, $0xF7A;
	s5 =	simm.s32 @!p2 $0x0  }
0x1d: {  	s5 =	simm.s32 @p1 $0x1;
	p0 =	seq.s32 s7, s2  }
0x1e: {  	s7 =	smul.u32 @!p0 $0xF7A, s2;
	p2 =	seq.s32 @!p0 s5, $0x0  }
0x1f: {  	s9 =	smul.u32 $0xF7A, s1;
	s8 =	simm.s32 @!p0 $0x1BF5;
	p2 =	por !p2, p0  }
0x20: {  	[sflag:s8] =	ssyncset.s32 @!p0 $0xFFFFF086;
	s6 =	sadd.s32 @!p0 s3, s7;
	s7 =	simm.s32 @!p0 $0x108  }
0x21: {  	s3 =	sadd.s32 s3, s9;
	s6 =	sadd.s32 @!p0 $0x88, s6;
	s7 =	simm.s32 @p2 $0x1082  }
0x22: {  	[simem:s7], [sflag:s8] =	dma.local @!p0 [hbm:s6], $0xF7A  }
0x23: {  	s9 =	sor.u32 $0xD0000000, s2;
	s6 =	simm.s32 $0x108;
	_ =	swait.ge @!p0 [sflag:s8], $0x0  }
0x24: {  	s3 =	sadd.s32 $0x88, s3;
	s6 =	simm.s32 @!p1 $0x1082;
	[sflag:s4] =	ssyncset.s32 $0xFFFFF086  }
0x25: {  	[simem:s6], [sflag:s4] =	dma.local [hbm:s3], $0xF7A  }
0x26: {  	[smem:$0x3F68] =	sst s1;
	(tag) =	ssettag s2;
	_ =	strace s9  }
0x27: {  	s1 =	sld [smem:$0x3F78]  }
0x28: {  	s2 =	sld [smem:$0x3F79]  }
0x29: {  	s4 =	sld [smem:$0x3F7B]  }
0x2a: {  	p0 =	seq.s32 s5, $0x0;
	s5 =	sld [smem:$0x3F7C]  }
0x2b: {  	s6 =	sld [smem:$0x3F7D]  }
0x2c: {  	s7 =	sld [smem:$0x3F7E]  }
0x2d: {  	s3 =	simm.s32 $0x108;
	s8 =	sld [smem:$0x3F7F]  }
0x2e: {  	s3 =	simm.s32 @!p0 $0x1082;
	s9 =	sld [smem:$0x3F80]  }
0x2f: {  	lr =	sadd.s32 s0, s3;
	s0 =	sld [smem:$0x3F77]  }
0x30: {  	s3 =	sld [smem:$0x3F7A]  }
0x31: {  	[smem:$0x3F83] =	sst s10  }
0x32: {  	s10 =	sld [smem:$0x3F81];
	_ =	sdelay $0x3  }
0x33: {  	p0 =	seq.s32 s10, $0x1;
	s10 =	sld [smem:$0x3F83];
	_ =	sdelay $0x3  }
0x34: {  	[smem:$0x3F83] =	sst s10  }
0x35: {  	s10 =	sld [smem:$0x3F82];
	_ =	sdelay $0x3  }
0x36: {  	p1 =	seq.s32 s10, $0x1;
	s10 =	sld [smem:$0x3F83];
	_ =	sdelay $0x3  }
0x37: {  	[smem:$0x3F83] =	sst s10  }
0x38: {  	s10 =	sld [smem:$0x3F84]  }
0x39: {  	_ = 	snop;
	(pc) =	sbr.ind lr, $3  }
0x3a: {  	_ = 	snop  }
0x3b: {  	_ = 	snop  }
0x3c: {  	p2 =	seq.s32 s10, $0x1;
	s10 =	sld [smem:$0x3F83]  }
0x3d: {  	_ =	shalt  }
0x3e: {  	_ =	shalt  }
0x3f: {  	_ =	shalt  }
0x40: {  	_ =	shalt  }
0x41: {  	_ =	shalt  }
0x42: {  	_ =	shalt  }
0x43: {  	_ =	shalt  }
0x44: {  	_ =	shalt  }
0x45: {  	_ =	shalt  }
0x46: {  	_ =	shalt  }
0x47: {  	_ =	shalt  }
0x48: {  	_ =	shalt  }
0x49: {  	_ =	shalt  }
0x4a: {  	_ =	shalt  }
0x4b: {  	_ =	shalt  }
0x4c: {  	_ =	shalt  }
0x4d: {  	_ =	shalt  }
0x4e: {  	_ =	shalt  }
0x4f: {  	_ =	shalt  }
0x50: {  	_ =	shalt  }
0x51: {  	_ =	shalt  }
0x52: {  	_ =	shalt  }
0x53: {  	_ =	shalt  }
0x54: {  	_ =	shalt  }
0x55: {  	_ =	shalt  }
0x56: {  	_ =	shalt  }
0x57: {  	_ =	shalt  }
0x58: {  	_ =	shalt  }
0x59: {  	_ =	shalt  }
0x5a: {  	_ =	shalt  }
0x5b: {  	_ =	shalt  }
0x5c: {  	_ =	shalt  }
0x5d: {  	_ =	shalt  }
0x5e: {  	_ =	shalt  }
0x5f: {  	_ =	shalt  }
0x60: {  	_ =	shalt  }
0x61: {  	_ =	shalt  }
0x62: {  	_ =	shalt  }
0x63: {  	_ =	shalt  }
0x64: {  	_ =	shalt  }
0x65: {  	_ =	shalt  }
0x66: {  	_ =	shalt  }
0x67: {  	_ =	shalt  }
0x68: {  	_ =	shalt  }
0x69: {  	_ =	shalt  }
0x6a: {  	_ =	shalt  }
0x6b: {  	_ =	shalt  }
0x6c: {  	_ =	shalt  }
0x6d: {  	_ =	shalt  }
0x6e: {  	_ =	shalt  }
0x6f: {  	_ =	shalt  }
0x70: {  	_ =	shalt  }
0x71: {  	_ =	shalt  }
0x72: {  	_ =	shalt  }
0x73: {  	_ =	shalt  }
0x74: {  	_ =	shalt  }
0x75: {  	_ =	shalt  }
0x76: {  	_ =	shalt  }
0x77: {  	_ =	shalt  }
0x78: {  	_ =	shalt  }
0x79: {  	_ =	shalt  }
0x7a: {  	_ =	shalt  }
0x7b: {  	_ =	shalt  }
0x7c: {  	_ =	shalt  }
0x7d: {  	_ =	shalt  }
0x7e: {  	_ =	shalt  }
0x7f: {  	_ =	shalt  }
0x80: {  	_ =	shalt  }
0x81: {  	_ =	shalt  }
0x82: {  	_ =	shalt  }
0x83: {  	_ =	shalt  }
0x84: {  	_ =	shalt  }
0x85: {  	_ =	shalt  }
0x86: {  	_ =	shalt  }
0x87: {  	_ =	shalt  }
.Lfunc_end0:
.L_simem_size_0:
called_computation.4_lowered:
.L_overlay_start_0:
0x88: {  	s2 =	sld [smem:$0x3FD9]  }
0x89: {  	s3 =	sld [smem:$0x3FFE];
	_ =	sdelay $0x1  }
0x8a: {  	s1 =	srdreg.scid  }
0x8b: {  	s0 =	sand.u32 $0x1, s1  }
0x8c: {  	s17 =	sshll.u32 s0, $0xA;
	s2 =	sadd.s32 s3, s2  }
0x8d: {  	s2 =	sadd.s32 s2, s17  }
0x8e: {  	[smem:$0x3F8F] =	sst s2  }
0x8f: {  	_ = 	snop  }
0x90: {  	(tm) =	ssettm $0x1  }
0x91: {  	s18 =	sld [smem:$0x3FFB];
	_ =	sdelay $0x3  }
0x92: {  	_ =	strace s18  }
0x93: {  	s2 =	sld [smem:$0x3FFC];
	_ =	sdelay $0x3  }
0x94: {  	_ =	strace s2  }
0x95: {  	s2 =	sld [smem:$0x3FFD];
	_ =	sdelay $0x3  }
0x96: {  	_ =	strace s2  }
0x97: {  	_ =	strace $0x8FFFFFFF  }
0x98: {  	s19 =	sld [smem:$0x3FDB];
	_ =	sdelay $0x1  }
0x99: {  	s20 =	simm.s32 $_scs_section_size  }
0x9a: {  	s4 =	simm.s32 $_size__tile_overlayer_lowered;
	s5 =	simm.s32 $_tile_overlayer_lowered  }
0x9b: {  	s6 =	simm.s32 $0x1BFF;
	s21 =	sshll.u32 s5, $0x1;
	s3 =	sadd.s32 s20, s19  }
0x9c: {  	s22 =	simm.s32 $0x0;
	s4 =	sshll.u32 s4, $0x1;
	s5 =	sadd.s32 s21, s3  }
0x9d: {  	[timem:s22], [sflag:s6] =	dma.local [hbm:s5], s4  }
0x9e: {  	_ =	swait.ge [sflag:s6], s4  }
0x9f: {  	s4 =	ssub.s32 $0x0, s4;
	[sflag:s6] =	ssyncset.done $0x0  }
0xa0: {  	[sflag:s6] =	ssyncadd.s32 s4;
	_ =	sdelay $0x1  }
0xa1: {  	s23 =	simm.s32 $0x1B8B  }
0xa2: {  	_ =	swait.ge [sflag:s23], $0x1  }
0xa3: {  	[sflag:s23] =	ssyncset.done $0x0  }
0xa4: {  	[sflag:s23] =	ssyncadd.s32 $0xFFFFFFFF  }
0xa5: {  	s4 =	sld [smem:$0x0]  }
0xa6: {  	s5 =	sand.u32 $0xFFFFFFFE, s1  }
0xa7: {  	p0 =	sne.s32 s1, s5  }
0xa8: {  	s5 =	sshll.u32 @p0 s5, $0xE  }
0xa9: {  	s5 =	sadd.s32 @p0 $0x11B8D, s5;
	s6 =	sshll.u32 @p0 s4, $0x11  }
0xaa: {  	s5 =	sor.u32 @p0 s6, s5  }
0xab: {  	[sflag:s5] =	ssyncadd.remote.s32 @p0 $0x1;
	_ =	sdelay $0x1  }
0xac: {  	s5 =	simm.s32 @p0 $0x1B8D  }
0xad: {  	_ =	swait.eq @p0 [sflag:s5], $0x1  }
0xae: {  	[sflag:s5] =	ssyncadd.s32 @p0 $0xFFFFFFFF  }
0xaf: {  	s6 =	sshll.u32 @!p0 s1, $0xE  }
0xb0: {  	s6 =	sor.u32 @!p0 $0x4000, s6;
	s5 =	simm.s32 @!p0 $0x1B8D  }
0xb1: {  	s4 =	sshll.u32 @!p0 s4, $0x11;
	s6 =	sadd.s32 @!p0 $0x11B8D, s6;
	_ =	swait.eq @!p0 [sflag:s5], $0x1  }
0xb2: {  	s4 =	sor.u32 @!p0 s4, s6;
	[sflag:s5] =	ssyncadd.s32 @!p0 $0xFFFFFFFF  }
0xb3: {  	s25 =	simm.s32 $0x1B8E;
	s24 =	sld [smem:$0x3FFE];
	[sflag:s4] =	ssyncadd.remote.s32 @!p0 $0x1  }
0xb4: {  	s26 =	simm.s32 $execute0_lowered;
	[smem:$0x3FD2] =	sst s25  }
0xb5: {  	s5 =	sshll.u32 s26, $0x1;
	_ =	strace $0x80000052;
	[dreg:$0x1] =	wrdreg $0xFFFFFFFF  }
0xb6: {  	s28 =	simm.s32 $_size_execute0_lowered;
	s3 =	sadd.s32 s3, s5;
	[dreg:$0x0] =	wrdreg $0x0  }
0xb7: {  	s5 =	sshll.u32 s28, $0x1;
	[dreg:$0x2] =	wrdreg s3  }
0xb8: {  	[dreg:$0x3] =	wrdreg s5  }
0xb9: {  	[dreg:$0x4] =	wrdreg $0xC0  }
0xba: {  	_ =	task [dreg:s22], $0x5FFFF  }
0xbb: {  	[dreg:$0x1] =	wrdreg $0xFFFFFFFF  }
0xbc: {  	[dreg:$0x0] =	wrdreg $0x60  }
0xbd: {  	[dreg:$0x2] =	wrdreg s24  }
0xbe: {  	[dreg:$0x3] =	wrdreg $0xA0000  }
0xbf: {  	[dreg:$0x4] =	wrdreg $0xA  }
0xc0: {  	_ =	task.clear_ibuf [dreg:s22], $0x5FFFF;
	_ =	strace $0x90000052  }
0xc1: {  	s29 =	simm.s32 $0xA;
	_ =	strace $0x80000054  }
0xc2: {  	_ =	swait.ge [sflag:s29], $0x1  }
0xc3: {  	[sflag:s29] =	ssyncadd.s32 $0xFFFFFFFF  }
0xc4: {  	_ =	strace $0x90000054  }
0xc5: {  	_ =	sfence  }
0xc6: {  	s30 =	sld [smem:$0x0];
	_ =	sdelay $0x2  }
0xc7: {  	s31 =	sshll.u32 s1, $0xD;
	s1 =	sshrl.u32 s1, $0x2  }
0xc8: {  	s4 =	sand.u32 $0x4000, s31;
	s1 =	sadd.s32 s1, s30  }
0xc9: {  	s0 =	sor.u32 s4, s0;
	s1 =	sshll.u32 s1, $0x11  }
0xca: {  	s0 =	sor.u32 s1, s0  }
0xcb: {  	s0 =	sadd.s32 $0x8F2B, s0  }
0xcc: {  	[sflag:s0] =	ssyncadd.remote.s32 $0x1  }
0xcd: {  	_ =	sfence.sel $0xFFFF  }
0xce: {  	[dreg:$0x0] =	wrdreg $0xFFFFFFFF;
	(pc) =	sbr.abs _section_cstart, $3  }
0xcf: {  	[dreg:$0x1] =	wrdreg $0xFFFFFFFF  }
0xd0: {  	_ =	task.clear_ibuf [dreg:s22], $0x2FFFF;
	_ =	strace $0x9FFFFFFF  }
0xd1: {  	(tm) =	ssettm $0x7FFFFFFF  }
tec
execute0_lowered:
.L_overlay_start_1:
0x0: {  	(tag) =	ssettag $0x1  }
0x1: {  	s6 =	rddreg [dreg:$0x0]  }
0x2: {  	s1 =	rddreg [dreg:$0x1];
	s2 =	srdreg.scid  }
0x3: {  	s0 =	rddreg [dreg:$0x2];
	s3 =	simm.s32 $0x0;
	s15 =	simm.s32 $0x2000  }
0x4: {  	s16 =	simm.s32 $0x80;
	s17 =	simm.s32 $0x6000;
	s18 =	simm.s32 $0x1  }
0x5: {  	s19 =	simm.s32 $0x2;
	s20 =	simm.s32 $0x0;
	s7 =	sand.u32 $0x1, s2  }
0x6: {  	s2 =	stileid.u32;
	[smem:$0x7FF] =	sst s3;
	s4 =	sshll.u32 s7, $0x4  }
0x7: {  	_ =	strace $0x80000053;
	s10 =	sshll.u32 s2, $0xD;
	s11 =	ssub.s32 $0x2, s7  }
0x8: {  	s12 =	sshll.u32 s7, $0x11;
	s31 =	sshll.u32 s2, $0x10;
	s13 =	sshll.u32 s2, $0x6  }
0x9: {  	s5 =	sor.u32 s2, s4;
	s4 =	sadd.s32 $0x12000, s6;
	s10 =	sadd.s32 s10, s6  }
0xa: {  	s30 =	sshrl.u32 s11, $0x1;
	s14 =	sadd.s32 s31, s1;
	s13 =	sor.u32 $0x1C03, s13  }
0xb: {  	s8 =	sshll.u32 s5, $0x9;
	s5 =	sshll.u32 s5, $0x10;
	s11 =	ssub.s32 s11, s30  }
0xc: {  	s10 =	sadd.s32 s12, s10;
	s12 =	simm.s32 $0x1000;
	s14 =	sshrl.u32 s14, $0x3  }
0xd: {  	s8 =	sadd.s32 s8, s6;
	s9 =	sadd.s32 s5, s6;
	s5 =	sadd.s32 $0x32000, s6  }
0xe: {  	s6 =	sadd.s32 $0xE000, s8;
	s7 =	sadd.s32 $0xA000, s8;
	s8 =	sadd.s32 $0x812000, s9  }
0xf: {  	s9 =	sadd.s32 $0x34000, s10;
	s10 =	smax.u32 s11, $0x1;
	s11 =	simm.s32 $0x3  }
.LBB2_1:
0x10: {  	[tilespmem:s3], [sflag:$0x3] =	stream.linear.gather [hbm4b:s6+s3], $0x1000, $0x38;
	[tilespmem:$0x1A000] =	vst v63  }
0x11: {  	_ =	swait.ge [sflag:s11], $0x1000  }
0x12: {  	[sflag:s11] =	ssyncset.done $0x0  }
0x13: {  	[sflag:s11] =	ssyncadd.s32 $0xFFFFF000  }
0x14: {  	[tilespmem:s12], [sflag:$0x3] =	stream.linear.gather [hbm4b:s7+s3], $0x1000, $0x38;
	[tilespmem:$0x1A000] =	vst v63  }
0x15: {  	_ =	swait.ge [sflag:s11], $0x1000  }
0x16: {  	[sflag:s11] =	ssyncset.done $0x0  }
0x17: {  	[sflag:s11] =	ssyncadd.s32 $0xFFFFF000  }
0x18: {  	[spmem:s14], [sflag:s13] =	dma.local [hbm:s5], $0x2000  }
0x19: {  	_ =	swait.ge [sflag:s11], $0x2000  }
0x1a: {  	[sflag:s11] =	ssyncset.done $0x0  }
0x1b: {  	[sflag:s11] =	ssyncadd.s32 $0xFFFFE000  }
0x1c: {  	s21 =	simm.s32 $0x0;
	[bflag:$0x0] =	sbarrier.arrive $0xFFFF  }
.LBB2_2:
0x1d: {  	s22 =	sshll.u32 s21, $0xB  }
0x1e: {  	s23 =	simm.s32 $0x0;
	s22 =	sadd.s32 s22, s8  }
0x1f: {  	[tilespmem:s15], [sflag:$0x1] =	stream.linear.gather [hbm4b:s22+s23], $0x4000, $0x38;
	[tilespmem:$0x1A000] =	vst v63  }
0x20: {  	s22 =	sshll.u32 s21, $0x7  }
0x21: {  	[tilespmem:s17], [sflag:$0x2] =	stream.indirect.gather [hbm4b:s4+s16], $0x80, s22, s16, $0xb8;
	[tilespmem:$0x1A000] =	vst v63  }
0x22: {  	_ =	swait.ge [sflag:s18], $0x4000  }
0x23: {  	[sflag:s18] =	ssyncset.done $0x0  }
0x24: {  	[sflag:s18] =	ssyncadd.s32 $0xFFFFC000  }
0x25: {  	_ =	swait.ge [sflag:s19], $0x4000  }
0x26: {  	[sflag:s19] =	ssyncset.done $0x0  }
0x27: {  	s23 =	simm.s32 $0x0;
	[sflag:s19] =	ssyncadd.s32 $0xFFFFC000  }
0x28: {  	v6 =	vld [tilespmem:s23+$0x2000]  }
0x29: {  	v11 =	vld [tilespmem:s23+$0x2010]  }
0x2a: {  	v5 =	vld [tilespmem:s23+$0x2020]  }
0x2b: {  	v4 =	vld [tilespmem:s23+$0x2030]  }
0x2c: {  	v3 =	vld [tilespmem:s23+$0x2040]  }
0x2d: {  	v2 =	vld [tilespmem:s23+$0x2050]  }
0x2e: {  	v1 =	vld [tilespmem:s23+$0x2060]  }
0x2f: {  	v0 =	vld [tilespmem:s23+$0x2070]  }
0x30: {  	v12 =	vld [tilespmem:s23+$0x6000]  }
0x31: {  	v13 =	vld [tilespmem:s23+$0x6010]  }
0x32: {  	v10 =	vld [tilespmem:s23+$0x6020]  }
0x33: {  	v9 =	vld [tilespmem:s23+$0x6030]  }
0x34: {  	v8 =	vld [tilespmem:s23+$0x6040]  }
0x35: {  	v7 =	vld [tilespmem:s23+$0x6050];
	v12 =	vadd.f32 v6, v12  }
0x36: {  	s24 =	simm.s32 $0x200;
	v11 =	vadd.f32 v11, v13;
	v6 =	vld [tilespmem:s23+$0x6060]  }
.LBB2_3:
0x37: {  	s25 =	sshra.s32 s24, $0x2;
	p0 =	sne.s32 s24, $0xFE00;
	v12 =	vmax.f32 v12, $0.0e+00;
	v5 =	vadd.f32 v5, v10;
	v10 =	vld [tilespmem:s23+$0x6070]  }
0x38: {  	v13 =	vld [tilespmem:s25+$0x2000];
	[tilespmem:s23+$0x6000] =	vst v12;
	v11 =	vmax.f32 v11, $0.0e+00;
	v4 =	vadd.f32 v4, v9  }
0x39: {  	v14 =	vld [tilespmem:s25+$0x2010];
	[tilespmem:s23+$0x6010] =	vst v11;
	v9 =	vmax.f32 v5, $0.0e+00;
	v3 =	vadd.f32 v3, v8  }
0x3a: {  	v5 =	vld [tilespmem:s25+$0x2020];
	[tilespmem:s23+$0x6020] =	vst v9;
	v8 =	vmax.f32 v4, $0.0e+00;
	v2 =	vadd.f32 v2, v7  }
0x3b: {  	v4 =	vld [tilespmem:s25+$0x2030];
	[tilespmem:s23+$0x6030] =	vst v8;
	v7 =	vmax.f32 v3, $0.0e+00;
	v1 =	vadd.f32 v1, v6  }
0x3c: {  	v3 =	vld [tilespmem:s25+$0x2040];
	[tilespmem:s23+$0x6040] =	vst v7;
	v6 =	vmax.f32 v2, $0.0e+00;
	v0 =	vadd.f32 v0, v10  }
0x3d: {  	v2 =	vld [tilespmem:s25+$0x2050];
	[tilespmem:s23+$0x6050] =	vst v6;
	v6 =	vmax.f32 v1, $0.0e+00  }
0x3e: {  	v1 =	vld [tilespmem:s25+$0x2060];
	[tilespmem:s23+$0x6060] =	vst v6;
	v6 =	vmax.f32 v0, $0.0e+00  }
0x3f: {  	v0 =	vld [tilespmem:s25+$0x2070];
	[tilespmem:s23+$0x6070] =	vst v6;
	s23 =	smov.u32 s25  }
0x40: {  	v6 =	vld [tilespmem:s23+$0x6000]  }
0x41: {  	v11 =	vld [tilespmem:s23+$0x6010]  }
.Ltmp0:
0x42: {  	v10 =	vld [tilespmem:s23+$0x6020];
	(pc) =	sbr.rel @p0 .LBB2_3-.Ltmp0, $4  }
0x43: {  	v9 =	vld [tilespmem:s23+$0x6030]  }
0x44: {  	v8 =	vld [tilespmem:s23+$0x6040]  }
0x45: {  	v12 =	vadd.f32 v13, v6;
	v7 =	vld [tilespmem:s23+$0x6050]  }
0x46: {  	s24 =	sadd.s32 $0x200, s24;
	v11 =	vadd.f32 v14, v11;
	v6 =	vld [tilespmem:s23+$0x6060]  }
0x47: {  	v12 =	vmax.f32 v12, $0.0e+00;
	v5 =	vadd.f32 v5, v10;
	v63 =	vld [tilespmem:s23+$0x6070]  }
0x48: {  	[tilespmem:s23+$0x6000] =	vst v12;
	v11 =	vmax.f32 v11, $0.0e+00;
	v4 =	vadd.f32 v4, v9  }
0x49: {  	[tilespmem:s23+$0x6010] =	vst v11;
	v5 =	vmax.f32 v5, $0.0e+00;
	v3 =	vadd.f32 v3, v8  }
0x4a: {  	[tilespmem:s23+$0x6020] =	vst v5;
	v4 =	vmax.f32 v4, $0.0e+00;
	v2 =	vadd.f32 v2, v7  }
0x4b: {  	[tilespmem:s23+$0x6030] =	vst v4;
	v3 =	vmax.f32 v3, $0.0e+00;
	v1 =	vadd.f32 v1, v6  }
0x4c: {  	[tilespmem:s23+$0x6040] =	vst v3;
	v2 =	vmax.f32 v2, $0.0e+00;
	v0 =	vadd.f32 v0, v63  }
0x4d: {  	s21 =	sadd.s32 $0x1, s21;
	[tilespmem:s23+$0x6050] =	vst v2;
	v1 =	vmax.f32 v1, $0.0e+00  }
0x4e: {  	p0 =	sne.s32 s21, $0x20;
	[tilespmem:s23+$0x6060] =	vst v1;
	v0 =	vmax.f32 v0, $0.0e+00  }
.Ltmp1:
0x4f: {  	s22 =	sadd.s32 $0x1000, s22;
	[tilespmem:s23+$0x6070] =	vst v0;
	(pc) =	sbr.rel @p0 .LBB2_2-.Ltmp1, $4  }
0x50: {  	[spmem:s1] =	stream.indirect.scatter.add.f32 [tilespmem:s17], [sflag:$0x3], $0x80, s22, s16, $0xb8;
	[tilespmem:$0x1A000] =	vst v63  }
0x51: {  	_ =	swait.ge [sflag:s11], $0x4000  }
0x52: {  	[sflag:s11] =	ssyncset.done $0x0  }
0x53: {  	[sflag:s11] =	ssyncadd.s32 $0xFFFFC000  }
0x54: {  	s20 =	sadd.s32 $0x1, s20  }
0x55: {  	p0 =	sne.s32 s20, s10  }
.Ltmp2:
0x56: {  	[bflag:$0x0] =	sbarrier.arrive $0xFFFF;
	(pc) =	sbr.rel @p0 .LBB2_1-.Ltmp2, $4  }
0x57: {  	[hbm:s9], [sflag:s13] =	dma.local [spmem:s14], $0x2000  }
0x58: {  	_ =	swait.ge [sflag:s11], $0x2000  }
0x59: {  	[sflag:s11] =	ssyncset.done $0x0  }
0x5a: {  	[sflag:s11] =	ssyncadd.s32 $0xFFFFE000  }
0x5b: {  	_ =	sfence.sel $0x180000  }
0x5c: {  	[bflag:$0x0] =	sbarrier.arrive $0xFFFF  }
0x5d: {  	p0 =	sne.s32 s2, $0x0;
	_ =	strace $0x90000053  }
0x5e: {  	s0 =	sadd.s32 @!p0 $0x100000, s0;
	[bflag:$0x2] =	sbarrier.arrive $0xFFFF  }
0x5f: {  	[sflag:s0] =	ssyncadd.tile.s32 @!p0 $0x1;
	_ =	shalt  }
.Lfunc_end2:
_tile_overlayer_lowered:
.L_overlay_start_2:
0x60: {  	(tag) =	ssettag $0x2  }
0x61: {  	s0 =	rddreg [dreg:$0x0];
	s2 =	stileid.u32  }
0x62: {  	s1 =	rddreg [dreg:$0x1];
	p0 =	sne.s32 s2, $0x0  }
0x63: {  	s3 =	rddreg [dreg:$0x2];
	[bflag:$0x3] =	sbarrier.arrive $0xFFFF;
	s2 =	simm.s32 @!p0 $0x1C03  }
0x64: {  	[timem:s3], [sflag:s2] =	dma.local @!p0 [hbm:s0], s1  }
0x65: {  	s0 =	simm.s32 @!p0 $0x3  }
0x66: {  	_ =	swait.ge @!p0 [sflag:s0], s1  }
0x67: {  	s1 =	ssub.s32 @!p0 $0x0, s1;
	[sflag:s0] =	ssyncset.done @!p0 $0x0  }
0x68: {  	[sflag:s0] =	ssyncadd.s32 @!p0 s1  }
0x69: {  	[bflag:$0x3] =	sbarrier.arrive $0xFFFF  }
0x6a: {  	_ =	shalt  }

</sc_bundles>
